<compile_context>
chip_gen: v7x
topology: tpu7x:2x2x1
jax: 0.10.2.dev20260603
libtpu: 0.0.44.dev20260713+nightly
codegen_flags: <defaults>
</compile_context>

<pallas_src>
import dataclasses
import functools

import jax
import jax.numpy as jnp
from jax import lax
from jax.experimental import pallas as pl
from jax.experimental.pallas import tpu as pltpu
from jax.experimental.pallas import tpu_sc as plsc

D = 128
C = 128
NC, NS = 2, 16
NW = NC * NS
BN = 1024


def _prep_body(f_ref, w_ref, as_ref, ad_ref, x_ref, asrc_ref, adst_ref):
    x = jnp.dot(f_ref[...], w_ref[...], precision=lax.Precision.HIGHEST,
                preferred_element_type=jnp.float32)
    x_ref[...] = x
    asrc_ref[...] = jnp.sum(x * as_ref[...], axis=1, keepdims=True)
    adst_ref[...] = jnp.sum(x * ad_ref[...], axis=1, keepdims=True)


def _tc_prep(feature_p, W, att_src, att_dst, n_pad):
    return pl.pallas_call(
        _prep_body,
        grid=(n_pad // BN,),
        in_specs=[
            pl.BlockSpec((BN, D), lambda i: (i, 0)),
            pl.BlockSpec((D, D), lambda i: (0, 0)),
            pl.BlockSpec((1, D), lambda i: (0, 0)),
            pl.BlockSpec((1, D), lambda i: (0, 0)),
        ],
        out_specs=[
            pl.BlockSpec((BN, D), lambda i: (i, 0)),
            pl.BlockSpec((BN, 1), lambda i: (i, 0)),
            pl.BlockSpec((BN, 1), lambda i: (i, 0)),
        ],
        out_shape=[
            jax.ShapeDtypeStruct((n_pad, D), jnp.float32),
            jax.ShapeDtypeStruct((n_pad, 1), jnp.float32),
            jax.ShapeDtypeStruct((n_pad, 1), jnp.float32),
        ],
    )(feature_p, W, att_src, att_dst)




def _sc_compiler_params():
    cp = pltpu.CompilerParams()
    if "needs_layout_passes" in pltpu.CompilerParams.__dataclass_fields__:
        cp = dataclasses.replace(cp, needs_layout_passes=False)
    return cp


def _sc_weights_kernel(n_pad, nchunk):
    mesh = plsc.VectorSubcoreMesh(core_axis_name="c", subcore_axis_name="s")

    @functools.partial(
        pl.kernel,
        mesh=mesh,
        compiler_params=_sc_compiler_params(),
        out_type=jax.ShapeDtypeStruct((NW, nchunk, C), jnp.float32),
        scratch_types=[
            pltpu.VMEM((n_pad,), jnp.float32),
            pltpu.VMEM((n_pad,), jnp.float32),
            pltpu.VMEM((nchunk, C), jnp.int32),
            pltpu.VMEM((nchunk, C), jnp.int32),
            pltpu.VMEM((nchunk, C), jnp.float32),
        ],
    )
    def sc_weights(asrc_hbm, adst_hbm, src_hbm, dst_hbm, w_hbm,
                   asrc_v, adst_v, sidx_v, didx_v, w_all_v):
        c = lax.axis_index("c")
        s = lax.axis_index("s")
        wid = c * NS + s
        pltpu.sync_copy(src_hbm.at[wid], sidx_v)
        pltpu.sync_copy(dst_hbm.at[wid], didx_v)
        pltpu.sync_copy(asrc_hbm, asrc_v)
        pltpu.sync_copy(adst_hbm, adst_v)

        @pl.loop(0, nchunk)
        def _(i):
            @pl.loop(0, C, step=16)
            def _(j):
                s16 = sidx_v[i, pl.ds(j, 16)]
                d16 = didx_v[i, pl.ds(j, 16)]
                al = (plsc.load_gather(asrc_v, [s16])
                      + plsc.load_gather(adst_v, [d16]))
                al = jnp.where(al >= 0.0, al, al * 0.2)
                w_all_v[i, pl.ds(j, 16)] = jnp.exp(al)

        pltpu.sync_copy(w_all_v, w_hbm.at[wid])

    return sc_weights


def _sc_scatter_kernel(n_pad, nchunk):
    stripe = n_pad // NS
    mesh = plsc.VectorSubcoreMesh(core_axis_name="c", subcore_axis_name="s")

    @functools.partial(
        pl.kernel,
        mesh=mesh,
        compiler_params=_sc_compiler_params(),
        out_type=[
            jax.ShapeDtypeStruct((NC, n_pad, D), jnp.float32),
            jax.ShapeDtypeStruct((NW, n_pad), jnp.float32),
        ],
        scratch_types=[
            pltpu.VMEM((C,), jnp.int32),
            pltpu.VMEM((C,), jnp.float32),
            pltpu.VMEM((C,), jnp.int32),
            pltpu.VMEM((C, D), jnp.float32),
            pltpu.VMEM((n_pad,), jnp.float32),
            pltpu.VMEM_SHARED((n_pad, D), jnp.float32),
            pltpu.SemaphoreType.DMA,
        ],
    )
    def sc_scatter(x_hbm, src_hbm, dst_hbm, w_hbm,
                   acc_hbm, den_hbm,
                   didx_c, w_c, sidx_c, rows_v, den_v,
                   acc_sh, sem):
        c = lax.axis_index("c")
        s = lax.axis_index("s")
        wid = c * NS + s
        zero16 = jnp.zeros((16,), jnp.float32)
        iota16 = lax.iota(jnp.int32, 16)

        @pl.loop(0, C)
        def _(r):
            for k in range(D // 16):
                rows_v[r, pl.ds(k * 16, 16)] = zero16

        @pl.loop(0, n_pad, step=16)
        def _(i):
            den_v[pl.ds(i, 16)] = zero16

        for b in range(stripe // C):
            for j in range(C // 16):
                sidx_c[pl.ds(j * 16, 16)] = (
                    s * stripe + b * C + j * 16 + iota16)
            pltpu.sync_copy(rows_v, acc_sh.at[sidx_c])
        plsc.subcore_barrier()

        @pl.loop(0, nchunk)
        def _(i):
            pltpu.sync_copy(src_hbm.at[wid, i], sidx_c)
            gat = pltpu.async_copy(x_hbm.at[sidx_c], rows_v, sem)
            pltpu.sync_copy(dst_hbm.at[wid, i], didx_c)
            pltpu.sync_copy(w_hbm.at[wid, i], w_c)

            @pl.loop(0, C, step=16)
            def _(j):
                plsc.addupdate_scatter(den_v, [didx_c[pl.ds(j, 16)]],
                                       w_c[pl.ds(j, 16)])
            gat.wait()

            @pl.loop(0, C, step=4)
            def _(r0):
                for drr in range(4):
                    r = r0 + drr
                    bc = plsc.load_gather(w_c, [jnp.zeros((16,), jnp.int32) + r])
                    for k in range(D // 16):
                        rows_v[r, pl.ds(k * 16, 16)] = (
                            rows_v[r, pl.ds(k * 16, 16)] * bc)

            pltpu.sync_copy(rows_v, acc_sh.at[didx_c], add=True)

        plsc.subcore_barrier()

        for b in range(stripe // C):
            for j in range(C // 16):
                sidx_c[pl.ds(j * 16, 16)] = (
                    s * stripe + b * C + j * 16 + iota16)
            pltpu.sync_copy(acc_sh.at[sidx_c], rows_v)
            pltpu.sync_copy(rows_v,
                            acc_hbm.at[c, pl.ds(s * stripe + b * C, C)])
        pltpu.sync_copy(den_v, den_hbm.at[wid])

    return sc_scatter


def _fin_body(acc_ref, den_ref, x_ref, asrc_ref, adst_ref, b_ref, out_ref):
    num = acc_ref[0] + acc_ref[1]
    dtot = lax.dot_general(den_ref[...], jnp.ones((NW, 1), jnp.float32),
                           dimension_numbers=(((0,), (0,)), ((), ())),
                           precision=lax.Precision.HIGHEST,
                           preferred_element_type=jnp.float32)
    a = asrc_ref[...] + adst_ref[...]
    a = jnp.where(a >= 0.0, a, a * 0.2)
    ws = jnp.exp(a)
    num = num + ws * x_ref[...]
    out_ref[...] = num / (dtot + ws + 1e-16) + b_ref[...]


def _tc_finalize(acc, den, x, asrc, adst, bias2d, n_pad):
    return pl.pallas_call(
        _fin_body,
        grid=(n_pad // BN,),
        in_specs=[
            pl.BlockSpec((NC, BN, D), lambda i: (0, i, 0)),
            pl.BlockSpec((NW, BN), lambda i: (0, i)),
            pl.BlockSpec((BN, D), lambda i: (i, 0)),
            pl.BlockSpec((BN, 1), lambda i: (i, 0)),
            pl.BlockSpec((BN, 1), lambda i: (i, 0)),
            pl.BlockSpec((1, D), lambda i: (0, 0)),
        ],
        out_specs=pl.BlockSpec((BN, D), lambda i: (i, 0)),
        out_shape=jax.ShapeDtypeStruct((n_pad, D), jnp.float32),
    )(acc, den, x, asrc, adst, bias2d)


def kernel(feature, edge_index, W, att_src, att_dst, bias):
    N, d_in = feature.shape
    E = edge_index.shape[1]

    n_pad = ((N + 2047) // 2048) * 2048
    if n_pad == N:
        n_pad += 2048
    e_pad = ((E + NW * C - 1) // (NW * C)) * (NW * C)
    nchunk = e_pad // (NW * C)

    feature_p = jnp.concatenate(
        [feature, jnp.zeros((n_pad - N, d_in), jnp.float32)])
    src = jnp.concatenate([edge_index[0].astype(jnp.int32),
                           jnp.zeros((e_pad - E,), jnp.int32)])
    dst = jnp.concatenate([edge_index[1].astype(jnp.int32),
                           jnp.full((e_pad - E,), N, jnp.int32)])
    src = src.reshape(NW, nchunk, C)
    dst = dst.reshape(NW, nchunk, C)

    x, asrc, adst = _tc_prep(feature_p, W, att_src, att_dst, n_pad)

    w_edges = _sc_weights_kernel(n_pad, nchunk)(
        asrc.reshape(n_pad), adst.reshape(n_pad), src, dst)
    acc, den = _sc_scatter_kernel(n_pad, nchunk)(x, src, dst, w_edges)

    out = _tc_finalize(acc, den, x, asrc, adst, bias.reshape(1, D), n_pad)
    return out[:N]

# --- scband reference (transcript-rebuilt; emitter-appended) ---
"""Pipeline reference for scband-super-conv-e-51015621542228 (READ-ONLY COPY).

The authoritative reference and input builder live on the scoring server;
editing this copy changes nothing except your own understanding.
"""

import jax, jax.numpy as jnp
import numpy as np

N_NODES = 10000
N_EDGES = 320000
D_IN = 128
D_OUT = 128
HEADS = 1


def setup_inputs(seed: int = 0) -> dict:
    key = jax.random.key(seed)
    k1, k2, k3, k4, k5 = jax.random.split(key, 5)
    feature = jax.random.normal(k1, (N_NODES, D_IN), dtype=jnp.float32)
    edge_index = jax.random.randint(k2, (2, N_EDGES), 0, N_NODES, dtype=jnp.int64)
    # GATConv parameters (lin weight shared for src/dst, attention vectors, bias)
    W = jax.random.normal(k3, (D_IN, HEADS * D_OUT), dtype=jnp.float32) * (1.0 / np.sqrt(D_IN))
    att_src = jax.random.normal(k4, (HEADS, D_OUT), dtype=jnp.float32) * 0.1
    att_dst = jax.random.normal(k5, (HEADS, D_OUT), dtype=jnp.float32) * 0.1
    bias = jnp.zeros((D_OUT,), dtype=jnp.float32)
    return {"feature": feature, "edge_index": edge_index, "W": W, "att_src": att_src, "att_dst": att_dst, "bias": bias}


def reference(feature, edge_index, W, att_src, att_dst, bias):
    # Faithful PyG GATConv (heads=1, concat=False, dropout=0, add_self_loops=True, negative_slope=0.2)
    N = feature.shape[0]
    H, C = att_src.shape
    x = (feature @ W).reshape(N, H, C)
    # add self loops (PyG default)
    loop = jnp.arange(N, dtype=edge_index.dtype)
    ei = jnp.concatenate([edge_index, jnp.stack([loop, loop])], axis=1)
    src, dst = ei[0], ei[1]
    a_src = (x * att_src[None, :, :]).sum(-1)  # [N, H]
    a_dst = (x * att_dst[None, :, :]).sum(-1)  # [N, H]
    alpha = a_src[src] + a_dst[dst]            # [E, H]
    alpha = jax.nn.leaky_relu(alpha, negative_slope=0.2)
    # segment softmax over destination nodes
    amax = jax.ops.segment_max(alpha, dst, num_segments=N)
    amax = jnp.where(jnp.isfinite(amax), amax, 0.0)
    alpha = jnp.exp(alpha - amax[dst])
    denom = jax.ops.segment_sum(alpha, dst, num_segments=N)
    alpha = alpha / (denom[dst] + 1e-16)
    msg = x[src] * alpha[:, :, None]           # [E, H, C]
    out = jax.ops.segment_sum(msg, dst, num_segments=N)  # [N, H, C]
    out = out.mean(axis=1)                      # concat=False -> mean over heads
    return out + bias

if __name__ == "__main__":
    import jax
    _d = setup_inputs()
    print(jax.jit(kernel)(*tuple(_d.values())))

</pallas_src>

<mosaic_0001>
#map = affine_map<(d0, d1) -> (0)>
#map1 = affine_map<(d0, d1) -> (0, 0, 0)>
module attributes {stable_mosaic.version = 14 : i64} {
  func.func @sc_weights(%arg0: i32, %arg1: i32, %arg2: memref<10240xf32, #tpu.memory_space<hbm>>, %arg3: memref<10240xf32, #tpu.memory_space<hbm>>, %arg4: memref<32x79x128xi32, #tpu.memory_space<hbm>>, %arg5: memref<32x79x128xi32, #tpu.memory_space<hbm>>, %arg6: memref<32x79x128xf32, #tpu.memory_space<hbm>>, %arg7: memref<10240xf32, #tpu.memory_space<vmem>>, %arg8: memref<10240xf32, #tpu.memory_space<vmem>>, %arg9: memref<79x128xi32, #tpu.memory_space<vmem>>, %arg10: memref<79x128xi32, #tpu.memory_space<vmem>>, %arg11: memref<79x128xf32, #tpu.memory_space<vmem>>) attributes {dimension_semantics = [#tpu.dimension_semantics<core_parallel>, #tpu.dimension_semantics<subcore_parallel>], iteration_bounds = array<i64: 2, 16>, scalar_prefetch = 0 : i64, scratch_operands = 5 : i64, tpu.core_type = #tpu.core_type<sc_vector_subcore>, window_params = [{transform_indices = #map}, {transform_indices = #map}, {transform_indices = #map1}, {transform_indices = #map1}, {transform_indices = #map1}]} {
    %mul3A = arith.constant 16 : i32
    %mul3A_0 = arith.muli %arg0, %mul3A : i32
    %add3A = arith.addi %mul3A_0, %arg1 : i32
    "tpu.region"() ({
      %run_scoped3A = tpu.sem_alloc : memref<!tpu.dma_semaphore, #tpu.memory_space<semaphore_mem>>
      %dma_start3A = arith.constant 0 : i32
      %dma_start3A_5 = arith.constant 0 : i32
      %dma_start3A_6 = tpu.memref_slice %arg4[%add3A, %dma_start3A, %dma_start3A_5] : memref<32x79x128xi32, #tpu.memory_space<hbm>> -> memref<1x79x128xi32, #tpu.memory_space<hbm>>
      %dma_start3A_7 = tpu.memref_squeeze %dma_start3A_6 : memref<1x79x128xi32, #tpu.memory_space<hbm>> -> memref<79x128xi32, #tpu.memory_space<hbm>>
      %dma_start3A_8 = arith.constant 0 : i32
      %dma_start3A_9 = arith.constant 0 : i32
      %dma_start3A_10 = tpu.memref_slice %arg4[%add3A, %dma_start3A_8, %dma_start3A_9] : memref<32x79x128xi32, #tpu.memory_space<hbm>> -> memref<1x79x128xi32, #tpu.memory_space<hbm>>
      %dma_start3A_11 = tpu.memref_squeeze %dma_start3A_10 : memref<1x79x128xi32, #tpu.memory_space<hbm>> -> memref<79x128xi32, #tpu.memory_space<hbm>>
      tpu.enqueue_dma source(%dma_start3A_11 : memref<79x128xi32, #tpu.memory_space<hbm>>) target(%arg9 : memref<79x128xi32, #tpu.memory_space<vmem>>) target_semaphore(%run_scoped3A : memref<!tpu.dma_semaphore, #tpu.memory_space<semaphore_mem>>)
      %dma_wait3A = arith.constant 0 : i32
      %dma_wait3A_12 = arith.constant 0 : i32
      %dma_wait3A_13 = tpu.memref_slice %arg4[%add3A, %dma_wait3A, %dma_wait3A_12] : memref<32x79x128xi32, #tpu.memory_space<hbm>> -> memref<1x79x128xi32, #tpu.memory_space<hbm>>
      %dma_wait3A_14 = tpu.memref_squeeze %dma_wait3A_13 : memref<1x79x128xi32, #tpu.memory_space<hbm>> -> memref<79x128xi32, #tpu.memory_space<hbm>>
      %dma_wait3A_15 = arith.constant 0 : i32
      %dma_wait3A_16 = arith.constant 0 : i32
      %dma_wait3A_17 = tpu.memref_slice %arg4[%add3A, %dma_wait3A_15, %dma_wait3A_16] : memref<32x79x128xi32, #tpu.memory_space<hbm>> -> memref<1x79x128xi32, #tpu.memory_space<hbm>>
      %dma_wait3A_18 = tpu.memref_squeeze %dma_wait3A_17 : memref<1x79x128xi32, #tpu.memory_space<hbm>> -> memref<79x128xi32, #tpu.memory_space<hbm>>
      tpu.wait_dma2 semaphore(%run_scoped3A : memref<!tpu.dma_semaphore, #tpu.memory_space<semaphore_mem>>) src(%dma_wait3A_18 : memref<79x128xi32, #tpu.memory_space<hbm>>) dst(%arg9 : memref<79x128xi32, #tpu.memory_space<vmem>>)
      tpu.yield
    }) : () -> ()
    "tpu.region"() ({
      %run_scoped3A = tpu.sem_alloc : memref<!tpu.dma_semaphore, #tpu.memory_space<semaphore_mem>>
      %dma_start3A = arith.constant 0 : i32
      %dma_start3A_5 = arith.constant 0 : i32
      %dma_start3A_6 = tpu.memref_slice %arg5[%add3A, %dma_start3A, %dma_start3A_5] : memref<32x79x128xi32, #tpu.memory_space<hbm>> -> memref<1x79x128xi32, #tpu.memory_space<hbm>>
      %dma_start3A_7 = tpu.memref_squeeze %dma_start3A_6 : memref<1x79x128xi32, #tpu.memory_space<hbm>> -> memref<79x128xi32, #tpu.memory_space<hbm>>
      %dma_start3A_8 = arith.constant 0 : i32
      %dma_start3A_9 = arith.constant 0 : i32
      %dma_start3A_10 = tpu.memref_slice %arg5[%add3A, %dma_start3A_8, %dma_start3A_9] : memref<32x79x128xi32, #tpu.memory_space<hbm>> -> memref<1x79x128xi32, #tpu.memory_space<hbm>>
      %dma_start3A_11 = tpu.memref_squeeze %dma_start3A_10 : memref<1x79x128xi32, #tpu.memory_space<hbm>> -> memref<79x128xi32, #tpu.memory_space<hbm>>
      tpu.enqueue_dma source(%dma_start3A_11 : memref<79x128xi32, #tpu.memory_space<hbm>>) target(%arg10 : memref<79x128xi32, #tpu.memory_space<vmem>>) target_semaphore(%run_scoped3A : memref<!tpu.dma_semaphore, #tpu.memory_space<semaphore_mem>>)
      %dma_wait3A = arith.constant 0 : i32
      %dma_wait3A_12 = arith.constant 0 : i32
      %dma_wait3A_13 = tpu.memref_slice %arg5[%add3A, %dma_wait3A, %dma_wait3A_12] : memref<32x79x128xi32, #tpu.memory_space<hbm>> -> memref<1x79x128xi32, #tpu.memory_space<hbm>>
      %dma_wait3A_14 = tpu.memref_squeeze %dma_wait3A_13 : memref<1x79x128xi32, #tpu.memory_space<hbm>> -> memref<79x128xi32, #tpu.memory_space<hbm>>
      %dma_wait3A_15 = arith.constant 0 : i32
      %dma_wait3A_16 = arith.constant 0 : i32
      %dma_wait3A_17 = tpu.memref_slice %arg5[%add3A, %dma_wait3A_15, %dma_wait3A_16] : memref<32x79x128xi32, #tpu.memory_space<hbm>> -> memref<1x79x128xi32, #tpu.memory_space<hbm>>
      %dma_wait3A_18 = tpu.memref_squeeze %dma_wait3A_17 : memref<1x79x128xi32, #tpu.memory_space<hbm>> -> memref<79x128xi32, #tpu.memory_space<hbm>>
      tpu.wait_dma2 semaphore(%run_scoped3A : memref<!tpu.dma_semaphore, #tpu.memory_space<semaphore_mem>>) src(%dma_wait3A_18 : memref<79x128xi32, #tpu.memory_space<hbm>>) dst(%arg10 : memref<79x128xi32, #tpu.memory_space<vmem>>)
      tpu.yield
    }) : () -> ()
    "tpu.region"() ({
      %run_scoped3A = tpu.sem_alloc : memref<!tpu.dma_semaphore, #tpu.memory_space<semaphore_mem>>
      tpu.enqueue_dma source(%arg2 : memref<10240xf32, #tpu.memory_space<hbm>>) target(%arg7 : memref<10240xf32, #tpu.memory_space<vmem>>) target_semaphore(%run_scoped3A : memref<!tpu.dma_semaphore, #tpu.memory_space<semaphore_mem>>)
      tpu.wait_dma2 semaphore(%run_scoped3A : memref<!tpu.dma_semaphore, #tpu.memory_space<semaphore_mem>>) src(%arg2 : memref<10240xf32, #tpu.memory_space<hbm>>) dst(%arg7 : memref<10240xf32, #tpu.memory_space<vmem>>)
      tpu.yield
    }) : () -> ()
    "tpu.region"() ({
      %run_scoped3A = tpu.sem_alloc : memref<!tpu.dma_semaphore, #tpu.memory_space<semaphore_mem>>
      tpu.enqueue_dma source(%arg3 : memref<10240xf32, #tpu.memory_space<hbm>>) target(%arg8 : memref<10240xf32, #tpu.memory_space<vmem>>) target_semaphore(%run_scoped3A : memref<!tpu.dma_semaphore, #tpu.memory_space<semaphore_mem>>)
      tpu.wait_dma2 semaphore(%run_scoped3A : memref<!tpu.dma_semaphore, #tpu.memory_space<semaphore_mem>>) src(%arg3 : memref<10240xf32, #tpu.memory_space<hbm>>) dst(%arg8 : memref<10240xf32, #tpu.memory_space<vmem>>)
      tpu.yield
    }) : () -> ()
    %scan3A = arith.constant 0 : i32
    %scan3A_1 = arith.constant 79 : i32
    %scan3A_2 = arith.addi %scan3A, %scan3A_1 : i32
    %scan3A_3 = arith.constant 1 : i32
    scf.for %scan3A_5 = %scan3A to %scan3A_2 step %scan3A_3  : i32 {
      %mul3A_6 = arith.constant 1 : i32
      %mul3A_7 = arith.muli %scan3A_5, %mul3A_6 : i32
      %add3A_8 = arith.constant 0 : i32
      %add3A_9 = arith.addi %add3A_8, %mul3A_7 : i32
      %scan3A_10 = arith.constant 0 : i32
      %scan3A_11 = arith.constant 8 : i32
      %scan3A_12 = arith.addi %scan3A_10, %scan3A_11 : i32
      %scan3A_13 = arith.constant 1 : i32
      scf.for %scan3A_15 = %scan3A_10 to %scan3A_12 step %scan3A_13  : i32 {
        %mul3A_16 = arith.constant 16 : i32
        %mul3A_17 = arith.muli %scan3A_15, %mul3A_16 : i32
        %add3A_18 = arith.constant 0 : i32
        %add3A_19 = arith.addi %add3A_18, %mul3A_17 : i32
        %get3A = arith.index_cast %add3A_9 : i32 to index
        %get3A_20 = arith.index_cast %add3A_19 : i32 to index
        %get3A_21 = tpu.vector_load %arg9[%get3A, %get3A_20] {strides = array<i32>} : memref<79x128xi32, #tpu.memory_space<vmem>>, vector<16xi32>,
        %get3A_22 = arith.index_cast %add3A_9 : i32 to index
        %get3A_23 = arith.index_cast %add3A_19 : i32 to index
        %get3A_24 = tpu.vector_load %arg10[%get3A_22, %get3A_23] {strides = array<i32>} : memref<79x128xi32, #tpu.memory_space<vmem>>, vector<16xi32>,
        %gather3A = tpu.vector_load_idx %arg7[%get3A_21] : memref<10240xf32, #tpu.memory_space<vmem>>[vector<16xi32>], vector<16xf32>,
        %gather3A_25 = tpu.vector_load_idx %arg8[%get3A_24] : memref<10240xf32, #tpu.memory_space<vmem>>[vector<16xi32>], vector<16xf32>,
        %add3A_26 = arith.addf %gather3A, %gather3A_25 : vector<16xf32>
        %ge3A = arith.constant 0.000000e+00 : f32
        %ge3A_27 = vector.broadcast %ge3A : f32 to vector<16xf32>
        %ge3A_28 = arith.cmpf oge, %add3A_26, %ge3A_27 : vector<16xf32>
        %mul3A_29 = arith.constant 2.000000e-01 : f32
        %mul3A_30 = vector.broadcast %mul3A_29 : f32 to vector<16xf32>
        %mul3A_31 = arith.mulf %add3A_26, %mul3A_30 : vector<16xf32>
        %select_n3A = arith.select %ge3A_28, %add3A_26, %mul3A_31 : vector<16xi1>, vector<16xf32>
        %exp3A = math.exp %select_n3A : vector<16xf32>
        %swap3A = arith.index_cast %add3A_9 : i32 to index
        %swap3A_32 = arith.index_cast %add3A_19 : i32 to index
        %swap3A_33 = tpu.vector_load %arg11[%swap3A, %swap3A_32] {strides = array<i32>} : memref<79x128xf32, #tpu.memory_space<vmem>>, vector<16xf32>,
        tpu.vector_store %arg11[%swap3A, %swap3A_32], %exp3A {strides = array<i32>} : memref<79x128xf32, #tpu.memory_space<vmem>>, vector<16xf32>,
      }
      %scan3A_14 = arith.constant 8 : i32
    }
    %scan3A_4 = arith.constant 79 : i32
    "tpu.region"() ({
      %run_scoped3A = tpu.sem_alloc : memref<!tpu.dma_semaphore, #tpu.memory_space<semaphore_mem>>
      %dma_start3A = arith.constant 0 : i32
      %dma_start3A_5 = arith.constant 0 : i32
      %dma_start3A_6 = tpu.memref_slice %arg6[%add3A, %dma_start3A, %dma_start3A_5] : memref<32x79x128xf32, #tpu.memory_space<hbm>> -> memref<1x79x128xf32, #tpu.memory_space<hbm>>
      %dma_start3A_7 = tpu.memref_squeeze %dma_start3A_6 : memref<1x79x128xf32, #tpu.memory_space<hbm>> -> memref<79x128xf32, #tpu.memory_space<hbm>>
      %dma_start3A_8 = arith.constant 0 : i32
      %dma_start3A_9 = arith.constant 0 : i32
      %dma_start3A_10 = tpu.memref_slice %arg6[%add3A, %dma_start3A_8, %dma_start3A_9] : memref<32x79x128xf32, #tpu.memory_space<hbm>> -> memref<1x79x128xf32, #tpu.memory_space<hbm>>
      %dma_start3A_11 = tpu.memref_squeeze %dma_start3A_10 : memref<1x79x128xf32, #tpu.memory_space<hbm>> -> memref<79x128xf32, #tpu.memory_space<hbm>>
      tpu.enqueue_dma source(%arg11 : memref<79x128xf32, #tpu.memory_space<vmem>>) target(%dma_start3A_11 : memref<79x128xf32, #tpu.memory_space<hbm>>) target_semaphore(%run_scoped3A : memref<!tpu.dma_semaphore, #tpu.memory_space<semaphore_mem>>)
      %dma_wait3A = arith.constant 0 : i32
      %dma_wait3A_12 = arith.constant 0 : i32
      %dma_wait3A_13 = tpu.memref_slice %arg6[%add3A, %dma_wait3A, %dma_wait3A_12] : memref<32x79x128xf32, #tpu.memory_space<hbm>> -> memref<1x79x128xf32, #tpu.memory_space<hbm>>
      %dma_wait3A_14 = tpu.memref_squeeze %dma_wait3A_13 : memref<1x79x128xf32, #tpu.memory_space<hbm>> -> memref<79x128xf32, #tpu.memory_space<hbm>>
      %dma_wait3A_15 = arith.constant 0 : i32
      %dma_wait3A_16 = arith.constant 0 : i32
      %dma_wait3A_17 = tpu.memref_slice %arg6[%add3A, %dma_wait3A_15, %dma_wait3A_16] : memref<32x79x128xf32, #tpu.memory_space<hbm>> -> memref<1x79x128xf32, #tpu.memory_space<hbm>>
      %dma_wait3A_18 = tpu.memref_squeeze %dma_wait3A_17 : memref<1x79x128xf32, #tpu.memory_space<hbm>> -> memref<79x128xf32, #tpu.memory_space<hbm>>
      tpu.wait_dma2 semaphore(%run_scoped3A : memref<!tpu.dma_semaphore, #tpu.memory_space<semaphore_mem>>) src(%arg11 : memref<79x128xf32, #tpu.memory_space<vmem>>) dst(%dma_wait3A_18 : memref<79x128xf32, #tpu.memory_space<hbm>>)
      tpu.yield
    }) : () -> ()
    return
  }
}

#map = affine_map<(d0, d1) -> (0, 0)>
#map1 = affine_map<(d0, d1) -> (0, 0, 0)>
module attributes {stable_mosaic.version = 14 : i64} {
  func.func @sc_scatter(%arg0: i32, %arg1: i32, %arg2: memref<10240x128xf32, #tpu.memory_space<hbm>>, %arg3: memref<32x79x128xi32, #tpu.memory_space<hbm>>, %arg4: memref<32x79x128xi32, #tpu.memory_space<hbm>>, %arg5: memref<32x79x128xf32, #tpu.memory_space<hbm>>, %arg6: memref<2x10240x128xf32, #tpu.memory_space<hbm>>, %arg7: memref<32x10240xf32, #tpu.memory_space<hbm>>, %arg8: memref<128xi32, #tpu.memory_space<vmem>>, %arg9: memref<128xf32, #tpu.memory_space<vmem>>, %arg10: memref<128xi32, #tpu.memory_space<vmem>>, %arg11: memref<128x128xf32, #tpu.memory_space<vmem>>, %arg12: memref<10240xf32, #tpu.memory_space<vmem>>, %arg13: memref<10240x128xf32, #tpu.memory_space<vmem_shared>>, %arg14: memref<!tpu.dma_semaphore, #tpu.memory_space<semaphore_mem>>) attributes {dimension_semantics = [#tpu.dimension_semantics<core_parallel>, #tpu.dimension_semantics<subcore_parallel>], iteration_bounds = array<i64: 2, 16>, scalar_prefetch = 0 : i64, scratch_operands = 7 : i64, tpu.core_type = #tpu.core_type<sc_vector_subcore>, window_params = [{transform_indices = #map}, {transform_indices = #map1}, {transform_indices = #map1}, {transform_indices = #map1}, {transform_indices = #map1}, {transform_indices = #map}]} {
    %mul3A = arith.constant 16 : i32
    %mul3A_0 = arith.muli %arg0, %mul3A : i32
    %add3A = arith.addi %mul3A_0, %arg1 : i32
    %broadcast_in_dim3A = arith.constant 0.000000e+00 : f32
    %broadcast_in_dim3A_1 = vector.broadcast %broadcast_in_dim3A : f32 to vector<16xf32>
    %iota3A = tpu.iota {dimensions = array<i32: 0>} : vector<16xi32>
    %scan3A = arith.constant 0 : i32
    %scan3A_2 = arith.constant 128 : i32
    %scan3A_3 = arith.addi %scan3A, %scan3A_2 : i32
    %scan3A_4 = arith.constant 1 : i32
    scf.for %scan3A_836 = %scan3A to %scan3A_3 step %scan3A_4  : i32 {
      %mul3A_837 = arith.constant 1 : i32
      %mul3A_838 = arith.muli %scan3A_836, %mul3A_837 : i32
      %add3A_839 = arith.constant 0 : i32
      %add3A_840 = arith.addi %add3A_839, %mul3A_838 : i32
      %swap3A_841 = arith.index_cast %add3A_840 : i32 to index
      %swap3A_842 = arith.constant 0 : index
      %swap3A_843 = tpu.vector_load %arg11[%swap3A_841, %swap3A_842] {strides = array<i32>} : memref<128x128xf32, #tpu.memory_space<vmem>>, vector<16xf32>,
      tpu.vector_store %arg11[%swap3A_841, %swap3A_842], %broadcast_in_dim3A_1 {strides = array<i32>} : memref<128x128xf32, #tpu.memory_space<vmem>>, vector<16xf32>,
      %swap3A_844 = arith.index_cast %add3A_840 : i32 to index
      %swap3A_845 = arith.constant 16 : index
      %swap3A_846 = tpu.vector_load %arg11[%swap3A_844, %swap3A_845] {strides = array<i32>} : memref<128x128xf32, #tpu.memory_space<vmem>>, vector<16xf32>,
      tpu.vector_store %arg11[%swap3A_844, %swap3A_845], %broadcast_in_dim3A_1 {strides = array<i32>} : memref<128x128xf32, #tpu.memory_space<vmem>>, vector<16xf32>,
      %swap3A_847 = arith.index_cast %add3A_840 : i32 to index
      %swap3A_848 = arith.constant 32 : index
      %swap3A_849 = tpu.vector_load %arg11[%swap3A_847, %swap3A_848] {strides = array<i32>} : memref<128x128xf32, #tpu.memory_space<vmem>>, vector<16xf32>,
      tpu.vector_store %arg11[%swap3A_847, %swap3A_848], %broadcast_in_dim3A_1 {strides = array<i32>} : memref<128x128xf32, #tpu.memory_space<vmem>>, vector<16xf32>,
      %swap3A_850 = arith.index_cast %add3A_840 : i32 to index
      %swap3A_851 = arith.constant 48 : index
      %swap3A_852 = tpu.vector_load %arg11[%swap3A_850, %swap3A_851] {strides = array<i32>} : memref<128x128xf32, #tpu.memory_space<vmem>>, vector<16xf32>,
      tpu.vector_store %arg11[%swap3A_850, %swap3A_851], %broadcast_in_dim3A_1 {strides = array<i32>} : memref<128x128xf32, #tpu.memory_space<vmem>>, vector<16xf32>,
      %swap3A_853 = arith.index_cast %add3A_840 : i32 to index
      %swap3A_854 = arith.constant 64 : index
      %swap3A_855 = tpu.vector_load %arg11[%swap3A_853, %swap3A_854] {strides = array<i32>} : memref<128x128xf32, #tpu.memory_space<vmem>>, vector<16xf32>,
      tpu.vector_store %arg11[%swap3A_853, %swap3A_854], %broadcast_in_dim3A_1 {strides = array<i32>} : memref<128x128xf32, #tpu.memory_space<vmem>>, vector<16xf32>,
      %swap3A_856 = arith.index_cast %add3A_840 : i32 to index
      %swap3A_857 = arith.constant 80 : index
      %swap3A_858 = tpu.vector_load %arg11[%swap3A_856, %swap3A_857] {strides = array<i32>} : memref<128x128xf32, #tpu.memory_space<vmem>>, vector<16xf32>,
      tpu.vector_store %arg11[%swap3A_856, %swap3A_857], %broadcast_in_dim3A_1 {strides = array<i32>} : memref<128x128xf32, #tpu.memory_space<vmem>>, vector<16xf32>,
      %swap3A_859 = arith.index_cast %add3A_840 : i32 to index
      %swap3A_860 = arith.constant 96 : index
      %swap3A_861 = tpu.vector_load %arg11[%swap3A_859, %swap3A_860] {strides = array<i32>} : memref<128x128xf32, #tpu.memory_space<vmem>>, vector<16xf32>,
      tpu.vector_store %arg11[%swap3A_859, %swap3A_860], %broadcast_in_dim3A_1 {strides = array<i32>} : memref<128x128xf32, #tpu.memory_space<vmem>>, vector<16xf32>,
      %swap3A_862 = arith.index_cast %add3A_840 : i32 to index
      %swap3A_863 = arith.constant 112 : index
      %swap3A_864 = tpu.vector_load %arg11[%swap3A_862, %swap3A_863] {strides = array<i32>} : memref<128x128xf32, #tpu.memory_space<vmem>>, vector<16xf32>,
      tpu.vector_store %arg11[%swap3A_862, %swap3A_863], %broadcast_in_dim3A_1 {strides = array<i32>} : memref<128x128xf32, #tpu.memory_space<vmem>>, vector<16xf32>,
    }
    %scan3A_5 = arith.constant 128 : i32
    %scan3A_6 = arith.constant 0 : i32
    %scan3A_7 = arith.constant 640 : i32
    %scan3A_8 = arith.addi %scan3A_6, %scan3A_7 : i32
    %scan3A_9 = arith.constant 1 : i32
    scf.for %scan3A_836 = %scan3A_6 to %scan3A_8 step %scan3A_9  : i32 {
      %mul3A_837 = arith.constant 16 : i32
      %mul3A_838 = arith.muli %scan3A_836, %mul3A_837 : i32
      %add3A_839 = arith.constant 0 : i32
      %add3A_840 = arith.addi %add3A_839, %mul3A_838 : i32
      %swap3A_841 = arith.index_cast %add3A_840 : i32 to index
      %swap3A_842 = tpu.vector_load %arg12[%swap3A_841] {strides = array<i32>} : memref<10240xf32, #tpu.memory_space<vmem>>, vector<16xf32>,
      tpu.vector_store %arg12[%swap3A_841], %broadcast_in_dim3A_1 {strides = array<i32>} : memref<10240xf32, #tpu.memory_space<vmem>>, vector<16xf32>,
    }
    %scan3A_10 = arith.constant 640 : i32
    %mul3A_11 = arith.constant 640 : i32
    %mul3A_12 = arith.muli %arg1, %mul3A_11 : i32
    %add3A_13 = arith.constant 0 : i32
    %add3A_14 = arith.addi %mul3A_12, %add3A_13 : i32
    %add3A_15 = arith.constant 0 : i32
    %add3A_16 = arith.addi %add3A_14, %add3A_15 : i32
    %add3A_17 = vector.broadcast %add3A_16 : i32 to vector<16xi32>
    %add3A_18 = arith.addi %add3A_17, %iota3A : vector<16xi32>
    %swap3A = arith.constant 0 : index
    %swap3A_19 = tpu.vector_load %arg10[%swap3A] {strides = array<i32>} : memref<128xi32, #tpu.memory_space<vmem>>, vector<16xi32>,
    tpu.vector_store %arg10[%swap3A], %add3A_18 {strides = array<i32>} : memref<128xi32, #tpu.memory_space<vmem>>, vector<16xi32>,
    %mul3A_20 = arith.constant 640 : i32
    %mul3A_21 = arith.muli %arg1, %mul3A_20 : i32
    %add3A_22 = arith.constant 0 : i32
    %add3A_23 = arith.addi %mul3A_21, %add3A_22 : i32
    %add3A_24 = arith.constant 16 : i32
    %add3A_25 = arith.addi %add3A_23, %add3A_24 : i32
    %add3A_26 = vector.broadcast %add3A_25 : i32 to vector<16xi32>
    %add3A_27 = arith.addi %add3A_26, %iota3A : vector<16xi32>
    %swap3A_28 = arith.constant 16 : index
    %swap3A_29 = tpu.vector_load %arg10[%swap3A_28] {strides = array<i32>} : memref<128xi32, #tpu.memory_space<vmem>>, vector<16xi32>,
    tpu.vector_store %arg10[%swap3A_28], %add3A_27 {strides = array<i32>} : memref<128xi32, #tpu.memory_space<vmem>>, vector<16xi32>,
    %mul3A_30 = arith.constant 640 : i32
    %mul3A_31 = arith.muli %arg1, %mul3A_30 : i32
    %add3A_32 = arith.constant 0 : i32
    %add3A_33 = arith.addi %mul3A_31, %add3A_32 : i32
    %add3A_34 = arith.constant 32 : i32
    %add3A_35 = arith.addi %add3A_33, %add3A_34 : i32
    %add3A_36 = vector.broadcast %add3A_35 : i32 to vector<16xi32>
    %add3A_37 = arith.addi %add3A_36, %iota3A : vector<16xi32>
    %swap3A_38 = arith.constant 32 : index
    %swap3A_39 = tpu.vector_load %arg10[%swap3A_38] {strides = array<i32>} : memref<128xi32, #tpu.memory_space<vmem>>, vector<16xi32>,
    tpu.vector_store %arg10[%swap3A_38], %add3A_37 {strides = array<i32>} : memref<128xi32, #tpu.memory_space<vmem>>, vector<16xi32>,
    %mul3A_40 = arith.constant 640 : i32
    %mul3A_41 = arith.muli %arg1, %mul3A_40 : i32
    %add3A_42 = arith.constant 0 : i32
    %add3A_43 = arith.addi %mul3A_41, %add3A_42 : i32
    %add3A_44 = arith.constant 48 : i32
    %add3A_45 = arith.addi %add3A_43, %add3A_44 : i32
    %add3A_46 = vector.broadcast %add3A_45 : i32 to vector<16xi32>
    %add3A_47 = arith.addi %add3A_46, %iota3A : vector<16xi32>
    %swap3A_48 = arith.constant 48 : index
    %swap3A_49 = tpu.vector_load %arg10[%swap3A_48] {strides = array<i32>} : memref<128xi32, #tpu.memory_space<vmem>>, vector<16xi32>,
    tpu.vector_store %arg10[%swap3A_48], %add3A_47 {strides = array<i32>} : memref<128xi32, #tpu.memory_space<vmem>>, vector<16xi32>,
    %mul3A_50 = arith.constant 640 : i32
    %mul3A_51 = arith.muli %arg1, %mul3A_50 : i32
    %add3A_52 = arith.constant 0 : i32
    %add3A_53 = arith.addi %mul3A_51, %add3A_52 : i32
    %add3A_54 = arith.constant 64 : i32
    %add3A_55 = arith.addi %add3A_53, %add3A_54 : i32
    %add3A_56 = vector.broadcast %add3A_55 : i32 to vector<16xi32>
    %add3A_57 = arith.addi %add3A_56, %iota3A : vector<16xi32>
    %swap3A_58 = arith.constant 64 : index
    %swap3A_59 = tpu.vector_load %arg10[%swap3A_58] {strides = array<i32>} : memref<128xi32, #tpu.memory_space<vmem>>, vector<16xi32>,
    tpu.vector_store %arg10[%swap3A_58], %add3A_57 {strides = array<i32>} : memref<128xi32, #tpu.memory_space<vmem>>, vector<16xi32>,
    %mul3A_60 = arith.constant 640 : i32
    %mul3A_61 = arith.muli %arg1, %mul3A_60 : i32
    %add3A_62 = arith.constant 0 : i32
    %add3A_63 = arith.addi %mul3A_61, %add3A_62 : i32
    %add3A_64 = arith.constant 80 : i32
    %add3A_65 = arith.addi %add3A_63, %add3A_64 : i32
    %add3A_66 = vector.broadcast %add3A_65 : i32 to vector<16xi32>
    %add3A_67 = arith.addi %add3A_66, %iota3A : vector<16xi32>
    %swap3A_68 = arith.constant 80 : index
    %swap3A_69 = tpu.vector_load %arg10[%swap3A_68] {strides = array<i32>} : memref<128xi32, #tpu.memory_space<vmem>>, vector<16xi32>,
    tpu.vector_store %arg10[%swap3A_68], %add3A_67 {strides = array<i32>} : memref<128xi32, #tpu.memory_space<vmem>>, vector<16xi32>,
    %mul3A_70 = arith.constant 640 : i32
    %mul3A_71 = arith.muli %arg1, %mul3A_70 : i32
    %add3A_72 = arith.constant 0 : i32
    %add3A_73 = arith.addi %mul3A_71, %add3A_72 : i32
    %add3A_74 = arith.constant 96 : i32
    %add3A_75 = arith.addi %add3A_73, %add3A_74 : i32
    %add3A_76 = vector.broadcast %add3A_75 : i32 to vector<16xi32>
    %add3A_77 = arith.addi %add3A_76, %iota3A : vector<16xi32>
    %swap3A_78 = arith.constant 96 : index
    %swap3A_79 = tpu.vector_load %arg10[%swap3A_78] {strides = array<i32>} : memref<128xi32, #tpu.memory_space<vmem>>, vector<16xi32>,
    tpu.vector_store %arg10[%swap3A_78], %add3A_77 {strides = array<i32>} : memref<128xi32, #tpu.memory_space<vmem>>, vector<16xi32>,
    %mul3A_80 = arith.constant 640 : i32
    %mul3A_81 = arith.muli %arg1, %mul3A_80 : i32
    %add3A_82 = arith.constant 0 : i32
    %add3A_83 = arith.addi %mul3A_81, %add3A_82 : i32
    %add3A_84 = arith.constant 112 : i32
    %add3A_85 = arith.addi %add3A_83, %add3A_84 : i32
    %add3A_86 = vector.broadcast %add3A_85 : i32 to vector<16xi32>
    %add3A_87 = arith.addi %add3A_86, %iota3A : vector<16xi32>
    %swap3A_88 = arith.constant 112 : index
    %swap3A_89 = tpu.vector_load %arg10[%swap3A_88] {strides = array<i32>} : memref<128xi32, #tpu.memory_space<vmem>>, vector<16xi32>,
    tpu.vector_store %arg10[%swap3A_88], %add3A_87 {strides = array<i32>} : memref<128xi32, #tpu.memory_space<vmem>>, vector<16xi32>,
    "tpu.region"() ({
      %run_scoped3A = tpu.sem_alloc : memref<!tpu.dma_semaphore, #tpu.memory_space<semaphore_mem>>
      %dma_start3A = arith.constant 0 : i32
      %dma_start3A_836 = arith.constant 0 : i32
      %dma_start3A_837 = tpu.memref_slice %arg13[%dma_start3A, %dma_start3A_836] : memref<10240x128xf32, #tpu.memory_space<vmem_shared>> -> memref<10240x128xf32, #tpu.memory_space<vmem_shared>>
      tpu.enqueue_indirect_dma source(%arg11 : memref<128x128xf32, #tpu.memory_space<vmem>>) target(%dma_start3A_837 : memref<10240x128xf32, #tpu.memory_space<vmem_shared>>) offsets(%arg10 : memref<128xi32, #tpu.memory_space<vmem>>) semaphore(%run_scoped3A : memref<!tpu.dma_semaphore, #tpu.memory_space<semaphore_mem>>)
      %dma_wait3A = arith.constant 0 : i32
      %dma_wait3A_838 = arith.constant 0 : i32
      %dma_wait3A_839 = tpu.memref_slice %arg13[%dma_wait3A, %dma_wait3A_838] : memref<10240x128xf32, #tpu.memory_space<vmem_shared>> -> memref<10240x128xf32, #tpu.memory_space<vmem_shared>>
      tpu.wait_indirect_dma semaphore(%run_scoped3A : memref<!tpu.dma_semaphore, #tpu.memory_space<semaphore_mem>>) src(%arg11 : memref<128x128xf32, #tpu.memory_space<vmem>>) dst(%dma_wait3A_839 : memref<10240x128xf32, #tpu.memory_space<vmem_shared>>)
      tpu.yield
    }) : () -> ()
    %mul3A_90 = arith.constant 640 : i32
    %mul3A_91 = arith.muli %arg1, %mul3A_90 : i32
    %add3A_92 = arith.constant 128 : i32
    %add3A_93 = arith.addi %mul3A_91, %add3A_92 : i32
    %add3A_94 = arith.constant 0 : i32
    %add3A_95 = arith.addi %add3A_93, %add3A_94 : i32
    %add3A_96 = vector.broadcast %add3A_95 : i32 to vector<16xi32>
    %add3A_97 = arith.addi %add3A_96, %iota3A : vector<16xi32>
    %swap3A_98 = arith.constant 0 : index
    %swap3A_99 = tpu.vector_load %arg10[%swap3A_98] {strides = array<i32>} : memref<128xi32, #tpu.memory_space<vmem>>, vector<16xi32>,
    tpu.vector_store %arg10[%swap3A_98], %add3A_97 {strides = array<i32>} : memref<128xi32, #tpu.memory_space<vmem>>, vector<16xi32>,
    %mul3A_100 = arith.constant 640 : i32
    %mul3A_101 = arith.muli %arg1, %mul3A_100 : i32
    %add3A_102 = arith.constant 128 : i32
    %add3A_103 = arith.addi %mul3A_101, %add3A_102 : i32
    %add3A_104 = arith.constant 16 : i32
    %add3A_105 = arith.addi %add3A_103, %add3A_104 : i32
    %add3A_106 = vector.broadcast %add3A_105 : i32 to vector<16xi32>
    %add3A_107 = arith.addi %add3A_106, %iota3A : vector<16xi32>
    %swap3A_108 = arith.constant 16 : index
    %swap3A_109 = tpu.vector_load %arg10[%swap3A_108] {strides = array<i32>} : memref<128xi32, #tpu.memory_space<vmem>>, vector<16xi32>,
    tpu.vector_store %arg10[%swap3A_108], %add3A_107 {strides = array<i32>} : memref<128xi32, #tpu.memory_space<vmem>>, vector<16xi32>,
    %mul3A_110 = arith.constant 640 : i32
    %mul3A_111 = arith.muli %arg1, %mul3A_110 : i32
    %add3A_112 = arith.constant 128 : i32
    %add3A_113 = arith.addi %mul3A_111, %add3A_112 : i32
    %add3A_114 = arith.constant 32 : i32
    %add3A_115 = arith.addi %add3A_113, %add3A_114 : i32
    %add3A_116 = vector.broadcast %add3A_115 : i32 to vector<16xi32>
    %add3A_117 = arith.addi %add3A_116, %iota3A : vector<16xi32>
    %swap3A_118 = arith.constant 32 : index
    %swap3A_119 = tpu.vector_load %arg10[%swap3A_118] {strides = array<i32>} : memref<128xi32, #tpu.memory_space<vmem>>, vector<16xi32>,
    tpu.vector_store %arg10[%swap3A_118], %add3A_117 {strides = array<i32>} : memref<128xi32, #tpu.memory_space<vmem>>, vector<16xi32>,
    %mul3A_120 = arith.constant 640 : i32
    %mul3A_121 = arith.muli %arg1, %mul3A_120 : i32
    %add3A_122 = arith.constant 128 : i32
    %add3A_123 = arith.addi %mul3A_121, %add3A_122 : i32
    %add3A_124 = arith.constant 48 : i32
    %add3A_125 = arith.addi %add3A_123, %add3A_124 : i32
    %add3A_126 = vector.broadcast %add3A_125 : i32 to vector<16xi32>
    %add3A_127 = arith.addi %add3A_126, %iota3A : vector<16xi32>
    %swap3A_128 = arith.constant 48 : index
    %swap3A_129 = tpu.vector_load %arg10[%swap3A_128] {strides = array<i32>} : memref<128xi32, #tpu.memory_space<vmem>>, vector<16xi32>,
    tpu.vector_store %arg10[%swap3A_128], %add3A_127 {strides = array<i32>} : memref<128xi32, #tpu.memory_space<vmem>>, vector<16xi32>,
    %mul3A_130 = arith.constant 640 : i32
    %mul3A_131 = arith.muli %arg1, %mul3A_130 : i32
    %add3A_132 = arith.constant 128 : i32
    %add3A_133 = arith.addi %mul3A_131, %add3A_132 : i32
    %add3A_134 = arith.constant 64 : i32
    %add3A_135 = arith.addi %add3A_133, %add3A_134 : i32
    %add3A_136 = vector.broadcast %add3A_135 : i32 to vector<16xi32>
    %add3A_137 = arith.addi %add3A_136, %iota3A : vector<16xi32>
    %swap3A_138 = arith.constant 64 : index
    %swap3A_139 = tpu.vector_load %arg10[%swap3A_138] {strides = array<i32>} : memref<128xi32, #tpu.memory_space<vmem>>, vector<16xi32>,
    tpu.vector_store %arg10[%swap3A_138], %add3A_137 {strides = array<i32>} : memref<128xi32, #tpu.memory_space<vmem>>, vector<16xi32>,
    %mul3A_140 = arith.constant 640 : i32
    %mul3A_141 = arith.muli %arg1, %mul3A_140 : i32
    %add3A_142 = arith.constant 128 : i32
    %add3A_143 = arith.addi %mul3A_141, %add3A_142 : i32
    %add3A_144 = arith.constant 80 : i32
    %add3A_145 = arith.addi %add3A_143, %add3A_144 : i32
    %add3A_146 = vector.broadcast %add3A_145 : i32 to vector<16xi32>
    %add3A_147 = arith.addi %add3A_146, %iota3A : vector<16xi32>
    %swap3A_148 = arith.constant 80 : index
    %swap3A_149 = tpu.vector_load %arg10[%swap3A_148] {strides = array<i32>} : memref<128xi32, #tpu.memory_space<vmem>>, vector<16xi32>,
    tpu.vector_store %arg10[%swap3A_148], %add3A_147 {strides = array<i32>} : memref<128xi32, #tpu.memory_space<vmem>>, vector<16xi32>,
    %mul3A_150 = arith.constant 640 : i32
    %mul3A_151 = arith.muli %arg1, %mul3A_150 : i32
    %add3A_152 = arith.constant 128 : i32
    %add3A_153 = arith.addi %mul3A_151, %add3A_152 : i32
    %add3A_154 = arith.constant 96 : i32
    %add3A_155 = arith.addi %add3A_153, %add3A_154 : i32
    %add3A_156 = vector.broadcast %add3A_155 : i32 to vector<16xi32>
    %add3A_157 = arith.addi %add3A_156, %iota3A : vector<16xi32>
    %swap3A_158 = arith.constant 96 : index
    %swap3A_159 = tpu.vector_load %arg10[%swap3A_158] {strides = array<i32>} : memref<128xi32, #tpu.memory_space<vmem>>, vector<16xi32>,
    tpu.vector_store %arg10[%swap3A_158], %add3A_157 {strides = array<i32>} : memref<128xi32, #tpu.memory_space<vmem>>, vector<16xi32>,
    %mul3A_160 = arith.constant 640 : i32
    %mul3A_161 = arith.muli %arg1, %mul3A_160 : i32
    %add3A_162 = arith.constant 128 : i32
    %add3A_163 = arith.addi %mul3A_161, %add3A_162 : i32
    %add3A_164 = arith.constant 112 : i32
    %add3A_165 = arith.addi %add3A_163, %add3A_164 : i32
    %add3A_166 = vector.broadcast %add3A_165 : i32 to vector<16xi32>
    %add3A_167 = arith.addi %add3A_166, %iota3A : vector<16xi32>
    %swap3A_168 = arith.constant 112 : index
    %swap3A_169 = tpu.vector_load %arg10[%swap3A_168] {strides = array<i32>} : memref<128xi32, #tpu.memory_space<vmem>>, vector<16xi32>,
    tpu.vector_store %arg10[%swap3A_168], %add3A_167 {strides = array<i32>} : memref<128xi32, #tpu.memory_space<vmem>>, vector<16xi32>,
    "tpu.region"() ({
      %run_scoped3A = tpu.sem_alloc : memref<!tpu.dma_semaphore, #tpu.memory_space<semaphore_mem>>
      %dma_start3A = arith.constant 0 : i32
      %dma_start3A_836 = arith.constant 0 : i32
      %dma_start3A_837 = tpu.memref_slice %arg13[%dma_start3A, %dma_start3A_836] : memref<10240x128xf32, #tpu.memory_space<vmem_shared>> -> memref<10240x128xf32, #tpu.memory_space<vmem_shared>>
      tpu.enqueue_indirect_dma source(%arg11 : memref<128x128xf32, #tpu.memory_space<vmem>>) target(%dma_start3A_837 : memref<10240x128xf32, #tpu.memory_space<vmem_shared>>) offsets(%arg10 : memref<128xi32, #tpu.memory_space<vmem>>) semaphore(%run_scoped3A : memref<!tpu.dma_semaphore, #tpu.memory_space<semaphore_mem>>)
      %dma_wait3A = arith.constant 0 : i32
      %dma_wait3A_838 = arith.constant 0 : i32
      %dma_wait3A_839 = tpu.memref_slice %arg13[%dma_wait3A, %dma_wait3A_838] : memref<10240x128xf32, #tpu.memory_space<vmem_shared>> -> memref<10240x128xf32, #tpu.memory_space<vmem_shared>>
      tpu.wait_indirect_dma semaphore(%run_scoped3A : memref<!tpu.dma_semaphore, #tpu.memory_space<semaphore_mem>>) src(%arg11 : memref<128x128xf32, #tpu.memory_space<vmem>>) dst(%dma_wait3A_839 : memref<10240x128xf32, #tpu.memory_space<vmem_shared>>)
      tpu.yield
    }) : () -> ()
    %mul3A_170 = arith.constant 640 : i32
    %mul3A_171 = arith.muli %arg1, %mul3A_170 : i32
    %add3A_172 = arith.constant 256 : i32
    %add3A_173 = arith.addi %mul3A_171, %add3A_172 : i32
    %add3A_174 = arith.constant 0 : i32
    %add3A_175 = arith.addi %add3A_173, %add3A_174 : i32
    %add3A_176 = vector.broadcast %add3A_175 : i32 to vector<16xi32>
    %add3A_177 = arith.addi %add3A_176, %iota3A : vector<16xi32>
    %swap3A_178 = arith.constant 0 : index
    %swap3A_179 = tpu.vector_load %arg10[%swap3A_178] {strides = array<i32>} : memref<128xi32, #tpu.memory_space<vmem>>, vector<16xi32>,
    tpu.vector_store %arg10[%swap3A_178], %add3A_177 {strides = array<i32>} : memref<128xi32, #tpu.memory_space<vmem>>, vector<16xi32>,
    %mul3A_180 = arith.constant 640 : i32
    %mul3A_181 = arith.muli %arg1, %mul3A_180 : i32
    %add3A_182 = arith.constant 256 : i32
    %add3A_183 = arith.addi %mul3A_181, %add3A_182 : i32
    %add3A_184 = arith.constant 16 : i32
    %add3A_185 = arith.addi %add3A_183, %add3A_184 : i32
    %add3A_186 = vector.broadcast %add3A_185 : i32 to vector<16xi32>
    %add3A_187 = arith.addi %add3A_186, %iota3A : vector<16xi32>
    %swap3A_188 = arith.constant 16 : index
    %swap3A_189 = tpu.vector_load %arg10[%swap3A_188] {strides = array<i32>} : memref<128xi32, #tpu.memory_space<vmem>>, vector<16xi32>,
    tpu.vector_store %arg10[%swap3A_188], %add3A_187 {strides = array<i32>} : memref<128xi32, #tpu.memory_space<vmem>>, vector<16xi32>,
    %mul3A_190 = arith.constant 640 : i32
    %mul3A_191 = arith.muli %arg1, %mul3A_190 : i32
    %add3A_192 = arith.constant 256 : i32
    %add3A_193 = arith.addi %mul3A_191, %add3A_192 : i32
    %add3A_194 = arith.constant 32 : i32
    %add3A_195 = arith.addi %add3A_193, %add3A_194 : i32
    %add3A_196 = vector.broadcast %add3A_195 : i32 to vector<16xi32>
    %add3A_197 = arith.addi %add3A_196, %iota3A : vector<16xi32>
    %swap3A_198 = arith.constant 32 : index
    %swap3A_199 = tpu.vector_load %arg10[%swap3A_198] {strides = array<i32>} : memref<128xi32, #tpu.memory_space<vmem>>, vector<16xi32>,
    tpu.vector_store %arg10[%swap3A_198], %add3A_197 {strides = array<i32>} : memref<128xi32, #tpu.memory_space<vmem>>, vector<16xi32>,
    %mul3A_200 = arith.constant 640 : i32
    %mul3A_201 = arith.muli %arg1, %mul3A_200 : i32
    %add3A_202 = arith.constant 256 : i32
    %add3A_203 = arith.addi %mul3A_201, %add3A_202 : i32
    %add3A_204 = arith.constant 48 : i32
    %add3A_205 = arith.addi %add3A_203, %add3A_204 : i32
    %add3A_206 = vector.broadcast %add3A_205 : i32 to vector<16xi32>
    %add3A_207 = arith.addi %add3A_206, %iota3A : vector<16xi32>
    %swap3A_208 = arith.constant 48 : index
    %swap3A_209 = tpu.vector_load %arg10[%swap3A_208] {strides = array<i32>} : memref<128xi32, #tpu.memory_space<vmem>>, vector<16xi32>,
    tpu.vector_store %arg10[%swap3A_208], %add3A_207 {strides = array<i32>} : memref<128xi32, #tpu.memory_space<vmem>>, vector<16xi32>,
    %mul3A_210 = arith.constant 640 : i32
    %mul3A_211 = arith.muli %arg1, %mul3A_210 : i32
    %add3A_212 = arith.constant 256 : i32
    %add3A_213 = arith.addi %mul3A_211, %add3A_212 : i32
    %add3A_214 = arith.constant 64 : i32
    %add3A_215 = arith.addi %add3A_213, %add3A_214 : i32
    %add3A_216 = vector.broadcast %add3A_215 : i32 to vector<16xi32>
    %add3A_217 = arith.addi %add3A_216, %iota3A : vector<16xi32>
    %swap3A_218 = arith.constant 64 : index
    %swap3A_219 = tpu.vector_load %arg10[%swap3A_218] {strides = array<i32>} : memref<128xi32, #tpu.memory_space<vmem>>, vector<16xi32>,
    tpu.vector_store %arg10[%swap3A_218], %add3A_217 {strides = array<i32>} : memref<128xi32, #tpu.memory_space<vmem>>, vector<16xi32>,
    %mul3A_220 = arith.constant 640 : i32
    %mul3A_221 = arith.muli %arg1, %mul3A_220 : i32
    %add3A_222 = arith.constant 256 : i32
    %add3A_223 = arith.addi %mul3A_221, %add3A_222 : i32
    %add3A_224 = arith.constant 80 : i32
    %add3A_225 = arith.addi %add3A_223, %add3A_224 : i32
    %add3A_226 = vector.broadcast %add3A_225 : i32 to vector<16xi32>
    %add3A_227 = arith.addi %add3A_226, %iota3A : vector<16xi32>
    %swap3A_228 = arith.constant 80 : index
    %swap3A_229 = tpu.vector_load %arg10[%swap3A_228] {strides = array<i32>} : memref<128xi32, #tpu.memory_space<vmem>>, vector<16xi32>,
    tpu.vector_store %arg10[%swap3A_228], %add3A_227 {strides = array<i32>} : memref<128xi32, #tpu.memory_space<vmem>>, vector<16xi32>,
    %mul3A_230 = arith.constant 640 : i32
    %mul3A_231 = arith.muli %arg1, %mul3A_230 : i32
    %add3A_232 = arith.constant 256 : i32
    %add3A_233 = arith.addi %mul3A_231, %add3A_232 : i32
    %add3A_234 = arith.constant 96 : i32
    %add3A_235 = arith.addi %add3A_233, %add3A_234 : i32
    %add3A_236 = vector.broadcast %add3A_235 : i32 to vector<16xi32>
    %add3A_237 = arith.addi %add3A_236, %iota3A : vector<16xi32>
    %swap3A_238 = arith.constant 96 : index
    %swap3A_239 = tpu.vector_load %arg10[%swap3A_238] {strides = array<i32>} : memref<128xi32, #tpu.memory_space<vmem>>, vector<16xi32>,
    tpu.vector_store %arg10[%swap3A_238], %add3A_237 {strides = array<i32>} : memref<128xi32, #tpu.memory_space<vmem>>, vector<16xi32>,
    %mul3A_240 = arith.constant 640 : i32
    %mul3A_241 = arith.muli %arg1, %mul3A_240 : i32
    %add3A_242 = arith.constant 256 : i32
    %add3A_243 = arith.addi %mul3A_241, %add3A_242 : i32
    %add3A_244 = arith.constant 112 : i32
    %add3A_245 = arith.addi %add3A_243, %add3A_244 : i32
    %add3A_246 = vector.broadcast %add3A_245 : i32 to vector<16xi32>
    %add3A_247 = arith.addi %add3A_246, %iota3A : vector<16xi32>
    %swap3A_248 = arith.constant 112 : index
    %swap3A_249 = tpu.vector_load %arg10[%swap3A_248] {strides = array<i32>} : memref<128xi32, #tpu.memory_space<vmem>>, vector<16xi32>,
    tpu.vector_store %arg10[%swap3A_248], %add3A_247 {strides = array<i32>} : memref<128xi32, #tpu.memory_space<vmem>>, vector<16xi32>,
    "tpu.region"() ({
      %run_scoped3A = tpu.sem_alloc : memref<!tpu.dma_semaphore, #tpu.memory_space<semaphore_mem>>
      %dma_start3A = arith.constant 0 : i32
      %dma_start3A_836 = arith.constant 0 : i32
      %dma_start3A_837 = tpu.memref_slice %arg13[%dma_start3A, %dma_start3A_836] : memref<10240x128xf32, #tpu.memory_space<vmem_shared>> -> memref<10240x128xf32, #tpu.memory_space<vmem_shared>>
      tpu.enqueue_indirect_dma source(%arg11 : memref<128x128xf32, #tpu.memory_space<vmem>>) target(%dma_start3A_837 : memref<10240x128xf32, #tpu.memory_space<vmem_shared>>) offsets(%arg10 : memref<128xi32, #tpu.memory_space<vmem>>) semaphore(%run_scoped3A : memref<!tpu.dma_semaphore, #tpu.memory_space<semaphore_mem>>)
      %dma_wait3A = arith.constant 0 : i32
      %dma_wait3A_838 = arith.constant 0 : i32
      %dma_wait3A_839 = tpu.memref_slice %arg13[%dma_wait3A, %dma_wait3A_838] : memref<10240x128xf32, #tpu.memory_space<vmem_shared>> -> memref<10240x128xf32, #tpu.memory_space<vmem_shared>>
      tpu.wait_indirect_dma semaphore(%run_scoped3A : memref<!tpu.dma_semaphore, #tpu.memory_space<semaphore_mem>>) src(%arg11 : memref<128x128xf32, #tpu.memory_space<vmem>>) dst(%dma_wait3A_839 : memref<10240x128xf32, #tpu.memory_space<vmem_shared>>)
      tpu.yield
    }) : () -> ()
    %mul3A_250 = arith.constant 640 : i32
    %mul3A_251 = arith.muli %arg1, %mul3A_250 : i32
    %add3A_252 = arith.constant 384 : i32
    %add3A_253 = arith.addi %mul3A_251, %add3A_252 : i32
    %add3A_254 = arith.constant 0 : i32
    %add3A_255 = arith.addi %add3A_253, %add3A_254 : i32
    %add3A_256 = vector.broadcast %add3A_255 : i32 to vector<16xi32>
    %add3A_257 = arith.addi %add3A_256, %iota3A : vector<16xi32>
    %swap3A_258 = arith.constant 0 : index
    %swap3A_259 = tpu.vector_load %arg10[%swap3A_258] {strides = array<i32>} : memref<128xi32, #tpu.memory_space<vmem>>, vector<16xi32>,
    tpu.vector_store %arg10[%swap3A_258], %add3A_257 {strides = array<i32>} : memref<128xi32, #tpu.memory_space<vmem>>, vector<16xi32>,
    %mul3A_260 = arith.constant 640 : i32
    %mul3A_261 = arith.muli %arg1, %mul3A_260 : i32
    %add3A_262 = arith.constant 384 : i32
    %add3A_263 = arith.addi %mul3A_261, %add3A_262 : i32
    %add3A_264 = arith.constant 16 : i32
    %add3A_265 = arith.addi %add3A_263, %add3A_264 : i32
    %add3A_266 = vector.broadcast %add3A_265 : i32 to vector<16xi32>
    %add3A_267 = arith.addi %add3A_266, %iota3A : vector<16xi32>
    %swap3A_268 = arith.constant 16 : index
    %swap3A_269 = tpu.vector_load %arg10[%swap3A_268] {strides = array<i32>} : memref<128xi32, #tpu.memory_space<vmem>>, vector<16xi32>,
    tpu.vector_store %arg10[%swap3A_268], %add3A_267 {strides = array<i32>} : memref<128xi32, #tpu.memory_space<vmem>>, vector<16xi32>,
    %mul3A_270 = arith.constant 640 : i32
    %mul3A_271 = arith.muli %arg1, %mul3A_270 : i32
    %add3A_272 = arith.constant 384 : i32
    %add3A_273 = arith.addi %mul3A_271, %add3A_272 : i32
    %add3A_274 = arith.constant 32 : i32
    %add3A_275 = arith.addi %add3A_273, %add3A_274 : i32
    %add3A_276 = vector.broadcast %add3A_275 : i32 to vector<16xi32>
    %add3A_277 = arith.addi %add3A_276, %iota3A : vector<16xi32>
    %swap3A_278 = arith.constant 32 : index
    %swap3A_279 = tpu.vector_load %arg10[%swap3A_278] {strides = array<i32>} : memref<128xi32, #tpu.memory_space<vmem>>, vector<16xi32>,
    tpu.vector_store %arg10[%swap3A_278], %add3A_277 {strides = array<i32>} : memref<128xi32, #tpu.memory_space<vmem>>, vector<16xi32>,
    %mul3A_280 = arith.constant 640 : i32
    %mul3A_281 = arith.muli %arg1, %mul3A_280 : i32
    %add3A_282 = arith.constant 384 : i32
    %add3A_283 = arith.addi %mul3A_281, %add3A_282 : i32
    %add3A_284 = arith.constant 48 : i32
    %add3A_285 = arith.addi %add3A_283, %add3A_284 : i32
    %add3A_286 = vector.broadcast %add3A_285 : i32 to vector<16xi32>
    %add3A_287 = arith.addi %add3A_286, %iota3A : vector<16xi32>
    %swap3A_288 = arith.constant 48 : index
    %swap3A_289 = tpu.vector_load %arg10[%swap3A_288] {strides = array<i32>} : memref<128xi32, #tpu.memory_space<vmem>>, vector<16xi32>,
    tpu.vector_store %arg10[%swap3A_288], %add3A_287 {strides = array<i32>} : memref<128xi32, #tpu.memory_space<vmem>>, vector<16xi32>,
    %mul3A_290 = arith.constant 640 : i32
    %mul3A_291 = arith.muli %arg1, %mul3A_290 : i32
    %add3A_292 = arith.constant 384 : i32
    %add3A_293 = arith.addi %mul3A_291, %add3A_292 : i32
    %add3A_294 = arith.constant 64 : i32
    %add3A_295 = arith.addi %add3A_293, %add3A_294 : i32
    %add3A_296 = vector.broadcast %add3A_295 : i32 to vector<16xi32>
    %add3A_297 = arith.addi %add3A_296, %iota3A : vector<16xi32>
    %swap3A_298 = arith.constant 64 : index
    %swap3A_299 = tpu.vector_load %arg10[%swap3A_298] {strides = array<i32>} : memref<128xi32, #tpu.memory_space<vmem>>, vector<16xi32>,
    tpu.vector_store %arg10[%swap3A_298], %add3A_297 {strides = array<i32>} : memref<128xi32, #tpu.memory_space<vmem>>, vector<16xi32>,
    %mul3A_300 = arith.constant 640 : i32
    %mul3A_301 = arith.muli %arg1, %mul3A_300 : i32
    %add3A_302 = arith.constant 384 : i32
    %add3A_303 = arith.addi %mul3A_301, %add3A_302 : i32
    %add3A_304 = arith.constant 80 : i32
    %add3A_305 = arith.addi %add3A_303, %add3A_304 : i32
    %add3A_306 = vector.broadcast %add3A_305 : i32 to vector<16xi32>
    %add3A_307 = arith.addi %add3A_306, %iota3A : vector<16xi32>
    %swap3A_308 = arith.constant 80 : index
    %swap3A_309 = tpu.vector_load %arg10[%swap3A_308] {strides = array<i32>} : memref<128xi32, #tpu.memory_space<vmem>>, vector<16xi32>,
    tpu.vector_store %arg10[%swap3A_308], %add3A_307 {strides = array<i32>} : memref<128xi32, #tpu.memory_space<vmem>>, vector<16xi32>,
    %mul3A_310 = arith.constant 640 : i32
    %mul3A_311 = arith.muli %arg1, %mul3A_310 : i32
    %add3A_312 = arith.constant 384 : i32
    %add3A_313 = arith.addi %mul3A_311, %add3A_312 : i32
    %add3A_314 = arith.constant 96 : i32
    %add3A_315 = arith.addi %add3A_313, %add3A_314 : i32
    %add3A_316 = vector.broadcast %add3A_315 : i32 to vector<16xi32>
    %add3A_317 = arith.addi %add3A_316, %iota3A : vector<16xi32>
    %swap3A_318 = arith.constant 96 : index
    %swap3A_319 = tpu.vector_load %arg10[%swap3A_318] {strides = array<i32>} : memref<128xi32, #tpu.memory_space<vmem>>, vector<16xi32>,
    tpu.vector_store %arg10[%swap3A_318], %add3A_317 {strides = array<i32>} : memref<128xi32, #tpu.memory_space<vmem>>, vector<16xi32>,
    %mul3A_320 = arith.constant 640 : i32
    %mul3A_321 = arith.muli %arg1, %mul3A_320 : i32
    %add3A_322 = arith.constant 384 : i32
    %add3A_323 = arith.addi %mul3A_321, %add3A_322 : i32
    %add3A_324 = arith.constant 112 : i32
    %add3A_325 = arith.addi %add3A_323, %add3A_324 : i32
    %add3A_326 = vector.broadcast %add3A_325 : i32 to vector<16xi32>
    %add3A_327 = arith.addi %add3A_326, %iota3A : vector<16xi32>
    %swap3A_328 = arith.constant 112 : index
    %swap3A_329 = tpu.vector_load %arg10[%swap3A_328] {strides = array<i32>} : memref<128xi32, #tpu.memory_space<vmem>>, vector<16xi32>,
    tpu.vector_store %arg10[%swap3A_328], %add3A_327 {strides = array<i32>} : memref<128xi32, #tpu.memory_space<vmem>>, vector<16xi32>,
    "tpu.region"() ({
      %run_scoped3A = tpu.sem_alloc : memref<!tpu.dma_semaphore, #tpu.memory_space<semaphore_mem>>
      %dma_start3A = arith.constant 0 : i32
      %dma_start3A_836 = arith.constant 0 : i32
      %dma_start3A_837 = tpu.memref_slice %arg13[%dma_start3A, %dma_start3A_836] : memref<10240x128xf32, #tpu.memory_space<vmem_shared>> -> memref<10240x128xf32, #tpu.memory_space<vmem_shared>>
      tpu.enqueue_indirect_dma source(%arg11 : memref<128x128xf32, #tpu.memory_space<vmem>>) target(%dma_start3A_837 : memref<10240x128xf32, #tpu.memory_space<vmem_shared>>) offsets(%arg10 : memref<128xi32, #tpu.memory_space<vmem>>) semaphore(%run_scoped3A : memref<!tpu.dma_semaphore, #tpu.memory_space<semaphore_mem>>)
      %dma_wait3A = arith.constant 0 : i32
      %dma_wait3A_838 = arith.constant 0 : i32
      %dma_wait3A_839 = tpu.memref_slice %arg13[%dma_wait3A, %dma_wait3A_838] : memref<10240x128xf32, #tpu.memory_space<vmem_shared>> -> memref<10240x128xf32, #tpu.memory_space<vmem_shared>>
      tpu.wait_indirect_dma semaphore(%run_scoped3A : memref<!tpu.dma_semaphore, #tpu.memory_space<semaphore_mem>>) src(%arg11 : memref<128x128xf32, #tpu.memory_space<vmem>>) dst(%dma_wait3A_839 : memref<10240x128xf32, #tpu.memory_space<vmem_shared>>)
      tpu.yield
    }) : () -> ()
    %mul3A_330 = arith.constant 640 : i32
    %mul3A_331 = arith.muli %arg1, %mul3A_330 : i32
    %add3A_332 = arith.constant 512 : i32
    %add3A_333 = arith.addi %mul3A_331, %add3A_332 : i32
    %add3A_334 = arith.constant 0 : i32
    %add3A_335 = arith.addi %add3A_333, %add3A_334 : i32
    %add3A_336 = vector.broadcast %add3A_335 : i32 to vector<16xi32>
    %add3A_337 = arith.addi %add3A_336, %iota3A : vector<16xi32>
    %swap3A_338 = arith.constant 0 : index
    %swap3A_339 = tpu.vector_load %arg10[%swap3A_338] {strides = array<i32>} : memref<128xi32, #tpu.memory_space<vmem>>, vector<16xi32>,
    tpu.vector_store %arg10[%swap3A_338], %add3A_337 {strides = array<i32>} : memref<128xi32, #tpu.memory_space<vmem>>, vector<16xi32>,
    %mul3A_340 = arith.constant 640 : i32
    %mul3A_341 = arith.muli %arg1, %mul3A_340 : i32
    %add3A_342 = arith.constant 512 : i32
    %add3A_343 = arith.addi %mul3A_341, %add3A_342 : i32
    %add3A_344 = arith.constant 16 : i32
    %add3A_345 = arith.addi %add3A_343, %add3A_344 : i32
    %add3A_346 = vector.broadcast %add3A_345 : i32 to vector<16xi32>
    %add3A_347 = arith.addi %add3A_346, %iota3A : vector<16xi32>
    %swap3A_348 = arith.constant 16 : index
    %swap3A_349 = tpu.vector_load %arg10[%swap3A_348] {strides = array<i32>} : memref<128xi32, #tpu.memory_space<vmem>>, vector<16xi32>,
    tpu.vector_store %arg10[%swap3A_348], %add3A_347 {strides = array<i32>} : memref<128xi32, #tpu.memory_space<vmem>>, vector<16xi32>,
    %mul3A_350 = arith.constant 640 : i32
    %mul3A_351 = arith.muli %arg1, %mul3A_350 : i32
    %add3A_352 = arith.constant 512 : i32
    %add3A_353 = arith.addi %mul3A_351, %add3A_352 : i32
    %add3A_354 = arith.constant 32 : i32
    %add3A_355 = arith.addi %add3A_353, %add3A_354 : i32
    %add3A_356 = vector.broadcast %add3A_355 : i32 to vector<16xi32>
    %add3A_357 = arith.addi %add3A_356, %iota3A : vector<16xi32>
    %swap3A_358 = arith.constant 32 : index
    %swap3A_359 = tpu.vector_load %arg10[%swap3A_358] {strides = array<i32>} : memref<128xi32, #tpu.memory_space<vmem>>, vector<16xi32>,
    tpu.vector_store %arg10[%swap3A_358], %add3A_357 {strides = array<i32>} : memref<128xi32, #tpu.memory_space<vmem>>, vector<16xi32>,
    %mul3A_360 = arith.constant 640 : i32
    %mul3A_361 = arith.muli %arg1, %mul3A_360 : i32
    %add3A_362 = arith.constant 512 : i32
    %add3A_363 = arith.addi %mul3A_361, %add3A_362 : i32
    %add3A_364 = arith.constant 48 : i32
    %add3A_365 = arith.addi %add3A_363, %add3A_364 : i32
    %add3A_366 = vector.broadcast %add3A_365 : i32 to vector<16xi32>
    %add3A_367 = arith.addi %add3A_366, %iota3A : vector<16xi32>
    %swap3A_368 = arith.constant 48 : index
    %swap3A_369 = tpu.vector_load %arg10[%swap3A_368] {strides = array<i32>} : memref<128xi32, #tpu.memory_space<vmem>>, vector<16xi32>,
    tpu.vector_store %arg10[%swap3A_368], %add3A_367 {strides = array<i32>} : memref<128xi32, #tpu.memory_space<vmem>>, vector<16xi32>,
    %mul3A_370 = arith.constant 640 : i32
    %mul3A_371 = arith.muli %arg1, %mul3A_370 : i32
    %add3A_372 = arith.constant 512 : i32
    %add3A_373 = arith.addi %mul3A_371, %add3A_372 : i32
    %add3A_374 = arith.constant 64 : i32
    %add3A_375 = arith.addi %add3A_373, %add3A_374 : i32
    %add3A_376 = vector.broadcast %add3A_375 : i32 to vector<16xi32>
    %add3A_377 = arith.addi %add3A_376, %iota3A : vector<16xi32>
    %swap3A_378 = arith.constant 64 : index
    %swap3A_379 = tpu.vector_load %arg10[%swap3A_378] {strides = array<i32>} : memref<128xi32, #tpu.memory_space<vmem>>, vector<16xi32>,
    tpu.vector_store %arg10[%swap3A_378], %add3A_377 {strides = array<i32>} : memref<128xi32, #tpu.memory_space<vmem>>, vector<16xi32>,
    %mul3A_380 = arith.constant 640 : i32
    %mul3A_381 = arith.muli %arg1, %mul3A_380 : i32
    %add3A_382 = arith.constant 512 : i32
    %add3A_383 = arith.addi %mul3A_381, %add3A_382 : i32
    %add3A_384 = arith.constant 80 : i32
    %add3A_385 = arith.addi %add3A_383, %add3A_384 : i32
    %add3A_386 = vector.broadcast %add3A_385 : i32 to vector<16xi32>
    %add3A_387 = arith.addi %add3A_386, %iota3A : vector<16xi32>
    %swap3A_388 = arith.constant 80 : index
    %swap3A_389 = tpu.vector_load %arg10[%swap3A_388] {strides = array<i32>} : memref<128xi32, #tpu.memory_space<vmem>>, vector<16xi32>,
    tpu.vector_store %arg10[%swap3A_388], %add3A_387 {strides = array<i32>} : memref<128xi32, #tpu.memory_space<vmem>>, vector<16xi32>,
    %mul3A_390 = arith.constant 640 : i32
    %mul3A_391 = arith.muli %arg1, %mul3A_390 : i32
    %add3A_392 = arith.constant 512 : i32
    %add3A_393 = arith.addi %mul3A_391, %add3A_392 : i32
    %add3A_394 = arith.constant 96 : i32
    %add3A_395 = arith.addi %add3A_393, %add3A_394 : i32
    %add3A_396 = vector.broadcast %add3A_395 : i32 to vector<16xi32>
    %add3A_397 = arith.addi %add3A_396, %iota3A : vector<16xi32>
    %swap3A_398 = arith.constant 96 : index
    %swap3A_399 = tpu.vector_load %arg10[%swap3A_398] {strides = array<i32>} : memref<128xi32, #tpu.memory_space<vmem>>, vector<16xi32>,
    tpu.vector_store %arg10[%swap3A_398], %add3A_397 {strides = array<i32>} : memref<128xi32, #tpu.memory_space<vmem>>, vector<16xi32>,
    %mul3A_400 = arith.constant 640 : i32
    %mul3A_401 = arith.muli %arg1, %mul3A_400 : i32
    %add3A_402 = arith.constant 512 : i32
    %add3A_403 = arith.addi %mul3A_401, %add3A_402 : i32
    %add3A_404 = arith.constant 112 : i32
    %add3A_405 = arith.addi %add3A_403, %add3A_404 : i32
    %add3A_406 = vector.broadcast %add3A_405 : i32 to vector<16xi32>
    %add3A_407 = arith.addi %add3A_406, %iota3A : vector<16xi32>
    %swap3A_408 = arith.constant 112 : index
    %swap3A_409 = tpu.vector_load %arg10[%swap3A_408] {strides = array<i32>} : memref<128xi32, #tpu.memory_space<vmem>>, vector<16xi32>,
    tpu.vector_store %arg10[%swap3A_408], %add3A_407 {strides = array<i32>} : memref<128xi32, #tpu.memory_space<vmem>>, vector<16xi32>,
    "tpu.region"() ({
      %run_scoped3A = tpu.sem_alloc : memref<!tpu.dma_semaphore, #tpu.memory_space<semaphore_mem>>
      %dma_start3A = arith.constant 0 : i32
      %dma_start3A_836 = arith.constant 0 : i32
      %dma_start3A_837 = tpu.memref_slice %arg13[%dma_start3A, %dma_start3A_836] : memref<10240x128xf32, #tpu.memory_space<vmem_shared>> -> memref<10240x128xf32, #tpu.memory_space<vmem_shared>>
      tpu.enqueue_indirect_dma source(%arg11 : memref<128x128xf32, #tpu.memory_space<vmem>>) target(%dma_start3A_837 : memref<10240x128xf32, #tpu.memory_space<vmem_shared>>) offsets(%arg10 : memref<128xi32, #tpu.memory_space<vmem>>) semaphore(%run_scoped3A : memref<!tpu.dma_semaphore, #tpu.memory_space<semaphore_mem>>)
      %dma_wait3A = arith.constant 0 : i32
      %dma_wait3A_838 = arith.constant 0 : i32
      %dma_wait3A_839 = tpu.memref_slice %arg13[%dma_wait3A, %dma_wait3A_838] : memref<10240x128xf32, #tpu.memory_space<vmem_shared>> -> memref<10240x128xf32, #tpu.memory_space<vmem_shared>>
      tpu.wait_indirect_dma semaphore(%run_scoped3A : memref<!tpu.dma_semaphore, #tpu.memory_space<semaphore_mem>>) src(%arg11 : memref<128x128xf32, #tpu.memory_space<vmem>>) dst(%dma_wait3A_839 : memref<10240x128xf32, #tpu.memory_space<vmem_shared>>)
      tpu.yield
    }) : () -> ()
    %barrier3A = arith.constant 0 : index
    tpu.barrier barrier_id(%barrier3A)
    %scan3A_410 = arith.constant 0 : i32
    %scan3A_411 = arith.constant 79 : i32
    %scan3A_412 = arith.addi %scan3A_410, %scan3A_411 : i32
    %scan3A_413 = arith.constant 1 : i32
    scf.for %scan3A_836 = %scan3A_410 to %scan3A_412 step %scan3A_413  : i32 {
      %mul3A_837 = arith.constant 1 : i32
      %mul3A_838 = arith.muli %scan3A_836, %mul3A_837 : i32
      %add3A_839 = arith.constant 0 : i32
      %add3A_840 = arith.addi %add3A_839, %mul3A_838 : i32
      "tpu.region"() ({
        %run_scoped3A = tpu.sem_alloc : memref<!tpu.dma_semaphore, #tpu.memory_space<semaphore_mem>>
        %dma_start3A_855 = arith.constant 0 : i32
        %dma_start3A_856 = tpu.memref_slice %arg3[%add3A, %add3A_840, %dma_start3A_855] : memref<32x79x128xi32, #tpu.memory_space<hbm>> -> memref<1x1x128xi32, #tpu.memory_space<hbm>>
        %dma_start3A_857 = tpu.memref_squeeze %dma_start3A_856 : memref<1x1x128xi32, #tpu.memory_space<hbm>> -> memref<128xi32, #tpu.memory_space<hbm>>
        %dma_start3A_858 = arith.constant 0 : i32
        %dma_start3A_859 = tpu.memref_slice %arg3[%add3A, %add3A_840, %dma_start3A_858] : memref<32x79x128xi32, #tpu.memory_space<hbm>> -> memref<1x1x128xi32, #tpu.memory_space<hbm>>
        %dma_start3A_860 = tpu.memref_squeeze %dma_start3A_859 : memref<1x1x128xi32, #tpu.memory_space<hbm>> -> memref<128xi32, #tpu.memory_space<hbm>>
        tpu.enqueue_dma source(%dma_start3A_860 : memref<128xi32, #tpu.memory_space<hbm>>) target(%arg10 : memref<128xi32, #tpu.memory_space<vmem>>) target_semaphore(%run_scoped3A : memref<!tpu.dma_semaphore, #tpu.memory_space<semaphore_mem>>)
        %dma_wait3A_861 = arith.constant 0 : i32
        %dma_wait3A_862 = tpu.memref_slice %arg3[%add3A, %add3A_840, %dma_wait3A_861] : memref<32x79x128xi32, #tpu.memory_space<hbm>> -> memref<1x1x128xi32, #tpu.memory_space<hbm>>
        %dma_wait3A_863 = tpu.memref_squeeze %dma_wait3A_862 : memref<1x1x128xi32, #tpu.memory_space<hbm>> -> memref<128xi32, #tpu.memory_space<hbm>>
        %dma_wait3A_864 = arith.constant 0 : i32
        %dma_wait3A_865 = tpu.memref_slice %arg3[%add3A, %add3A_840, %dma_wait3A_864] : memref<32x79x128xi32, #tpu.memory_space<hbm>> -> memref<1x1x128xi32, #tpu.memory_space<hbm>>
        %dma_wait3A_866 = tpu.memref_squeeze %dma_wait3A_865 : memref<1x1x128xi32, #tpu.memory_space<hbm>> -> memref<128xi32, #tpu.memory_space<hbm>>
        tpu.wait_dma2 semaphore(%run_scoped3A : memref<!tpu.dma_semaphore, #tpu.memory_space<semaphore_mem>>) src(%dma_wait3A_866 : memref<128xi32, #tpu.memory_space<hbm>>) dst(%arg10 : memref<128xi32, #tpu.memory_space<vmem>>)
        tpu.yield
      }) : () -> ()
      %dma_start3A = arith.constant 0 : i32
      %dma_start3A_841 = arith.constant 0 : i32
      %dma_start3A_842 = tpu.memref_slice %arg2[%dma_start3A, %dma_start3A_841] : memref<10240x128xf32, #tpu.memory_space<hbm>> -> memref<10240x128xf32, #tpu.memory_space<hbm>>
      tpu.enqueue_indirect_dma source(%dma_start3A_842 : memref<10240x128xf32, #tpu.memory_space<hbm>>) target(%arg11 : memref<128x128xf32, #tpu.memory_space<vmem>>) offsets(%arg10 : memref<128xi32, #tpu.memory_space<vmem>>) semaphore(%arg14 : memref<!tpu.dma_semaphore, #tpu.memory_space<semaphore_mem>>)
      "tpu.region"() ({
        %run_scoped3A = tpu.sem_alloc : memref<!tpu.dma_semaphore, #tpu.memory_space<semaphore_mem>>
        %dma_start3A_855 = arith.constant 0 : i32
        %dma_start3A_856 = tpu.memref_slice %arg4[%add3A, %add3A_840, %dma_start3A_855] : memref<32x79x128xi32, #tpu.memory_space<hbm>> -> memref<1x1x128xi32, #tpu.memory_space<hbm>>
        %dma_start3A_857 = tpu.memref_squeeze %dma_start3A_856 : memref<1x1x128xi32, #tpu.memory_space<hbm>> -> memref<128xi32, #tpu.memory_space<hbm>>
        %dma_start3A_858 = arith.constant 0 : i32
        %dma_start3A_859 = tpu.memref_slice %arg4[%add3A, %add3A_840, %dma_start3A_858] : memref<32x79x128xi32, #tpu.memory_space<hbm>> -> memref<1x1x128xi32, #tpu.memory_space<hbm>>
        %dma_start3A_860 = tpu.memref_squeeze %dma_start3A_859 : memref<1x1x128xi32, #tpu.memory_space<hbm>> -> memref<128xi32, #tpu.memory_space<hbm>>
        tpu.enqueue_dma source(%dma_start3A_860 : memref<128xi32, #tpu.memory_space<hbm>>) target(%arg8 : memref<128xi32, #tpu.memory_space<vmem>>) target_semaphore(%run_scoped3A : memref<!tpu.dma_semaphore, #tpu.memory_space<semaphore_mem>>)
        %dma_wait3A_861 = arith.constant 0 : i32
        %dma_wait3A_862 = tpu.memref_slice %arg4[%add3A, %add3A_840, %dma_wait3A_861] : memref<32x79x128xi32, #tpu.memory_space<hbm>> -> memref<1x1x128xi32, #tpu.memory_space<hbm>>
        %dma_wait3A_863 = tpu.memref_squeeze %dma_wait3A_862 : memref<1x1x128xi32, #tpu.memory_space<hbm>> -> memref<128xi32, #tpu.memory_space<hbm>>
        %dma_wait3A_864 = arith.constant 0 : i32
        %dma_wait3A_865 = tpu.memref_slice %arg4[%add3A, %add3A_840, %dma_wait3A_864] : memref<32x79x128xi32, #tpu.memory_space<hbm>> -> memref<1x1x128xi32, #tpu.memory_space<hbm>>
        %dma_wait3A_866 = tpu.memref_squeeze %dma_wait3A_865 : memref<1x1x128xi32, #tpu.memory_space<hbm>> -> memref<128xi32, #tpu.memory_space<hbm>>
        tpu.wait_dma2 semaphore(%run_scoped3A : memref<!tpu.dma_semaphore, #tpu.memory_space<semaphore_mem>>) src(%dma_wait3A_866 : memref<128xi32, #tpu.memory_space<hbm>>) dst(%arg8 : memref<128xi32, #tpu.memory_space<vmem>>)
        tpu.yield
      }) : () -> ()
      "tpu.region"() ({
        %run_scoped3A = tpu.sem_alloc : memref<!tpu.dma_semaphore, #tpu.memory_space<semaphore_mem>>
        %dma_start3A_855 = arith.constant 0 : i32
        %dma_start3A_856 = tpu.memref_slice %arg5[%add3A, %add3A_840, %dma_start3A_855] : memref<32x79x128xf32, #tpu.memory_space<hbm>> -> memref<1x1x128xf32, #tpu.memory_space<hbm>>
        %dma_start3A_857 = tpu.memref_squeeze %dma_start3A_856 : memref<1x1x128xf32, #tpu.memory_space<hbm>> -> memref<128xf32, #tpu.memory_space<hbm>>
        %dma_start3A_858 = arith.constant 0 : i32
        %dma_start3A_859 = tpu.memref_slice %arg5[%add3A, %add3A_840, %dma_start3A_858] : memref<32x79x128xf32, #tpu.memory_space<hbm>> -> memref<1x1x128xf32, #tpu.memory_space<hbm>>
        %dma_start3A_860 = tpu.memref_squeeze %dma_start3A_859 : memref<1x1x128xf32, #tpu.memory_space<hbm>> -> memref<128xf32, #tpu.memory_space<hbm>>
        tpu.enqueue_dma source(%dma_start3A_860 : memref<128xf32, #tpu.memory_space<hbm>>) target(%arg9 : memref<128xf32, #tpu.memory_space<vmem>>) target_semaphore(%run_scoped3A : memref<!tpu.dma_semaphore, #tpu.memory_space<semaphore_mem>>)
        %dma_wait3A_861 = arith.constant 0 : i32
        %dma_wait3A_862 = tpu.memref_slice %arg5[%add3A, %add3A_840, %dma_wait3A_861] : memref<32x79x128xf32, #tpu.memory_space<hbm>> -> memref<1x1x128xf32, #tpu.memory_space<hbm>>
        %dma_wait3A_863 = tpu.memref_squeeze %dma_wait3A_862 : memref<1x1x128xf32, #tpu.memory_space<hbm>> -> memref<128xf32, #tpu.memory_space<hbm>>
        %dma_wait3A_864 = arith.constant 0 : i32
        %dma_wait3A_865 = tpu.memref_slice %arg5[%add3A, %add3A_840, %dma_wait3A_864] : memref<32x79x128xf32, #tpu.memory_space<hbm>> -> memref<1x1x128xf32, #tpu.memory_space<hbm>>
        %dma_wait3A_866 = tpu.memref_squeeze %dma_wait3A_865 : memref<1x1x128xf32, #tpu.memory_space<hbm>> -> memref<128xf32, #tpu.memory_space<hbm>>
        tpu.wait_dma2 semaphore(%run_scoped3A : memref<!tpu.dma_semaphore, #tpu.memory_space<semaphore_mem>>) src(%dma_wait3A_866 : memref<128xf32, #tpu.memory_space<hbm>>) dst(%arg9 : memref<128xf32, #tpu.memory_space<vmem>>)
        tpu.yield
      }) : () -> ()
      %scan3A_843 = arith.constant 0 : i32
      %scan3A_844 = arith.constant 8 : i32
      %scan3A_845 = arith.addi %scan3A_843, %scan3A_844 : i32
      %scan3A_846 = arith.constant 1 : i32
      scf.for %scan3A_855 = %scan3A_843 to %scan3A_845 step %scan3A_846  : i32 {
        %mul3A_856 = arith.constant 16 : i32
        %mul3A_857 = arith.muli %scan3A_855, %mul3A_856 : i32
        %add3A_858 = arith.constant 0 : i32
        %add3A_859 = arith.addi %add3A_858, %mul3A_857 : i32
        %get3A = arith.index_cast %add3A_859 : i32 to index
        %get3A_860 = tpu.vector_load %arg8[%get3A] {strides = array<i32>} : memref<128xi32, #tpu.memory_space<vmem>>, vector<16xi32>,
        %get3A_861 = arith.index_cast %add3A_859 : i32 to index
        %get3A_862 = tpu.vector_load %arg9[%get3A_861] {strides = array<i32>} : memref<128xf32, #tpu.memory_space<vmem>>, vector<16xf32>,
        tpu.vector_store_idx %arg12[%get3A_860], %get3A_862 {add = true} : memref<10240xf32, #tpu.memory_space<vmem>>[vector<16xi32>], vector<16xf32>,
      }
      %scan3A_847 = arith.constant 8 : i32
      %dma_wait3A = arith.constant 0 : i32
      %dma_wait3A_848 = arith.constant 0 : i32
      %dma_wait3A_849 = tpu.memref_slice %arg2[%dma_wait3A, %dma_wait3A_848] : memref<10240x128xf32, #tpu.memory_space<hbm>> -> memref<10240x128xf32, #tpu.memory_space<hbm>>
      tpu.wait_indirect_dma semaphore(%arg14 : memref<!tpu.dma_semaphore, #tpu.memory_space<semaphore_mem>>) src(%dma_wait3A_849 : memref<10240x128xf32, #tpu.memory_space<hbm>>) dst(%arg11 : memref<128x128xf32, #tpu.memory_space<vmem>>)
      %scan3A_850 = arith.constant 0 : i32
      %scan3A_851 = arith.constant 32 : i32
      %scan3A_852 = arith.addi %scan3A_850, %scan3A_851 : i32
      %scan3A_853 = arith.constant 1 : i32
      scf.for %scan3A_855 = %scan3A_850 to %scan3A_852 step %scan3A_853  : i32 {
        %mul3A_856 = arith.constant 4 : i32
        %mul3A_857 = arith.muli %scan3A_855, %mul3A_856 : i32
        %add3A_858 = arith.constant 0 : i32
        %add3A_859 = arith.addi %add3A_858, %mul3A_857 : i32
        %add3A_860 = arith.constant 0 : i32
        %add3A_861 = arith.addi %add3A_859, %add3A_860 : i32
        %broadcast_in_dim3A_862 = arith.constant 0 : i32
        %broadcast_in_dim3A_863 = vector.broadcast %broadcast_in_dim3A_862 : i32 to vector<16xi32>
        %add3A_864 = vector.broadcast %add3A_861 : i32 to vector<16xi32>
        %add3A_865 = arith.addi %broadcast_in_dim3A_863, %add3A_864 : vector<16xi32>
        %gather3A = tpu.vector_load_idx %arg9[%add3A_865] : memref<128xf32, #tpu.memory_space<vmem>>[vector<16xi32>], vector<16xf32>,
        %get3A = arith.index_cast %add3A_861 : i32 to index
        %get3A_866 = arith.constant 0 : index
        %get3A_867 = tpu.vector_load %arg11[%get3A, %get3A_866] {strides = array<i32>} : memref<128x128xf32, #tpu.memory_space<vmem>>, vector<16xf32>,
        %mul3A_868 = arith.mulf %get3A_867, %gather3A : vector<16xf32>
        %swap3A_869 = arith.index_cast %add3A_861 : i32 to index
        %swap3A_870 = arith.constant 0 : index
        %swap3A_871 = tpu.vector_load %arg11[%swap3A_869, %swap3A_870] {strides = array<i32>} : memref<128x128xf32, #tpu.memory_space<vmem>>, vector<16xf32>,
        tpu.vector_store %arg11[%swap3A_869, %swap3A_870], %mul3A_868 {strides = array<i32>} : memref<128x128xf32, #tpu.memory_space<vmem>>, vector<16xf32>,
        %get3A_872 = arith.index_cast %add3A_861 : i32 to index
        %get3A_873 = arith.constant 16 : index
        %get3A_874 = tpu.vector_load %arg11[%get3A_872, %get3A_873] {strides = array<i32>} : memref<128x128xf32, #tpu.memory_space<vmem>>, vector<16xf32>,
        %mul3A_875 = arith.mulf %get3A_874, %gather3A : vector<16xf32>
        %swap3A_876 = arith.index_cast %add3A_861 : i32 to index
        %swap3A_877 = arith.constant 16 : index
        %swap3A_878 = tpu.vector_load %arg11[%swap3A_876, %swap3A_877] {strides = array<i32>} : memref<128x128xf32, #tpu.memory_space<vmem>>, vector<16xf32>,
        tpu.vector_store %arg11[%swap3A_876, %swap3A_877], %mul3A_875 {strides = array<i32>} : memref<128x128xf32, #tpu.memory_space<vmem>>, vector<16xf32>,
        %get3A_879 = arith.index_cast %add3A_861 : i32 to index
        %get3A_880 = arith.constant 32 : index
        %get3A_881 = tpu.vector_load %arg11[%get3A_879, %get3A_880] {strides = array<i32>} : memref<128x128xf32, #tpu.memory_space<vmem>>, vector<16xf32>,
        %mul3A_882 = arith.mulf %get3A_881, %gather3A : vector<16xf32>
        %swap3A_883 = arith.index_cast %add3A_861 : i32 to index
        %swap3A_884 = arith.constant 32 : index
        %swap3A_885 = tpu.vector_load %arg11[%swap3A_883, %swap3A_884] {strides = array<i32>} : memref<128x128xf32, #tpu.memory_space<vmem>>, vector<16xf32>,
        tpu.vector_store %arg11[%swap3A_883, %swap3A_884], %mul3A_882 {strides = array<i32>} : memref<128x128xf32, #tpu.memory_space<vmem>>, vector<16xf32>,
        %get3A_886 = arith.index_cast %add3A_861 : i32 to index
        %get3A_887 = arith.constant 48 : index
        %get3A_888 = tpu.vector_load %arg11[%get3A_886, %get3A_887] {strides = array<i32>} : memref<128x128xf32, #tpu.memory_space<vmem>>, vector<16xf32>,
        %mul3A_889 = arith.mulf %get3A_888, %gather3A : vector<16xf32>
        %swap3A_890 = arith.index_cast %add3A_861 : i32 to index
        %swap3A_891 = arith.constant 48 : index
        %swap3A_892 = tpu.vector_load %arg11[%swap3A_890, %swap3A_891] {strides = array<i32>} : memref<128x128xf32, #tpu.memory_space<vmem>>, vector<16xf32>,
        tpu.vector_store %arg11[%swap3A_890, %swap3A_891], %mul3A_889 {strides = array<i32>} : memref<128x128xf32, #tpu.memory_space<vmem>>, vector<16xf32>,
        %get3A_893 = arith.index_cast %add3A_861 : i32 to index
        %get3A_894 = arith.constant 64 : index
        %get3A_895 = tpu.vector_load %arg11[%get3A_893, %get3A_894] {strides = array<i32>} : memref<128x128xf32, #tpu.memory_space<vmem>>, vector<16xf32>,
        %mul3A_896 = arith.mulf %get3A_895, %gather3A : vector<16xf32>
        %swap3A_897 = arith.index_cast %add3A_861 : i32 to index
        %swap3A_898 = arith.constant 64 : index
        %swap3A_899 = tpu.vector_load %arg11[%swap3A_897, %swap3A_898] {strides = array<i32>} : memref<128x128xf32, #tpu.memory_space<vmem>>, vector<16xf32>,
        tpu.vector_store %arg11[%swap3A_897, %swap3A_898], %mul3A_896 {strides = array<i32>} : memref<128x128xf32, #tpu.memory_space<vmem>>, vector<16xf32>,
        %get3A_900 = arith.index_cast %add3A_861 : i32 to index
        %get3A_901 = arith.constant 80 : index
        %get3A_902 = tpu.vector_load %arg11[%get3A_900, %get3A_901] {strides = array<i32>} : memref<128x128xf32, #tpu.memory_space<vmem>>, vector<16xf32>,
        %mul3A_903 = arith.mulf %get3A_902, %gather3A : vector<16xf32>
        %swap3A_904 = arith.index_cast %add3A_861 : i32 to index
        %swap3A_905 = arith.constant 80 : index
        %swap3A_906 = tpu.vector_load %arg11[%swap3A_904, %swap3A_905] {strides = array<i32>} : memref<128x128xf32, #tpu.memory_space<vmem>>, vector<16xf32>,
        tpu.vector_store %arg11[%swap3A_904, %swap3A_905], %mul3A_903 {strides = array<i32>} : memref<128x128xf32, #tpu.memory_space<vmem>>, vector<16xf32>,
        %get3A_907 = arith.index_cast %add3A_861 : i32 to index
        %get3A_908 = arith.constant 96 : index
        %get3A_909 = tpu.vector_load %arg11[%get3A_907, %get3A_908] {strides = array<i32>} : memref<128x128xf32, #tpu.memory_space<vmem>>, vector<16xf32>,
        %mul3A_910 = arith.mulf %get3A_909, %gather3A : vector<16xf32>
        %swap3A_911 = arith.index_cast %add3A_861 : i32 to index
        %swap3A_912 = arith.constant 96 : index
        %swap3A_913 = tpu.vector_load %arg11[%swap3A_911, %swap3A_912] {strides = array<i32>} : memref<128x128xf32, #tpu.memory_space<vmem>>, vector<16xf32>,
        tpu.vector_store %arg11[%swap3A_911, %swap3A_912], %mul3A_910 {strides = array<i32>} : memref<128x128xf32, #tpu.memory_space<vmem>>, vector<16xf32>,
        %get3A_914 = arith.index_cast %add3A_861 : i32 to index
        %get3A_915 = arith.constant 112 : index
        %get3A_916 = tpu.vector_load %arg11[%get3A_914, %get3A_915] {strides = array<i32>} : memref<128x128xf32, #tpu.memory_space<vmem>>, vector<16xf32>,
        %mul3A_917 = arith.mulf %get3A_916, %gather3A : vector<16xf32>
        %swap3A_918 = arith.index_cast %add3A_861 : i32 to index
        %swap3A_919 = arith.constant 112 : index
        %swap3A_920 = tpu.vector_load %arg11[%swap3A_918, %swap3A_919] {strides = array<i32>} : memref<128x128xf32, #tpu.memory_space<vmem>>, vector<16xf32>,
        tpu.vector_store %arg11[%swap3A_918, %swap3A_919], %mul3A_917 {strides = array<i32>} : memref<128x128xf32, #tpu.memory_space<vmem>>, vector<16xf32>,
        %add3A_921 = arith.constant 1 : i32
        %add3A_922 = arith.addi %add3A_859, %add3A_921 : i32
        %broadcast_in_dim3A_923 = arith.constant 0 : i32
        %broadcast_in_dim3A_924 = vector.broadcast %broadcast_in_dim3A_923 : i32 to vector<16xi32>
        %add3A_925 = vector.broadcast %add3A_922 : i32 to vector<16xi32>
        %add3A_926 = arith.addi %broadcast_in_dim3A_924, %add3A_925 : vector<16xi32>
        %gather3A_927 = tpu.vector_load_idx %arg9[%add3A_926] : memref<128xf32, #tpu.memory_space<vmem>>[vector<16xi32>], vector<16xf32>,
        %get3A_928 = arith.index_cast %add3A_922 : i32 to index
        %get3A_929 = arith.constant 0 : index
        %get3A_930 = tpu.vector_load %arg11[%get3A_928, %get3A_929] {strides = array<i32>} : memref<128x128xf32, #tpu.memory_space<vmem>>, vector<16xf32>,
        %mul3A_931 = arith.mulf %get3A_930, %gather3A_927 : vector<16xf32>
        %swap3A_932 = arith.index_cast %add3A_922 : i32 to index
        %swap3A_933 = arith.constant 0 : index
        %swap3A_934 = tpu.vector_load %arg11[%swap3A_932, %swap3A_933] {strides = array<i32>} : memref<128x128xf32, #tpu.memory_space<vmem>>, vector<16xf32>,
        tpu.vector_store %arg11[%swap3A_932, %swap3A_933], %mul3A_931 {strides = array<i32>} : memref<128x128xf32, #tpu.memory_space<vmem>>, vector<16xf32>,
        %get3A_935 = arith.index_cast %add3A_922 : i32 to index
        %get3A_936 = arith.constant 16 : index
        %get3A_937 = tpu.vector_load %arg11[%get3A_935, %get3A_936] {strides = array<i32>} : memref<128x128xf32, #tpu.memory_space<vmem>>, vector<16xf32>,
        %mul3A_938 = arith.mulf %get3A_937, %gather3A_927 : vector<16xf32>
        %swap3A_939 = arith.index_cast %add3A_922 : i32 to index
        %swap3A_940 = arith.constant 16 : index
        %swap3A_941 = tpu.vector_load %arg11[%swap3A_939, %swap3A_940] {strides = array<i32>} : memref<128x128xf32, #tpu.memory_space<vmem>>, vector<16xf32>,
        tpu.vector_store %arg11[%swap3A_939, %swap3A_940], %mul3A_938 {strides = array<i32>} : memref<128x128xf32, #tpu.memory_space<vmem>>, vector<16xf32>,
        %get3A_942 = arith.index_cast %add3A_922 : i32 to index
        %get3A_943 = arith.constant 32 : index
        %get3A_944 = tpu.vector_load %arg11[%get3A_942, %get3A_943] {strides = array<i32>} : memref<128x128xf32, #tpu.memory_space<vmem>>, vector<16xf32>,
        %mul3A_945 = arith.mulf %get3A_944, %gather3A_927 : vector<16xf32>
        %swap3A_946 = arith.index_cast %add3A_922 : i32 to index
        %swap3A_947 = arith.constant 32 : index
        %swap3A_948 = tpu.vector_load %arg11[%swap3A_946, %swap3A_947] {strides = array<i32>} : memref<128x128xf32, #tpu.memory_space<vmem>>, vector<16xf32>,
        tpu.vector_store %arg11[%swap3A_946, %swap3A_947], %mul3A_945 {strides = array<i32>} : memref<128x128xf32, #tpu.memory_space<vmem>>, vector<16xf32>,
        %get3A_949 = arith.index_cast %add3A_922 : i32 to index
        %get3A_950 = arith.constant 48 : index
        %get3A_951 = tpu.vector_load %arg11[%get3A_949, %get3A_950] {strides = array<i32>} : memref<128x128xf32, #tpu.memory_space<vmem>>, vector<16xf32>,
        %mul3A_952 = arith.mulf %get3A_951, %gather3A_927 : vector<16xf32>
        %swap3A_953 = arith.index_cast %add3A_922 : i32 to index
        %swap3A_954 = arith.constant 48 : index
        %swap3A_955 = tpu.vector_load %arg11[%swap3A_953, %swap3A_954] {strides = array<i32>} : memref<128x128xf32, #tpu.memory_space<vmem>>, vector<16xf32>,
        tpu.vector_store %arg11[%swap3A_953, %swap3A_954], %mul3A_952 {strides = array<i32>} : memref<128x128xf32, #tpu.memory_space<vmem>>, vector<16xf32>,
        %get3A_956 = arith.index_cast %add3A_922 : i32 to index
        %get3A_957 = arith.constant 64 : index
        %get3A_958 = tpu.vector_load %arg11[%get3A_956, %get3A_957] {strides = array<i32>} : memref<128x128xf32, #tpu.memory_space<vmem>>, vector<16xf32>,
        %mul3A_959 = arith.mulf %get3A_958, %gather3A_927 : vector<16xf32>
        %swap3A_960 = arith.index_cast %add3A_922 : i32 to index
        %swap3A_961 = arith.constant 64 : index
        %swap3A_962 = tpu.vector_load %arg11[%swap3A_960, %swap3A_961] {strides = array<i32>} : memref<128x128xf32, #tpu.memory_space<vmem>>, vector<16xf32>,
        tpu.vector_store %arg11[%swap3A_960, %swap3A_961], %mul3A_959 {strides = array<i32>} : memref<128x128xf32, #tpu.memory_space<vmem>>, vector<16xf32>,
        %get3A_963 = arith.index_cast %add3A_922 : i32 to index
        %get3A_964 = arith.constant 80 : index
        %get3A_965 = tpu.vector_load %arg11[%get3A_963, %get3A_964] {strides = array<i32>} : memref<128x128xf32, #tpu.memory_space<vmem>>, vector<16xf32>,
        %mul3A_966 = arith.mulf %get3A_965, %gather3A_927 : vector<16xf32>
        %swap3A_967 = arith.index_cast %add3A_922 : i32 to index
        %swap3A_968 = arith.constant 80 : index
        %swap3A_969 = tpu.vector_load %arg11[%swap3A_967, %swap3A_968] {strides = array<i32>} : memref<128x128xf32, #tpu.memory_space<vmem>>, vector<16xf32>,
        tpu.vector_store %arg11[%swap3A_967, %swap3A_968], %mul3A_966 {strides = array<i32>} : memref<128x128xf32, #tpu.memory_space<vmem>>, vector<16xf32>,
        %get3A_970 = arith.index_cast %add3A_922 : i32 to index
        %get3A_971 = arith.constant 96 : index
        %get3A_972 = tpu.vector_load %arg11[%get3A_970, %get3A_971] {strides = array<i32>} : memref<128x128xf32, #tpu.memory_space<vmem>>, vector<16xf32>,
        %mul3A_973 = arith.mulf %get3A_972, %gather3A_927 : vector<16xf32>
        %swap3A_974 = arith.index_cast %add3A_922 : i32 to index
        %swap3A_975 = arith.constant 96 : index
        %swap3A_976 = tpu.vector_load %arg11[%swap3A_974, %swap3A_975] {strides = array<i32>} : memref<128x128xf32, #tpu.memory_space<vmem>>, vector<16xf32>,
        tpu.vector_store %arg11[%swap3A_974, %swap3A_975], %mul3A_973 {strides = array<i32>} : memref<128x128xf32, #tpu.memory_space<vmem>>, vector<16xf32>,
        %get3A_977 = arith.index_cast %add3A_922 : i32 to index
        %get3A_978 = arith.constant 112 : index
        %get3A_979 = tpu.vector_load %arg11[%get3A_977, %get3A_978] {strides = array<i32>} : memref<128x128xf32, #tpu.memory_space<vmem>>, vector<16xf32>,
        %mul3A_980 = arith.mulf %get3A_979, %gather3A_927 : vector<16xf32>
        %swap3A_981 = arith.index_cast %add3A_922 : i32 to index
        %swap3A_982 = arith.constant 112 : index
        %swap3A_983 = tpu.vector_load %arg11[%swap3A_981, %swap3A_982] {strides = array<i32>} : memref<128x128xf32, #tpu.memory_space<vmem>>, vector<16xf32>,
        tpu.vector_store %arg11[%swap3A_981, %swap3A_982], %mul3A_980 {strides = array<i32>} : memref<128x128xf32, #tpu.memory_space<vmem>>, vector<16xf32>,
        %add3A_984 = arith.constant 2 : i32
        %add3A_985 = arith.addi %add3A_859, %add3A_984 : i32
        %broadcast_in_dim3A_986 = arith.constant 0 : i32
        %broadcast_in_dim3A_987 = vector.broadcast %broadcast_in_dim3A_986 : i32 to vector<16xi32>
        %add3A_988 = vector.broadcast %add3A_985 : i32 to vector<16xi32>
        %add3A_989 = arith.addi %broadcast_in_dim3A_987, %add3A_988 : vector<16xi32>
        %gather3A_990 = tpu.vector_load_idx %arg9[%add3A_989] : memref<128xf32, #tpu.memory_space<vmem>>[vector<16xi32>], vector<16xf32>,
        %get3A_991 = arith.index_cast %add3A_985 : i32 to index
        %get3A_992 = arith.constant 0 : index
        %get3A_993 = tpu.vector_load %arg11[%get3A_991, %get3A_992] {strides = array<i32>} : memref<128x128xf32, #tpu.memory_space<vmem>>, vector<16xf32>,
        %mul3A_994 = arith.mulf %get3A_993, %gather3A_990 : vector<16xf32>
        %swap3A_995 = arith.index_cast %add3A_985 : i32 to index
        %swap3A_996 = arith.constant 0 : index
        %swap3A_997 = tpu.vector_load %arg11[%swap3A_995, %swap3A_996] {strides = array<i32>} : memref<128x128xf32, #tpu.memory_space<vmem>>, vector<16xf32>,
        tpu.vector_store %arg11[%swap3A_995, %swap3A_996], %mul3A_994 {strides = array<i32>} : memref<128x128xf32, #tpu.memory_space<vmem>>, vector<16xf32>,
        %get3A_998 = arith.index_cast %add3A_985 : i32 to index
        %get3A_999 = arith.constant 16 : index
        %get3A_1000 = tpu.vector_load %arg11[%get3A_998, %get3A_999] {strides = array<i32>} : memref<128x128xf32, #tpu.memory_space<vmem>>, vector<16xf32>,
        %mul3A_1001 = arith.mulf %get3A_1000, %gather3A_990 : vector<16xf32>
        %swap3A_1002 = arith.index_cast %add3A_985 : i32 to index
        %swap3A_1003 = arith.constant 16 : index
        %swap3A_1004 = tpu.vector_load %arg11[%swap3A_1002, %swap3A_1003] {strides = array<i32>} : memref<128x128xf32, #tpu.memory_space<vmem>>, vector<16xf32>,
        tpu.vector_store %arg11[%swap3A_1002, %swap3A_1003], %mul3A_1001 {strides = array<i32>} : memref<128x128xf32, #tpu.memory_space<vmem>>, vector<16xf32>,
        %get3A_1005 = arith.index_cast %add3A_985 : i32 to index
        %get3A_1006 = arith.constant 32 : index
        %get3A_1007 = tpu.vector_load %arg11[%get3A_1005, %get3A_1006] {strides = array<i32>} : memref<128x128xf32, #tpu.memory_space<vmem>>, vector<16xf32>,
        %mul3A_1008 = arith.mulf %get3A_1007, %gather3A_990 : vector<16xf32>
        %swap3A_1009 = arith.index_cast %add3A_985 : i32 to index
        %swap3A_1010 = arith.constant 32 : index
        %swap3A_1011 = tpu.vector_load %arg11[%swap3A_1009, %swap3A_1010] {strides = array<i32>} : memref<128x128xf32, #tpu.memory_space<vmem>>, vector<16xf32>,
        tpu.vector_store %arg11[%swap3A_1009, %swap3A_1010], %mul3A_1008 {strides = array<i32>} : memref<128x128xf32, #tpu.memory_space<vmem>>, vector<16xf32>,
        %get3A_1012 = arith.index_cast %add3A_985 : i32 to index
        %get3A_1013 = arith.constant 48 : index
        %get3A_1014 = tpu.vector_load %arg11[%get3A_1012, %get3A_1013] {strides = array<i32>} : memref<128x128xf32, #tpu.memory_space<vmem>>, vector<16xf32>,
        %mul3A_1015 = arith.mulf %get3A_1014, %gather3A_990 : vector<16xf32>
        %swap3A_1016 = arith.index_cast %add3A_985 : i32 to index
        %swap3A_1017 = arith.constant 48 : index
        %swap3A_1018 = tpu.vector_load %arg11[%swap3A_1016, %swap3A_1017] {strides = array<i32>} : memref<128x128xf32, #tpu.memory_space<vmem>>, vector<16xf32>,
        tpu.vector_store %arg11[%swap3A_1016, %swap3A_1017], %mul3A_1015 {strides = array<i32>} : memref<128x128xf32, #tpu.memory_space<vmem>>, vector<16xf32>,
        %get3A_1019 = arith.index_cast %add3A_985 : i32 to index
        %get3A_1020 = arith.constant 64 : index
        %get3A_1021 = tpu.vector_load %arg11[%get3A_1019, %get3A_1020] {strides = array<i32>} : memref<128x128xf32, #tpu.memory_space<vmem>>, vector<16xf32>,
        %mul3A_1022 = arith.mulf %get3A_1021, %gather3A_990 : vector<16xf32>
        %swap3A_1023 = arith.index_cast %add3A_985 : i32 to index
        %swap3A_1024 = arith.constant 64 : index
        %swap3A_1025 = tpu.vector_load %arg11[%swap3A_1023, %swap3A_1024] {strides = array<i32>} : memref<128x128xf32, #tpu.memory_space<vmem>>, vector<16xf32>,
        tpu.vector_store %arg11[%swap3A_1023, %swap3A_1024], %mul3A_1022 {strides = array<i32>} : memref<128x128xf32, #tpu.memory_space<vmem>>, vector<16xf32>,
        %get3A_1026 = arith.index_cast %add3A_985 : i32 to index
        %get3A_1027 = arith.constant 80 : index
        %get3A_1028 = tpu.vector_load %arg11[%get3A_1026, %get3A_1027] {strides = array<i32>} : memref<128x128xf32, #tpu.memory_space<vmem>>, vector<16xf32>,
        %mul3A_1029 = arith.mulf %get3A_1028, %gather3A_990 : vector<16xf32>
        %swap3A_1030 = arith.index_cast %add3A_985 : i32 to index
        %swap3A_1031 = arith.constant 80 : index
        %swap3A_1032 = tpu.vector_load %arg11[%swap3A_1030, %swap3A_1031] {strides = array<i32>} : memref<128x128xf32, #tpu.memory_space<vmem>>, vector<16xf32>,
        tpu.vector_store %arg11[%swap3A_1030, %swap3A_1031], %mul3A_1029 {strides = array<i32>} : memref<128x128xf32, #tpu.memory_space<vmem>>, vector<16xf32>,
        %get3A_1033 = arith.index_cast %add3A_985 : i32 to index
        %get3A_1034 = arith.constant 96 : index
        %get3A_1035 = tpu.vector_load %arg11[%get3A_1033, %get3A_1034] {strides = array<i32>} : memref<128x128xf32, #tpu.memory_space<vmem>>, vector<16xf32>,
        %mul3A_1036 = arith.mulf %get3A_1035, %gather3A_990 : vector<16xf32>
        %swap3A_1037 = arith.index_cast %add3A_985 : i32 to index
        %swap3A_1038 = arith.constant 96 : index
        %swap3A_1039 = tpu.vector_load %arg11[%swap3A_1037, %swap3A_1038] {strides = array<i32>} : memref<128x128xf32, #tpu.memory_space<vmem>>, vector<16xf32>,
        tpu.vector_store %arg11[%swap3A_1037, %swap3A_1038], %mul3A_1036 {strides = array<i32>} : memref<128x128xf32, #tpu.memory_space<vmem>>, vector<16xf32>,
        %get3A_1040 = arith.index_cast %add3A_985 : i32 to index
        %get3A_1041 = arith.constant 112 : index
        %get3A_1042 = tpu.vector_load %arg11[%get3A_1040, %get3A_1041] {strides = array<i32>} : memref<128x128xf32, #tpu.memory_space<vmem>>, vector<16xf32>,
        %mul3A_1043 = arith.mulf %get3A_1042, %gather3A_990 : vector<16xf32>
        %swap3A_1044 = arith.index_cast %add3A_985 : i32 to index
        %swap3A_1045 = arith.constant 112 : index
        %swap3A_1046 = tpu.vector_load %arg11[%swap3A_1044, %swap3A_1045] {strides = array<i32>} : memref<128x128xf32, #tpu.memory_space<vmem>>, vector<16xf32>,
        tpu.vector_store %arg11[%swap3A_1044, %swap3A_1045], %mul3A_1043 {strides = array<i32>} : memref<128x128xf32, #tpu.memory_space<vmem>>, vector<16xf32>,
        %add3A_1047 = arith.constant 3 : i32
        %add3A_1048 = arith.addi %add3A_859, %add3A_1047 : i32
        %broadcast_in_dim3A_1049 = arith.constant 0 : i32
        %broadcast_in_dim3A_1050 = vector.broadcast %broadcast_in_dim3A_1049 : i32 to vector<16xi32>
        %add3A_1051 = vector.broadcast %add3A_1048 : i32 to vector<16xi32>
        %add3A_1052 = arith.addi %broadcast_in_dim3A_1050, %add3A_1051 : vector<16xi32>
        %gather3A_1053 = tpu.vector_load_idx %arg9[%add3A_1052] : memref<128xf32, #tpu.memory_space<vmem>>[vector<16xi32>], vector<16xf32>,
        %get3A_1054 = arith.index_cast %add3A_1048 : i32 to index
        %get3A_1055 = arith.constant 0 : index
        %get3A_1056 = tpu.vector_load %arg11[%get3A_1054, %get3A_1055] {strides = array<i32>} : memref<128x128xf32, #tpu.memory_space<vmem>>, vector<16xf32>,
        %mul3A_1057 = arith.mulf %get3A_1056, %gather3A_1053 : vector<16xf32>
        %swap3A_1058 = arith.index_cast %add3A_1048 : i32 to index
        %swap3A_1059 = arith.constant 0 : index
        %swap3A_1060 = tpu.vector_load %arg11[%swap3A_1058, %swap3A_1059] {strides = array<i32>} : memref<128x128xf32, #tpu.memory_space<vmem>>, vector<16xf32>,
        tpu.vector_store %arg11[%swap3A_1058, %swap3A_1059], %mul3A_1057 {strides = array<i32>} : memref<128x128xf32, #tpu.memory_space<vmem>>, vector<16xf32>,
        %get3A_1061 = arith.index_cast %add3A_1048 : i32 to index
        %get3A_1062 = arith.constant 16 : index
        %get3A_1063 = tpu.vector_load %arg11[%get3A_1061, %get3A_1062] {strides = array<i32>} : memref<128x128xf32, #tpu.memory_space<vmem>>, vector<16xf32>,
        %mul3A_1064 = arith.mulf %get3A_1063, %gather3A_1053 : vector<16xf32>
        %swap3A_1065 = arith.index_cast %add3A_1048 : i32 to index
        %swap3A_1066 = arith.constant 16 : index
        %swap3A_1067 = tpu.vector_load %arg11[%swap3A_1065, %swap3A_1066] {strides = array<i32>} : memref<128x128xf32, #tpu.memory_space<vmem>>, vector<16xf32>,
        tpu.vector_store %arg11[%swap3A_1065, %swap3A_1066], %mul3A_1064 {strides = array<i32>} : memref<128x128xf32, #tpu.memory_space<vmem>>, vector<16xf32>,
        %get3A_1068 = arith.index_cast %add3A_1048 : i32 to index
        %get3A_1069 = arith.constant 32 : index
        %get3A_1070 = tpu.vector_load %arg11[%get3A_1068, %get3A_1069] {strides = array<i32>} : memref<128x128xf32, #tpu.memory_space<vmem>>, vector<16xf32>,
        %mul3A_1071 = arith.mulf %get3A_1070, %gather3A_1053 : vector<16xf32>
        %swap3A_1072 = arith.index_cast %add3A_1048 : i32 to index
        %swap3A_1073 = arith.constant 32 : index
        %swap3A_1074 = tpu.vector_load %arg11[%swap3A_1072, %swap3A_1073] {strides = array<i32>} : memref<128x128xf32, #tpu.memory_space<vmem>>, vector<16xf32>,
        tpu.vector_store %arg11[%swap3A_1072, %swap3A_1073], %mul3A_1071 {strides = array<i32>} : memref<128x128xf32, #tpu.memory_space<vmem>>, vector<16xf32>,
        %get3A_1075 = arith.index_cast %add3A_1048 : i32 to index
        %get3A_1076 = arith.constant 48 : index
        %get3A_1077 = tpu.vector_load %arg11[%get3A_1075, %get3A_1076] {strides = array<i32>} : memref<128x128xf32, #tpu.memory_space<vmem>>, vector<16xf32>,
        %mul3A_1078 = arith.mulf %get3A_1077, %gather3A_1053 : vector<16xf32>
        %swap3A_1079 = arith.index_cast %add3A_1048 : i32 to index
        %swap3A_1080 = arith.constant 48 : index
        %swap3A_1081 = tpu.vector_load %arg11[%swap3A_1079, %swap3A_1080] {strides = array<i32>} : memref<128x128xf32, #tpu.memory_space<vmem>>, vector<16xf32>,
        tpu.vector_store %arg11[%swap3A_1079, %swap3A_1080], %mul3A_1078 {strides = array<i32>} : memref<128x128xf32, #tpu.memory_space<vmem>>, vector<16xf32>,
        %get3A_1082 = arith.index_cast %add3A_1048 : i32 to index
        %get3A_1083 = arith.constant 64 : index
        %get3A_1084 = tpu.vector_load %arg11[%get3A_1082, %get3A_1083] {strides = array<i32>} : memref<128x128xf32, #tpu.memory_space<vmem>>, vector<16xf32>,
        %mul3A_1085 = arith.mulf %get3A_1084, %gather3A_1053 : vector<16xf32>
        %swap3A_1086 = arith.index_cast %add3A_1048 : i32 to index
        %swap3A_1087 = arith.constant 64 : index
        %swap3A_1088 = tpu.vector_load %arg11[%swap3A_1086, %swap3A_1087] {strides = array<i32>} : memref<128x128xf32, #tpu.memory_space<vmem>>, vector<16xf32>,
        tpu.vector_store %arg11[%swap3A_1086, %swap3A_1087], %mul3A_1085 {strides = array<i32>} : memref<128x128xf32, #tpu.memory_space<vmem>>, vector<16xf32>,
        %get3A_1089 = arith.index_cast %add3A_1048 : i32 to index
        %get3A_1090 = arith.constant 80 : index
        %get3A_1091 = tpu.vector_load %arg11[%get3A_1089, %get3A_1090] {strides = array<i32>} : memref<128x128xf32, #tpu.memory_space<vmem>>, vector<16xf32>,
        %mul3A_1092 = arith.mulf %get3A_1091, %gather3A_1053 : vector<16xf32>
        %swap3A_1093 = arith.index_cast %add3A_1048 : i32 to index
        %swap3A_1094 = arith.constant 80 : index
        %swap3A_1095 = tpu.vector_load %arg11[%swap3A_1093, %swap3A_1094] {strides = array<i32>} : memref<128x128xf32, #tpu.memory_space<vmem>>, vector<16xf32>,
        tpu.vector_store %arg11[%swap3A_1093, %swap3A_1094], %mul3A_1092 {strides = array<i32>} : memref<128x128xf32, #tpu.memory_space<vmem>>, vector<16xf32>,
        %get3A_1096 = arith.index_cast %add3A_1048 : i32 to index
        %get3A_1097 = arith.constant 96 : index
        %get3A_1098 = tpu.vector_load %arg11[%get3A_1096, %get3A_1097] {strides = array<i32>} : memref<128x128xf32, #tpu.memory_space<vmem>>, vector<16xf32>,
        %mul3A_1099 = arith.mulf %get3A_1098, %gather3A_1053 : vector<16xf32>
        %swap3A_1100 = arith.index_cast %add3A_1048 : i32 to index
        %swap3A_1101 = arith.constant 96 : index
        %swap3A_1102 = tpu.vector_load %arg11[%swap3A_1100, %swap3A_1101] {strides = array<i32>} : memref<128x128xf32, #tpu.memory_space<vmem>>, vector<16xf32>,
        tpu.vector_store %arg11[%swap3A_1100, %swap3A_1101], %mul3A_1099 {strides = array<i32>} : memref<128x128xf32, #tpu.memory_space<vmem>>, vector<16xf32>,
        %get3A_1103 = arith.index_cast %add3A_1048 : i32 to index
        %get3A_1104 = arith.constant 112 : index
        %get3A_1105 = tpu.vector_load %arg11[%get3A_1103, %get3A_1104] {strides = array<i32>} : memref<128x128xf32, #tpu.memory_space<vmem>>, vector<16xf32>,
        %mul3A_1106 = arith.mulf %get3A_1105, %gather3A_1053 : vector<16xf32>
        %swap3A_1107 = arith.index_cast %add3A_1048 : i32 to index
        %swap3A_1108 = arith.constant 112 : index
        %swap3A_1109 = tpu.vector_load %arg11[%swap3A_1107, %swap3A_1108] {strides = array<i32>} : memref<128x128xf32, #tpu.memory_space<vmem>>, vector<16xf32>,
        tpu.vector_store %arg11[%swap3A_1107, %swap3A_1108], %mul3A_1106 {strides = array<i32>} : memref<128x128xf32, #tpu.memory_space<vmem>>, vector<16xf32>,
      }
      %scan3A_854 = arith.constant 32 : i32
      "tpu.region"() ({
        %run_scoped3A = tpu.sem_alloc : memref<!tpu.dma_semaphore, #tpu.memory_space<semaphore_mem>>
        %dma_start3A_855 = arith.constant 0 : i32
        %dma_start3A_856 = arith.constant 0 : i32
        %dma_start3A_857 = tpu.memref_slice %arg13[%dma_start3A_855, %dma_start3A_856] : memref<10240x128xf32, #tpu.memory_space<vmem_shared>> -> memref<10240x128xf32, #tpu.memory_space<vmem_shared>>
        tpu.enqueue_indirect_dma source(%arg11 : memref<128x128xf32, #tpu.memory_space<vmem>>) target(%dma_start3A_857 : memref<10240x128xf32, #tpu.memory_space<vmem_shared>>) offsets(%arg8 : memref<128xi32, #tpu.memory_space<vmem>>) semaphore(%run_scoped3A : memref<!tpu.dma_semaphore, #tpu.memory_space<semaphore_mem>>) {add = true}
        %dma_wait3A_858 = arith.constant 0 : i32
        %dma_wait3A_859 = arith.constant 0 : i32
        %dma_wait3A_860 = tpu.memref_slice %arg13[%dma_wait3A_858, %dma_wait3A_859] : memref<10240x128xf32, #tpu.memory_space<vmem_shared>> -> memref<10240x128xf32, #tpu.memory_space<vmem_shared>>
        tpu.wait_indirect_dma semaphore(%run_scoped3A : memref<!tpu.dma_semaphore, #tpu.memory_space<semaphore_mem>>) src(%arg11 : memref<128x128xf32, #tpu.memory_space<vmem>>) dst(%dma_wait3A_860 : memref<10240x128xf32, #tpu.memory_space<vmem_shared>>)
        tpu.yield
      }) : () -> ()
    }
    %scan3A_414 = arith.constant 79 : i32
    %barrier3A_415 = arith.constant 0 : index
    tpu.barrier barrier_id(%barrier3A_415)
    %mul3A_416 = arith.constant 640 : i32
    %mul3A_417 = arith.muli %arg1, %mul3A_416 : i32
    %add3A_418 = arith.constant 0 : i32
    %add3A_419 = arith.addi %mul3A_417, %add3A_418 : i32
    %add3A_420 = arith.constant 0 : i32
    %add3A_421 = arith.addi %add3A_419, %add3A_420 : i32
    %add3A_422 = vector.broadcast %add3A_421 : i32 to vector<16xi32>
    %add3A_423 = arith.addi %add3A_422, %iota3A : vector<16xi32>
    %swap3A_424 = arith.constant 0 : index
    %swap3A_425 = tpu.vector_load %arg10[%swap3A_424] {strides = array<i32>} : memref<128xi32, #tpu.memory_space<vmem>>, vector<16xi32>,
    tpu.vector_store %arg10[%swap3A_424], %add3A_423 {strides = array<i32>} : memref<128xi32, #tpu.memory_space<vmem>>, vector<16xi32>,
    %mul3A_426 = arith.constant 640 : i32
    %mul3A_427 = arith.muli %arg1, %mul3A_426 : i32
    %add3A_428 = arith.constant 0 : i32
    %add3A_429 = arith.addi %mul3A_427, %add3A_428 : i32
    %add3A_430 = arith.constant 16 : i32
    %add3A_431 = arith.addi %add3A_429, %add3A_430 : i32
    %add3A_432 = vector.broadcast %add3A_431 : i32 to vector<16xi32>
    %add3A_433 = arith.addi %add3A_432, %iota3A : vector<16xi32>
    %swap3A_434 = arith.constant 16 : index
    %swap3A_435 = tpu.vector_load %arg10[%swap3A_434] {strides = array<i32>} : memref<128xi32, #tpu.memory_space<vmem>>, vector<16xi32>,
    tpu.vector_store %arg10[%swap3A_434], %add3A_433 {strides = array<i32>} : memref<128xi32, #tpu.memory_space<vmem>>, vector<16xi32>,
    %mul3A_436 = arith.constant 640 : i32
    %mul3A_437 = arith.muli %arg1, %mul3A_436 : i32
    %add3A_438 = arith.constant 0 : i32
    %add3A_439 = arith.addi %mul3A_437, %add3A_438 : i32
    %add3A_440 = arith.constant 32 : i32
    %add3A_441 = arith.addi %add3A_439, %add3A_440 : i32
    %add3A_442 = vector.broadcast %add3A_441 : i32 to vector<16xi32>
    %add3A_443 = arith.addi %add3A_442, %iota3A : vector<16xi32>
    %swap3A_444 = arith.constant 32 : index
    %swap3A_445 = tpu.vector_load %arg10[%swap3A_444] {strides = array<i32>} : memref<128xi32, #tpu.memory_space<vmem>>, vector<16xi32>,
    tpu.vector_store %arg10[%swap3A_444], %add3A_443 {strides = array<i32>} : memref<128xi32, #tpu.memory_space<vmem>>, vector<16xi32>,
    %mul3A_446 = arith.constant 640 : i32
    %mul3A_447 = arith.muli %arg1, %mul3A_446 : i32
    %add3A_448 = arith.constant 0 : i32
    %add3A_449 = arith.addi %mul3A_447, %add3A_448 : i32
    %add3A_450 = arith.constant 48 : i32
    %add3A_451 = arith.addi %add3A_449, %add3A_450 : i32
    %add3A_452 = vector.broadcast %add3A_451 : i32 to vector<16xi32>
    %add3A_453 = arith.addi %add3A_452, %iota3A : vector<16xi32>
    %swap3A_454 = arith.constant 48 : index
    %swap3A_455 = tpu.vector_load %arg10[%swap3A_454] {strides = array<i32>} : memref<128xi32, #tpu.memory_space<vmem>>, vector<16xi32>,
    tpu.vector_store %arg10[%swap3A_454], %add3A_453 {strides = array<i32>} : memref<128xi32, #tpu.memory_space<vmem>>, vector<16xi32>,
    %mul3A_456 = arith.constant 640 : i32
    %mul3A_457 = arith.muli %arg1, %mul3A_456 : i32
    %add3A_458 = arith.constant 0 : i32
    %add3A_459 = arith.addi %mul3A_457, %add3A_458 : i32
    %add3A_460 = arith.constant 64 : i32
    %add3A_461 = arith.addi %add3A_459, %add3A_460 : i32
    %add3A_462 = vector.broadcast %add3A_461 : i32 to vector<16xi32>
    %add3A_463 = arith.addi %add3A_462, %iota3A : vector<16xi32>
    %swap3A_464 = arith.constant 64 : index
    %swap3A_465 = tpu.vector_load %arg10[%swap3A_464] {strides = array<i32>} : memref<128xi32, #tpu.memory_space<vmem>>, vector<16xi32>,
    tpu.vector_store %arg10[%swap3A_464], %add3A_463 {strides = array<i32>} : memref<128xi32, #tpu.memory_space<vmem>>, vector<16xi32>,
    %mul3A_466 = arith.constant 640 : i32
    %mul3A_467 = arith.muli %arg1, %mul3A_466 : i32
    %add3A_468 = arith.constant 0 : i32
    %add3A_469 = arith.addi %mul3A_467, %add3A_468 : i32
    %add3A_470 = arith.constant 80 : i32
    %add3A_471 = arith.addi %add3A_469, %add3A_470 : i32
    %add3A_472 = vector.broadcast %add3A_471 : i32 to vector<16xi32>
    %add3A_473 = arith.addi %add3A_472, %iota3A : vector<16xi32>
    %swap3A_474 = arith.constant 80 : index
    %swap3A_475 = tpu.vector_load %arg10[%swap3A_474] {strides = array<i32>} : memref<128xi32, #tpu.memory_space<vmem>>, vector<16xi32>,
    tpu.vector_store %arg10[%swap3A_474], %add3A_473 {strides = array<i32>} : memref<128xi32, #tpu.memory_space<vmem>>, vector<16xi32>,
    %mul3A_476 = arith.constant 640 : i32
    %mul3A_477 = arith.muli %arg1, %mul3A_476 : i32
    %add3A_478 = arith.constant 0 : i32
    %add3A_479 = arith.addi %mul3A_477, %add3A_478 : i32
    %add3A_480 = arith.constant 96 : i32
    %add3A_481 = arith.addi %add3A_479, %add3A_480 : i32
    %add3A_482 = vector.broadcast %add3A_481 : i32 to vector<16xi32>
    %add3A_483 = arith.addi %add3A_482, %iota3A : vector<16xi32>
    %swap3A_484 = arith.constant 96 : index
    %swap3A_485 = tpu.vector_load %arg10[%swap3A_484] {strides = array<i32>} : memref<128xi32, #tpu.memory_space<vmem>>, vector<16xi32>,
    tpu.vector_store %arg10[%swap3A_484], %add3A_483 {strides = array<i32>} : memref<128xi32, #tpu.memory_space<vmem>>, vector<16xi32>,
    %mul3A_486 = arith.constant 640 : i32
    %mul3A_487 = arith.muli %arg1, %mul3A_486 : i32
    %add3A_488 = arith.constant 0 : i32
    %add3A_489 = arith.addi %mul3A_487, %add3A_488 : i32
    %add3A_490 = arith.constant 112 : i32
    %add3A_491 = arith.addi %add3A_489, %add3A_490 : i32
    %add3A_492 = vector.broadcast %add3A_491 : i32 to vector<16xi32>
    %add3A_493 = arith.addi %add3A_492, %iota3A : vector<16xi32>
    %swap3A_494 = arith.constant 112 : index
    %swap3A_495 = tpu.vector_load %arg10[%swap3A_494] {strides = array<i32>} : memref<128xi32, #tpu.memory_space<vmem>>, vector<16xi32>,
    tpu.vector_store %arg10[%swap3A_494], %add3A_493 {strides = array<i32>} : memref<128xi32, #tpu.memory_space<vmem>>, vector<16xi32>,
    "tpu.region"() ({
      %run_scoped3A = tpu.sem_alloc : memref<!tpu.dma_semaphore, #tpu.memory_space<semaphore_mem>>
      %dma_start3A = arith.constant 0 : i32
      %dma_start3A_836 = arith.constant 0 : i32
      %dma_start3A_837 = tpu.memref_slice %arg13[%dma_start3A, %dma_start3A_836] : memref<10240x128xf32, #tpu.memory_space<vmem_shared>> -> memref<10240x128xf32, #tpu.memory_space<vmem_shared>>
      tpu.enqueue_indirect_dma source(%dma_start3A_837 : memref<10240x128xf32, #tpu.memory_space<vmem_shared>>) target(%arg11 : memref<128x128xf32, #tpu.memory_space<vmem>>) offsets(%arg10 : memref<128xi32, #tpu.memory_space<vmem>>) semaphore(%run_scoped3A : memref<!tpu.dma_semaphore, #tpu.memory_space<semaphore_mem>>)
      %dma_wait3A = arith.constant 0 : i32
      %dma_wait3A_838 = arith.constant 0 : i32
      %dma_wait3A_839 = tpu.memref_slice %arg13[%dma_wait3A, %dma_wait3A_838] : memref<10240x128xf32, #tpu.memory_space<vmem_shared>> -> memref<10240x128xf32, #tpu.memory_space<vmem_shared>>
      tpu.wait_indirect_dma semaphore(%run_scoped3A : memref<!tpu.dma_semaphore, #tpu.memory_space<semaphore_mem>>) src(%dma_wait3A_839 : memref<10240x128xf32, #tpu.memory_space<vmem_shared>>) dst(%arg11 : memref<128x128xf32, #tpu.memory_space<vmem>>)
      tpu.yield
    }) : () -> ()
    %mul3A_496 = arith.constant 640 : i32
    %mul3A_497 = arith.muli %arg1, %mul3A_496 : i32
    %add3A_498 = arith.constant 0 : i32
    %add3A_499 = arith.addi %mul3A_497, %add3A_498 : i32
    "tpu.region"() ({
      %run_scoped3A = tpu.sem_alloc : memref<!tpu.dma_semaphore, #tpu.memory_space<semaphore_mem>>
      %dma_start3A = arith.constant 0 : i32
      %dma_start3A_836 = tpu.memref_slice %arg6[%arg0, %add3A_499, %dma_start3A] : memref<2x10240x128xf32, #tpu.memory_space<hbm>> -> memref<1x128x128xf32, #tpu.memory_space<hbm>>
      %dma_start3A_837 = tpu.memref_squeeze %dma_start3A_836 : memref<1x128x128xf32, #tpu.memory_space<hbm>> -> memref<128x128xf32, #tpu.memory_space<hbm>>
      %dma_start3A_838 = arith.constant 0 : i32
      %dma_start3A_839 = tpu.memref_slice %arg6[%arg0, %add3A_499, %dma_start3A_838] : memref<2x10240x128xf32, #tpu.memory_space<hbm>> -> memref<1x128x128xf32, #tpu.memory_space<hbm>>
      %dma_start3A_840 = tpu.memref_squeeze %dma_start3A_839 : memref<1x128x128xf32, #tpu.memory_space<hbm>> -> memref<128x128xf32, #tpu.memory_space<hbm>>
      tpu.enqueue_dma source(%arg11 : memref<128x128xf32, #tpu.memory_space<vmem>>) target(%dma_start3A_840 : memref<128x128xf32, #tpu.memory_space<hbm>>) target_semaphore(%run_scoped3A : memref<!tpu.dma_semaphore, #tpu.memory_space<semaphore_mem>>)
      %dma_wait3A = arith.constant 0 : i32
      %dma_wait3A_841 = tpu.memref_slice %arg6[%arg0, %add3A_499, %dma_wait3A] : memref<2x10240x128xf32, #tpu.memory_space<hbm>> -> memref<1x128x128xf32, #tpu.memory_space<hbm>>
      %dma_wait3A_842 = tpu.memref_squeeze %dma_wait3A_841 : memref<1x128x128xf32, #tpu.memory_space<hbm>> -> memref<128x128xf32, #tpu.memory_space<hbm>>
      %dma_wait3A_843 = arith.constant 0 : i32
      %dma_wait3A_844 = tpu.memref_slice %arg6[%arg0, %add3A_499, %dma_wait3A_843] : memref<2x10240x128xf32, #tpu.memory_space<hbm>> -> memref<1x128x128xf32, #tpu.memory_space<hbm>>
      %dma_wait3A_845 = tpu.memref_squeeze %dma_wait3A_844 : memref<1x128x128xf32, #tpu.memory_space<hbm>> -> memref<128x128xf32, #tpu.memory_space<hbm>>
      tpu.wait_dma2 semaphore(%run_scoped3A : memref<!tpu.dma_semaphore, #tpu.memory_space<semaphore_mem>>) src(%arg11 : memref<128x128xf32, #tpu.memory_space<vmem>>) dst(%dma_wait3A_845 : memref<128x128xf32, #tpu.memory_space<hbm>>)
      tpu.yield
    }) : () -> ()
    %mul3A_500 = arith.constant 640 : i32
    %mul3A_501 = arith.muli %arg1, %mul3A_500 : i32
    %add3A_502 = arith.constant 128 : i32
    %add3A_503 = arith.addi %mul3A_501, %add3A_502 : i32
    %add3A_504 = arith.constant 0 : i32
    %add3A_505 = arith.addi %add3A_503, %add3A_504 : i32
    %add3A_506 = vector.broadcast %add3A_505 : i32 to vector<16xi32>
    %add3A_507 = arith.addi %add3A_506, %iota3A : vector<16xi32>
    %swap3A_508 = arith.constant 0 : index
    %swap3A_509 = tpu.vector_load %arg10[%swap3A_508] {strides = array<i32>} : memref<128xi32, #tpu.memory_space<vmem>>, vector<16xi32>,
    tpu.vector_store %arg10[%swap3A_508], %add3A_507 {strides = array<i32>} : memref<128xi32, #tpu.memory_space<vmem>>, vector<16xi32>,
    %mul3A_510 = arith.constant 640 : i32
    %mul3A_511 = arith.muli %arg1, %mul3A_510 : i32
    %add3A_512 = arith.constant 128 : i32
    %add3A_513 = arith.addi %mul3A_511, %add3A_512 : i32
    %add3A_514 = arith.constant 16 : i32
    %add3A_515 = arith.addi %add3A_513, %add3A_514 : i32
    %add3A_516 = vector.broadcast %add3A_515 : i32 to vector<16xi32>
    %add3A_517 = arith.addi %add3A_516, %iota3A : vector<16xi32>
    %swap3A_518 = arith.constant 16 : index
    %swap3A_519 = tpu.vector_load %arg10[%swap3A_518] {strides = array<i32>} : memref<128xi32, #tpu.memory_space<vmem>>, vector<16xi32>,
    tpu.vector_store %arg10[%swap3A_518], %add3A_517 {strides = array<i32>} : memref<128xi32, #tpu.memory_space<vmem>>, vector<16xi32>,
    %mul3A_520 = arith.constant 640 : i32
    %mul3A_521 = arith.muli %arg1, %mul3A_520 : i32
    %add3A_522 = arith.constant 128 : i32
    %add3A_523 = arith.addi %mul3A_521, %add3A_522 : i32
    %add3A_524 = arith.constant 32 : i32
    %add3A_525 = arith.addi %add3A_523, %add3A_524 : i32
    %add3A_526 = vector.broadcast %add3A_525 : i32 to vector<16xi32>
    %add3A_527 = arith.addi %add3A_526, %iota3A : vector<16xi32>
    %swap3A_528 = arith.constant 32 : index
    %swap3A_529 = tpu.vector_load %arg10[%swap3A_528] {strides = array<i32>} : memref<128xi32, #tpu.memory_space<vmem>>, vector<16xi32>,
    tpu.vector_store %arg10[%swap3A_528], %add3A_527 {strides = array<i32>} : memref<128xi32, #tpu.memory_space<vmem>>, vector<16xi32>,
    %mul3A_530 = arith.constant 640 : i32
    %mul3A_531 = arith.muli %arg1, %mul3A_530 : i32
    %add3A_532 = arith.constant 128 : i32
    %add3A_533 = arith.addi %mul3A_531, %add3A_532 : i32
    %add3A_534 = arith.constant 48 : i32
    %add3A_535 = arith.addi %add3A_533, %add3A_534 : i32
    %add3A_536 = vector.broadcast %add3A_535 : i32 to vector<16xi32>
    %add3A_537 = arith.addi %add3A_536, %iota3A : vector<16xi32>
    %swap3A_538 = arith.constant 48 : index
    %swap3A_539 = tpu.vector_load %arg10[%swap3A_538] {strides = array<i32>} : memref<128xi32, #tpu.memory_space<vmem>>, vector<16xi32>,
    tpu.vector_store %arg10[%swap3A_538], %add3A_537 {strides = array<i32>} : memref<128xi32, #tpu.memory_space<vmem>>, vector<16xi32>,
    %mul3A_540 = arith.constant 640 : i32
    %mul3A_541 = arith.muli %arg1, %mul3A_540 : i32
    %add3A_542 = arith.constant 128 : i32
    %add3A_543 = arith.addi %mul3A_541, %add3A_542 : i32
    %add3A_544 = arith.constant 64 : i32
    %add3A_545 = arith.addi %add3A_543, %add3A_544 : i32
    %add3A_546 = vector.broadcast %add3A_545 : i32 to vector<16xi32>
    %add3A_547 = arith.addi %add3A_546, %iota3A : vector<16xi32>
    %swap3A_548 = arith.constant 64 : index
    %swap3A_549 = tpu.vector_load %arg10[%swap3A_548] {strides = array<i32>} : memref<128xi32, #tpu.memory_space<vmem>>, vector<16xi32>,
    tpu.vector_store %arg10[%swap3A_548], %add3A_547 {strides = array<i32>} : memref<128xi32, #tpu.memory_space<vmem>>, vector<16xi32>,
    %mul3A_550 = arith.constant 640 : i32
    %mul3A_551 = arith.muli %arg1, %mul3A_550 : i32
    %add3A_552 = arith.constant 128 : i32
    %add3A_553 = arith.addi %mul3A_551, %add3A_552 : i32
    %add3A_554 = arith.constant 80 : i32
    %add3A_555 = arith.addi %add3A_553, %add3A_554 : i32
    %add3A_556 = vector.broadcast %add3A_555 : i32 to vector<16xi32>
    %add3A_557 = arith.addi %add3A_556, %iota3A : vector<16xi32>
    %swap3A_558 = arith.constant 80 : index
    %swap3A_559 = tpu.vector_load %arg10[%swap3A_558] {strides = array<i32>} : memref<128xi32, #tpu.memory_space<vmem>>, vector<16xi32>,
    tpu.vector_store %arg10[%swap3A_558], %add3A_557 {strides = array<i32>} : memref<128xi32, #tpu.memory_space<vmem>>, vector<16xi32>,
    %mul3A_560 = arith.constant 640 : i32
    %mul3A_561 = arith.muli %arg1, %mul3A_560 : i32
    %add3A_562 = arith.constant 128 : i32
    %add3A_563 = arith.addi %mul3A_561, %add3A_562 : i32
    %add3A_564 = arith.constant 96 : i32
    %add3A_565 = arith.addi %add3A_563, %add3A_564 : i32
    %add3A_566 = vector.broadcast %add3A_565 : i32 to vector<16xi32>
    %add3A_567 = arith.addi %add3A_566, %iota3A : vector<16xi32>
    %swap3A_568 = arith.constant 96 : index
    %swap3A_569 = tpu.vector_load %arg10[%swap3A_568] {strides = array<i32>} : memref<128xi32, #tpu.memory_space<vmem>>, vector<16xi32>,
    tpu.vector_store %arg10[%swap3A_568], %add3A_567 {strides = array<i32>} : memref<128xi32, #tpu.memory_space<vmem>>, vector<16xi32>,
    %mul3A_570 = arith.constant 640 : i32
    %mul3A_571 = arith.muli %arg1, %mul3A_570 : i32
    %add3A_572 = arith.constant 128 : i32
    %add3A_573 = arith.addi %mul3A_571, %add3A_572 : i32
    %add3A_574 = arith.constant 112 : i32
    %add3A_575 = arith.addi %add3A_573, %add3A_574 : i32
    %add3A_576 = vector.broadcast %add3A_575 : i32 to vector<16xi32>
    %add3A_577 = arith.addi %add3A_576, %iota3A : vector<16xi32>
    %swap3A_578 = arith.constant 112 : index
    %swap3A_579 = tpu.vector_load %arg10[%swap3A_578] {strides = array<i32>} : memref<128xi32, #tpu.memory_space<vmem>>, vector<16xi32>,
    tpu.vector_store %arg10[%swap3A_578], %add3A_577 {strides = array<i32>} : memref<128xi32, #tpu.memory_space<vmem>>, vector<16xi32>,
    "tpu.region"() ({
      %run_scoped3A = tpu.sem_alloc : memref<!tpu.dma_semaphore, #tpu.memory_space<semaphore_mem>>
      %dma_start3A = arith.constant 0 : i32
      %dma_start3A_836 = arith.constant 0 : i32
      %dma_start3A_837 = tpu.memref_slice %arg13[%dma_start3A, %dma_start3A_836] : memref<10240x128xf32, #tpu.memory_space<vmem_shared>> -> memref<10240x128xf32, #tpu.memory_space<vmem_shared>>
      tpu.enqueue_indirect_dma source(%dma_start3A_837 : memref<10240x128xf32, #tpu.memory_space<vmem_shared>>) target(%arg11 : memref<128x128xf32, #tpu.memory_space<vmem>>) offsets(%arg10 : memref<128xi32, #tpu.memory_space<vmem>>) semaphore(%run_scoped3A : memref<!tpu.dma_semaphore, #tpu.memory_space<semaphore_mem>>)
      %dma_wait3A = arith.constant 0 : i32
      %dma_wait3A_838 = arith.constant 0 : i32
      %dma_wait3A_839 = tpu.memref_slice %arg13[%dma_wait3A, %dma_wait3A_838] : memref<10240x128xf32, #tpu.memory_space<vmem_shared>> -> memref<10240x128xf32, #tpu.memory_space<vmem_shared>>
      tpu.wait_indirect_dma semaphore(%run_scoped3A : memref<!tpu.dma_semaphore, #tpu.memory_space<semaphore_mem>>) src(%dma_wait3A_839 : memref<10240x128xf32, #tpu.memory_space<vmem_shared>>) dst(%arg11 : memref<128x128xf32, #tpu.memory_space<vmem>>)
      tpu.yield
    }) : () -> ()
    %mul3A_580 = arith.constant 640 : i32
    %mul3A_581 = arith.muli %arg1, %mul3A_580 : i32
    %add3A_582 = arith.constant 128 : i32
    %add3A_583 = arith.addi %mul3A_581, %add3A_582 : i32
    "tpu.region"() ({
      %run_scoped3A = tpu.sem_alloc : memref<!tpu.dma_semaphore, #tpu.memory_space<semaphore_mem>>
      %dma_start3A = arith.constant 0 : i32
      %dma_start3A_836 = tpu.memref_slice %arg6[%arg0, %add3A_583, %dma_start3A] : memref<2x10240x128xf32, #tpu.memory_space<hbm>> -> memref<1x128x128xf32, #tpu.memory_space<hbm>>
      %dma_start3A_837 = tpu.memref_squeeze %dma_start3A_836 : memref<1x128x128xf32, #tpu.memory_space<hbm>> -> memref<128x128xf32, #tpu.memory_space<hbm>>
      %dma_start3A_838 = arith.constant 0 : i32
      %dma_start3A_839 = tpu.memref_slice %arg6[%arg0, %add3A_583, %dma_start3A_838] : memref<2x10240x128xf32, #tpu.memory_space<hbm>> -> memref<1x128x128xf32, #tpu.memory_space<hbm>>
      %dma_start3A_840 = tpu.memref_squeeze %dma_start3A_839 : memref<1x128x128xf32, #tpu.memory_space<hbm>> -> memref<128x128xf32, #tpu.memory_space<hbm>>
      tpu.enqueue_dma source(%arg11 : memref<128x128xf32, #tpu.memory_space<vmem>>) target(%dma_start3A_840 : memref<128x128xf32, #tpu.memory_space<hbm>>) target_semaphore(%run_scoped3A : memref<!tpu.dma_semaphore, #tpu.memory_space<semaphore_mem>>)
      %dma_wait3A = arith.constant 0 : i32
      %dma_wait3A_841 = tpu.memref_slice %arg6[%arg0, %add3A_583, %dma_wait3A] : memref<2x10240x128xf32, #tpu.memory_space<hbm>> -> memref<1x128x128xf32, #tpu.memory_space<hbm>>
      %dma_wait3A_842 = tpu.memref_squeeze %dma_wait3A_841 : memref<1x128x128xf32, #tpu.memory_space<hbm>> -> memref<128x128xf32, #tpu.memory_space<hbm>>
      %dma_wait3A_843 = arith.constant 0 : i32
      %dma_wait3A_844 = tpu.memref_slice %arg6[%arg0, %add3A_583, %dma_wait3A_843] : memref<2x10240x128xf32, #tpu.memory_space<hbm>> -> memref<1x128x128xf32, #tpu.memory_space<hbm>>
      %dma_wait3A_845 = tpu.memref_squeeze %dma_wait3A_844 : memref<1x128x128xf32, #tpu.memory_space<hbm>> -> memref<128x128xf32, #tpu.memory_space<hbm>>
      tpu.wait_dma2 semaphore(%run_scoped3A : memref<!tpu.dma_semaphore, #tpu.memory_space<semaphore_mem>>) src(%arg11 : memref<128x128xf32, #tpu.memory_space<vmem>>) dst(%dma_wait3A_845 : memref<128x128xf32, #tpu.memory_space<hbm>>)
      tpu.yield
    }) : () -> ()
    %mul3A_584 = arith.constant 640 : i32
    %mul3A_585 = arith.muli %arg1, %mul3A_584 : i32
    %add3A_586 = arith.constant 256 : i32
    %add3A_587 = arith.addi %mul3A_585, %add3A_586 : i32
    %add3A_588 = arith.constant 0 : i32
    %add3A_589 = arith.addi %add3A_587, %add3A_588 : i32
    %add3A_590 = vector.broadcast %add3A_589 : i32 to vector<16xi32>
    %add3A_591 = arith.addi %add3A_590, %iota3A : vector<16xi32>
    %swap3A_592 = arith.constant 0 : index
    %swap3A_593 = tpu.vector_load %arg10[%swap3A_592] {strides = array<i32>} : memref<128xi32, #tpu.memory_space<vmem>>, vector<16xi32>,
    tpu.vector_store %arg10[%swap3A_592], %add3A_591 {strides = array<i32>} : memref<128xi32, #tpu.memory_space<vmem>>, vector<16xi32>,
    %mul3A_594 = arith.constant 640 : i32
    %mul3A_595 = arith.muli %arg1, %mul3A_594 : i32
    %add3A_596 = arith.constant 256 : i32
    %add3A_597 = arith.addi %mul3A_595, %add3A_596 : i32
    %add3A_598 = arith.constant 16 : i32
    %add3A_599 = arith.addi %add3A_597, %add3A_598 : i32
    %add3A_600 = vector.broadcast %add3A_599 : i32 to vector<16xi32>
    %add3A_601 = arith.addi %add3A_600, %iota3A : vector<16xi32>
    %swap3A_602 = arith.constant 16 : index
    %swap3A_603 = tpu.vector_load %arg10[%swap3A_602] {strides = array<i32>} : memref<128xi32, #tpu.memory_space<vmem>>, vector<16xi32>,
    tpu.vector_store %arg10[%swap3A_602], %add3A_601 {strides = array<i32>} : memref<128xi32, #tpu.memory_space<vmem>>, vector<16xi32>,
    %mul3A_604 = arith.constant 640 : i32
    %mul3A_605 = arith.muli %arg1, %mul3A_604 : i32
    %add3A_606 = arith.constant 256 : i32
    %add3A_607 = arith.addi %mul3A_605, %add3A_606 : i32
    %add3A_608 = arith.constant 32 : i32
    %add3A_609 = arith.addi %add3A_607, %add3A_608 : i32
    %add3A_610 = vector.broadcast %add3A_609 : i32 to vector<16xi32>
    %add3A_611 = arith.addi %add3A_610, %iota3A : vector<16xi32>
    %swap3A_612 = arith.constant 32 : index
    %swap3A_613 = tpu.vector_load %arg10[%swap3A_612] {strides = array<i32>} : memref<128xi32, #tpu.memory_space<vmem>>, vector<16xi32>,
    tpu.vector_store %arg10[%swap3A_612], %add3A_611 {strides = array<i32>} : memref<128xi32, #tpu.memory_space<vmem>>, vector<16xi32>,
    %mul3A_614 = arith.constant 640 : i32
    %mul3A_615 = arith.muli %arg1, %mul3A_614 : i32
    %add3A_616 = arith.constant 256 : i32
    %add3A_617 = arith.addi %mul3A_615, %add3A_616 : i32
    %add3A_618 = arith.constant 48 : i32
    %add3A_619 = arith.addi %add3A_617, %add3A_618 : i32
    %add3A_620 = vector.broadcast %add3A_619 : i32 to vector<16xi32>
    %add3A_621 = arith.addi %add3A_620, %iota3A : vector<16xi32>
    %swap3A_622 = arith.constant 48 : index
    %swap3A_623 = tpu.vector_load %arg10[%swap3A_622] {strides = array<i32>} : memref<128xi32, #tpu.memory_space<vmem>>, vector<16xi32>,
    tpu.vector_store %arg10[%swap3A_622], %add3A_621 {strides = array<i32>} : memref<128xi32, #tpu.memory_space<vmem>>, vector<16xi32>,
    %mul3A_624 = arith.constant 640 : i32
    %mul3A_625 = arith.muli %arg1, %mul3A_624 : i32
    %add3A_626 = arith.constant 256 : i32
    %add3A_627 = arith.addi %mul3A_625, %add3A_626 : i32
    %add3A_628 = arith.constant 64 : i32
    %add3A_629 = arith.addi %add3A_627, %add3A_628 : i32
    %add3A_630 = vector.broadcast %add3A_629 : i32 to vector<16xi32>
    %add3A_631 = arith.addi %add3A_630, %iota3A : vector<16xi32>
    %swap3A_632 = arith.constant 64 : index
    %swap3A_633 = tpu.vector_load %arg10[%swap3A_632] {strides = array<i32>} : memref<128xi32, #tpu.memory_space<vmem>>, vector<16xi32>,
    tpu.vector_store %arg10[%swap3A_632], %add3A_631 {strides = array<i32>} : memref<128xi32, #tpu.memory_space<vmem>>, vector<16xi32>,
    %mul3A_634 = arith.constant 640 : i32
    %mul3A_635 = arith.muli %arg1, %mul3A_634 : i32
    %add3A_636 = arith.constant 256 : i32
    %add3A_637 = arith.addi %mul3A_635, %add3A_636 : i32
    %add3A_638 = arith.constant 80 : i32
    %add3A_639 = arith.addi %add3A_637, %add3A_638 : i32
    %add3A_640 = vector.broadcast %add3A_639 : i32 to vector<16xi32>
    %add3A_641 = arith.addi %add3A_640, %iota3A : vector<16xi32>
    %swap3A_642 = arith.constant 80 : index
    %swap3A_643 = tpu.vector_load %arg10[%swap3A_642] {strides = array<i32>} : memref<128xi32, #tpu.memory_space<vmem>>, vector<16xi32>,
    tpu.vector_store %arg10[%swap3A_642], %add3A_641 {strides = array<i32>} : memref<128xi32, #tpu.memory_space<vmem>>, vector<16xi32>,
    %mul3A_644 = arith.constant 640 : i32
    %mul3A_645 = arith.muli %arg1, %mul3A_644 : i32
    %add3A_646 = arith.constant 256 : i32
    %add3A_647 = arith.addi %mul3A_645, %add3A_646 : i32
    %add3A_648 = arith.constant 96 : i32
    %add3A_649 = arith.addi %add3A_647, %add3A_648 : i32
    %add3A_650 = vector.broadcast %add3A_649 : i32 to vector<16xi32>
    %add3A_651 = arith.addi %add3A_650, %iota3A : vector<16xi32>
    %swap3A_652 = arith.constant 96 : index
    %swap3A_653 = tpu.vector_load %arg10[%swap3A_652] {strides = array<i32>} : memref<128xi32, #tpu.memory_space<vmem>>, vector<16xi32>,
    tpu.vector_store %arg10[%swap3A_652], %add3A_651 {strides = array<i32>} : memref<128xi32, #tpu.memory_space<vmem>>, vector<16xi32>,
    %mul3A_654 = arith.constant 640 : i32
    %mul3A_655 = arith.muli %arg1, %mul3A_654 : i32
    %add3A_656 = arith.constant 256 : i32
    %add3A_657 = arith.addi %mul3A_655, %add3A_656 : i32
    %add3A_658 = arith.constant 112 : i32
    %add3A_659 = arith.addi %add3A_657, %add3A_658 : i32
    %add3A_660 = vector.broadcast %add3A_659 : i32 to vector<16xi32>
    %add3A_661 = arith.addi %add3A_660, %iota3A : vector<16xi32>
    %swap3A_662 = arith.constant 112 : index
    %swap3A_663 = tpu.vector_load %arg10[%swap3A_662] {strides = array<i32>} : memref<128xi32, #tpu.memory_space<vmem>>, vector<16xi32>,
    tpu.vector_store %arg10[%swap3A_662], %add3A_661 {strides = array<i32>} : memref<128xi32, #tpu.memory_space<vmem>>, vector<16xi32>,
    "tpu.region"() ({
      %run_scoped3A = tpu.sem_alloc : memref<!tpu.dma_semaphore, #tpu.memory_space<semaphore_mem>>
      %dma_start3A = arith.constant 0 : i32
      %dma_start3A_836 = arith.constant 0 : i32
      %dma_start3A_837 = tpu.memref_slice %arg13[%dma_start3A, %dma_start3A_836] : memref<10240x128xf32, #tpu.memory_space<vmem_shared>> -> memref<10240x128xf32, #tpu.memory_space<vmem_shared>>
      tpu.enqueue_indirect_dma source(%dma_start3A_837 : memref<10240x128xf32, #tpu.memory_space<vmem_shared>>) target(%arg11 : memref<128x128xf32, #tpu.memory_space<vmem>>) offsets(%arg10 : memref<128xi32, #tpu.memory_space<vmem>>) semaphore(%run_scoped3A : memref<!tpu.dma_semaphore, #tpu.memory_space<semaphore_mem>>)
      %dma_wait3A = arith.constant 0 : i32
      %dma_wait3A_838 = arith.constant 0 : i32
      %dma_wait3A_839 = tpu.memref_slice %arg13[%dma_wait3A, %dma_wait3A_838] : memref<10240x128xf32, #tpu.memory_space<vmem_shared>> -> memref<10240x128xf32, #tpu.memory_space<vmem_shared>>
      tpu.wait_indirect_dma semaphore(%run_scoped3A : memref<!tpu.dma_semaphore, #tpu.memory_space<semaphore_mem>>) src(%dma_wait3A_839 : memref<10240x128xf32, #tpu.memory_space<vmem_shared>>) dst(%arg11 : memref<128x128xf32, #tpu.memory_space<vmem>>)
      tpu.yield
    }) : () -> ()
    %mul3A_664 = arith.constant 640 : i32
    %mul3A_665 = arith.muli %arg1, %mul3A_664 : i32
    %add3A_666 = arith.constant 256 : i32
    %add3A_667 = arith.addi %mul3A_665, %add3A_666 : i32
    "tpu.region"() ({
      %run_scoped3A = tpu.sem_alloc : memref<!tpu.dma_semaphore, #tpu.memory_space<semaphore_mem>>
      %dma_start3A = arith.constant 0 : i32
      %dma_start3A_836 = tpu.memref_slice %arg6[%arg0, %add3A_667, %dma_start3A] : memref<2x10240x128xf32, #tpu.memory_space<hbm>> -> memref<1x128x128xf32, #tpu.memory_space<hbm>>
      %dma_start3A_837 = tpu.memref_squeeze %dma_start3A_836 : memref<1x128x128xf32, #tpu.memory_space<hbm>> -> memref<128x128xf32, #tpu.memory_space<hbm>>
      %dma_start3A_838 = arith.constant 0 : i32
      %dma_start3A_839 = tpu.memref_slice %arg6[%arg0, %add3A_667, %dma_start3A_838] : memref<2x10240x128xf32, #tpu.memory_space<hbm>> -> memref<1x128x128xf32, #tpu.memory_space<hbm>>
      %dma_start3A_840 = tpu.memref_squeeze %dma_start3A_839 : memref<1x128x128xf32, #tpu.memory_space<hbm>> -> memref<128x128xf32, #tpu.memory_space<hbm>>
      tpu.enqueue_dma source(%arg11 : memref<128x128xf32, #tpu.memory_space<vmem>>) target(%dma_start3A_840 : memref<128x128xf32, #tpu.memory_space<hbm>>) target_semaphore(%run_scoped3A : memref<!tpu.dma_semaphore, #tpu.memory_space<semaphore_mem>>)
      %dma_wait3A = arith.constant 0 : i32
      %dma_wait3A_841 = tpu.memref_slice %arg6[%arg0, %add3A_667, %dma_wait3A] : memref<2x10240x128xf32, #tpu.memory_space<hbm>> -> memref<1x128x128xf32, #tpu.memory_space<hbm>>
      %dma_wait3A_842 = tpu.memref_squeeze %dma_wait3A_841 : memref<1x128x128xf32, #tpu.memory_space<hbm>> -> memref<128x128xf32, #tpu.memory_space<hbm>>
      %dma_wait3A_843 = arith.constant 0 : i32
      %dma_wait3A_844 = tpu.memref_slice %arg6[%arg0, %add3A_667, %dma_wait3A_843] : memref<2x10240x128xf32, #tpu.memory_space<hbm>> -> memref<1x128x128xf32, #tpu.memory_space<hbm>>
      %dma_wait3A_845 = tpu.memref_squeeze %dma_wait3A_844 : memref<1x128x128xf32, #tpu.memory_space<hbm>> -> memref<128x128xf32, #tpu.memory_space<hbm>>
      tpu.wait_dma2 semaphore(%run_scoped3A : memref<!tpu.dma_semaphore, #tpu.memory_space<semaphore_mem>>) src(%arg11 : memref<128x128xf32, #tpu.memory_space<vmem>>) dst(%dma_wait3A_845 : memref<128x128xf32, #tpu.memory_space<hbm>>)
      tpu.yield
    }) : () -> ()
    %mul3A_668 = arith.constant 640 : i32
    %mul3A_669 = arith.muli %arg1, %mul3A_668 : i32
    %add3A_670 = arith.constant 384 : i32
    %add3A_671 = arith.addi %mul3A_669, %add3A_670 : i32
    %add3A_672 = arith.constant 0 : i32
    %add3A_673 = arith.addi %add3A_671, %add3A_672 : i32
    %add3A_674 = vector.broadcast %add3A_673 : i32 to vector<16xi32>
    %add3A_675 = arith.addi %add3A_674, %iota3A : vector<16xi32>
    %swap3A_676 = arith.constant 0 : index
    %swap3A_677 = tpu.vector_load %arg10[%swap3A_676] {strides = array<i32>} : memref<128xi32, #tpu.memory_space<vmem>>, vector<16xi32>,
    tpu.vector_store %arg10[%swap3A_676], %add3A_675 {strides = array<i32>} : memref<128xi32, #tpu.memory_space<vmem>>, vector<16xi32>,
    %mul3A_678 = arith.constant 640 : i32
    %mul3A_679 = arith.muli %arg1, %mul3A_678 : i32
    %add3A_680 = arith.constant 384 : i32
    %add3A_681 = arith.addi %mul3A_679, %add3A_680 : i32
    %add3A_682 = arith.constant 16 : i32
    %add3A_683 = arith.addi %add3A_681, %add3A_682 : i32
    %add3A_684 = vector.broadcast %add3A_683 : i32 to vector<16xi32>
    %add3A_685 = arith.addi %add3A_684, %iota3A : vector<16xi32>
    %swap3A_686 = arith.constant 16 : index
    %swap3A_687 = tpu.vector_load %arg10[%swap3A_686] {strides = array<i32>} : memref<128xi32, #tpu.memory_space<vmem>>, vector<16xi32>,
    tpu.vector_store %arg10[%swap3A_686], %add3A_685 {strides = array<i32>} : memref<128xi32, #tpu.memory_space<vmem>>, vector<16xi32>,
    %mul3A_688 = arith.constant 640 : i32
    %mul3A_689 = arith.muli %arg1, %mul3A_688 : i32
    %add3A_690 = arith.constant 384 : i32
    %add3A_691 = arith.addi %mul3A_689, %add3A_690 : i32
    %add3A_692 = arith.constant 32 : i32
    %add3A_693 = arith.addi %add3A_691, %add3A_692 : i32
    %add3A_694 = vector.broadcast %add3A_693 : i32 to vector<16xi32>
    %add3A_695 = arith.addi %add3A_694, %iota3A : vector<16xi32>
    %swap3A_696 = arith.constant 32 : index
    %swap3A_697 = tpu.vector_load %arg10[%swap3A_696] {strides = array<i32>} : memref<128xi32, #tpu.memory_space<vmem>>, vector<16xi32>,
    tpu.vector_store %arg10[%swap3A_696], %add3A_695 {strides = array<i32>} : memref<128xi32, #tpu.memory_space<vmem>>, vector<16xi32>,
    %mul3A_698 = arith.constant 640 : i32
    %mul3A_699 = arith.muli %arg1, %mul3A_698 : i32
    %add3A_700 = arith.constant 384 : i32
    %add3A_701 = arith.addi %mul3A_699, %add3A_700 : i32
    %add3A_702 = arith.constant 48 : i32
    %add3A_703 = arith.addi %add3A_701, %add3A_702 : i32
    %add3A_704 = vector.broadcast %add3A_703 : i32 to vector<16xi32>
    %add3A_705 = arith.addi %add3A_704, %iota3A : vector<16xi32>
    %swap3A_706 = arith.constant 48 : index
    %swap3A_707 = tpu.vector_load %arg10[%swap3A_706] {strides = array<i32>} : memref<128xi32, #tpu.memory_space<vmem>>, vector<16xi32>,
    tpu.vector_store %arg10[%swap3A_706], %add3A_705 {strides = array<i32>} : memref<128xi32, #tpu.memory_space<vmem>>, vector<16xi32>,
    %mul3A_708 = arith.constant 640 : i32
    %mul3A_709 = arith.muli %arg1, %mul3A_708 : i32
    %add3A_710 = arith.constant 384 : i32
    %add3A_711 = arith.addi %mul3A_709, %add3A_710 : i32
    %add3A_712 = arith.constant 64 : i32
    %add3A_713 = arith.addi %add3A_711, %add3A_712 : i32
    %add3A_714 = vector.broadcast %add3A_713 : i32 to vector<16xi32>
    %add3A_715 = arith.addi %add3A_714, %iota3A : vector<16xi32>
    %swap3A_716 = arith.constant 64 : index
    %swap3A_717 = tpu.vector_load %arg10[%swap3A_716] {strides = array<i32>} : memref<128xi32, #tpu.memory_space<vmem>>, vector<16xi32>,
    tpu.vector_store %arg10[%swap3A_716], %add3A_715 {strides = array<i32>} : memref<128xi32, #tpu.memory_space<vmem>>, vector<16xi32>,
    %mul3A_718 = arith.constant 640 : i32
    %mul3A_719 = arith.muli %arg1, %mul3A_718 : i32
    %add3A_720 = arith.constant 384 : i32
    %add3A_721 = arith.addi %mul3A_719, %add3A_720 : i32
    %add3A_722 = arith.constant 80 : i32
    %add3A_723 = arith.addi %add3A_721, %add3A_722 : i32
    %add3A_724 = vector.broadcast %add3A_723 : i32 to vector<16xi32>
    %add3A_725 = arith.addi %add3A_724, %iota3A : vector<16xi32>
    %swap3A_726 = arith.constant 80 : index
    %swap3A_727 = tpu.vector_load %arg10[%swap3A_726] {strides = array<i32>} : memref<128xi32, #tpu.memory_space<vmem>>, vector<16xi32>,
    tpu.vector_store %arg10[%swap3A_726], %add3A_725 {strides = array<i32>} : memref<128xi32, #tpu.memory_space<vmem>>, vector<16xi32>,
    %mul3A_728 = arith.constant 640 : i32
    %mul3A_729 = arith.muli %arg1, %mul3A_728 : i32
    %add3A_730 = arith.constant 384 : i32
    %add3A_731 = arith.addi %mul3A_729, %add3A_730 : i32
    %add3A_732 = arith.constant 96 : i32
    %add3A_733 = arith.addi %add3A_731, %add3A_732 : i32
    %add3A_734 = vector.broadcast %add3A_733 : i32 to vector<16xi32>
    %add3A_735 = arith.addi %add3A_734, %iota3A : vector<16xi32>
    %swap3A_736 = arith.constant 96 : index
    %swap3A_737 = tpu.vector_load %arg10[%swap3A_736] {strides = array<i32>} : memref<128xi32, #tpu.memory_space<vmem>>, vector<16xi32>,
    tpu.vector_store %arg10[%swap3A_736], %add3A_735 {strides = array<i32>} : memref<128xi32, #tpu.memory_space<vmem>>, vector<16xi32>,
    %mul3A_738 = arith.constant 640 : i32
    %mul3A_739 = arith.muli %arg1, %mul3A_738 : i32
    %add3A_740 = arith.constant 384 : i32
    %add3A_741 = arith.addi %mul3A_739, %add3A_740 : i32
    %add3A_742 = arith.constant 112 : i32
    %add3A_743 = arith.addi %add3A_741, %add3A_742 : i32
    %add3A_744 = vector.broadcast %add3A_743 : i32 to vector<16xi32>
    %add3A_745 = arith.addi %add3A_744, %iota3A : vector<16xi32>
    %swap3A_746 = arith.constant 112 : index
    %swap3A_747 = tpu.vector_load %arg10[%swap3A_746] {strides = array<i32>} : memref<128xi32, #tpu.memory_space<vmem>>, vector<16xi32>,
    tpu.vector_store %arg10[%swap3A_746], %add3A_745 {strides = array<i32>} : memref<128xi32, #tpu.memory_space<vmem>>, vector<16xi32>,
    "tpu.region"() ({
      %run_scoped3A = tpu.sem_alloc : memref<!tpu.dma_semaphore, #tpu.memory_space<semaphore_mem>>
      %dma_start3A = arith.constant 0 : i32
      %dma_start3A_836 = arith.constant 0 : i32
      %dma_start3A_837 = tpu.memref_slice %arg13[%dma_start3A, %dma_start3A_836] : memref<10240x128xf32, #tpu.memory_space<vmem_shared>> -> memref<10240x128xf32, #tpu.memory_space<vmem_shared>>
      tpu.enqueue_indirect_dma source(%dma_start3A_837 : memref<10240x128xf32, #tpu.memory_space<vmem_shared>>) target(%arg11 : memref<128x128xf32, #tpu.memory_space<vmem>>) offsets(%arg10 : memref<128xi32, #tpu.memory_space<vmem>>) semaphore(%run_scoped3A : memref<!tpu.dma_semaphore, #tpu.memory_space<semaphore_mem>>)
      %dma_wait3A = arith.constant 0 : i32
      %dma_wait3A_838 = arith.constant 0 : i32
      %dma_wait3A_839 = tpu.memref_slice %arg13[%dma_wait3A, %dma_wait3A_838] : memref<10240x128xf32, #tpu.memory_space<vmem_shared>> -> memref<10240x128xf32, #tpu.memory_space<vmem_shared>>
      tpu.wait_indirect_dma semaphore(%run_scoped3A : memref<!tpu.dma_semaphore, #tpu.memory_space<semaphore_mem>>) src(%dma_wait3A_839 : memref<10240x128xf32, #tpu.memory_space<vmem_shared>>) dst(%arg11 : memref<128x128xf32, #tpu.memory_space<vmem>>)
      tpu.yield
    }) : () -> ()
    %mul3A_748 = arith.constant 640 : i32
    %mul3A_749 = arith.muli %arg1, %mul3A_748 : i32
    %add3A_750 = arith.constant 384 : i32
    %add3A_751 = arith.addi %mul3A_749, %add3A_750 : i32
    "tpu.region"() ({
      %run_scoped3A = tpu.sem_alloc : memref<!tpu.dma_semaphore, #tpu.memory_space<semaphore_mem>>
      %dma_start3A = arith.constant 0 : i32
      %dma_start3A_836 = tpu.memref_slice %arg6[%arg0, %add3A_751, %dma_start3A] : memref<2x10240x128xf32, #tpu.memory_space<hbm>> -> memref<1x128x128xf32, #tpu.memory_space<hbm>>
      %dma_start3A_837 = tpu.memref_squeeze %dma_start3A_836 : memref<1x128x128xf32, #tpu.memory_space<hbm>> -> memref<128x128xf32, #tpu.memory_space<hbm>>
      %dma_start3A_838 = arith.constant 0 : i32
      %dma_start3A_839 = tpu.memref_slice %arg6[%arg0, %add3A_751, %dma_start3A_838] : memref<2x10240x128xf32, #tpu.memory_space<hbm>> -> memref<1x128x128xf32, #tpu.memory_space<hbm>>
      %dma_start3A_840 = tpu.memref_squeeze %dma_start3A_839 : memref<1x128x128xf32, #tpu.memory_space<hbm>> -> memref<128x128xf32, #tpu.memory_space<hbm>>
      tpu.enqueue_dma source(%arg11 : memref<128x128xf32, #tpu.memory_space<vmem>>) target(%dma_start3A_840 : memref<128x128xf32, #tpu.memory_space<hbm>>) target_semaphore(%run_scoped3A : memref<!tpu.dma_semaphore, #tpu.memory_space<semaphore_mem>>)
      %dma_wait3A = arith.constant 0 : i32
      %dma_wait3A_841 = tpu.memref_slice %arg6[%arg0, %add3A_751, %dma_wait3A] : memref<2x10240x128xf32, #tpu.memory_space<hbm>> -> memref<1x128x128xf32, #tpu.memory_space<hbm>>
      %dma_wait3A_842 = tpu.memref_squeeze %dma_wait3A_841 : memref<1x128x128xf32, #tpu.memory_space<hbm>> -> memref<128x128xf32, #tpu.memory_space<hbm>>
      %dma_wait3A_843 = arith.constant 0 : i32
      %dma_wait3A_844 = tpu.memref_slice %arg6[%arg0, %add3A_751, %dma_wait3A_843] : memref<2x10240x128xf32, #tpu.memory_space<hbm>> -> memref<1x128x128xf32, #tpu.memory_space<hbm>>
      %dma_wait3A_845 = tpu.memref_squeeze %dma_wait3A_844 : memref<1x128x128xf32, #tpu.memory_space<hbm>> -> memref<128x128xf32, #tpu.memory_space<hbm>>
      tpu.wait_dma2 semaphore(%run_scoped3A : memref<!tpu.dma_semaphore, #tpu.memory_space<semaphore_mem>>) src(%arg11 : memref<128x128xf32, #tpu.memory_space<vmem>>) dst(%dma_wait3A_845 : memref<128x128xf32, #tpu.memory_space<hbm>>)
      tpu.yield
    }) : () -> ()
    %mul3A_752 = arith.constant 640 : i32
    %mul3A_753 = arith.muli %arg1, %mul3A_752 : i32
    %add3A_754 = arith.constant 512 : i32
    %add3A_755 = arith.addi %mul3A_753, %add3A_754 : i32
    %add3A_756 = arith.constant 0 : i32
    %add3A_757 = arith.addi %add3A_755, %add3A_756 : i32
    %add3A_758 = vector.broadcast %add3A_757 : i32 to vector<16xi32>
    %add3A_759 = arith.addi %add3A_758, %iota3A : vector<16xi32>
    %swap3A_760 = arith.constant 0 : index
    %swap3A_761 = tpu.vector_load %arg10[%swap3A_760] {strides = array<i32>} : memref<128xi32, #tpu.memory_space<vmem>>, vector<16xi32>,
    tpu.vector_store %arg10[%swap3A_760], %add3A_759 {strides = array<i32>} : memref<128xi32, #tpu.memory_space<vmem>>, vector<16xi32>,
    %mul3A_762 = arith.constant 640 : i32
    %mul3A_763 = arith.muli %arg1, %mul3A_762 : i32
    %add3A_764 = arith.constant 512 : i32
    %add3A_765 = arith.addi %mul3A_763, %add3A_764 : i32
    %add3A_766 = arith.constant 16 : i32
    %add3A_767 = arith.addi %add3A_765, %add3A_766 : i32
    %add3A_768 = vector.broadcast %add3A_767 : i32 to vector<16xi32>
    %add3A_769 = arith.addi %add3A_768, %iota3A : vector<16xi32>
    %swap3A_770 = arith.constant 16 : index
    %swap3A_771 = tpu.vector_load %arg10[%swap3A_770] {strides = array<i32>} : memref<128xi32, #tpu.memory_space<vmem>>, vector<16xi32>,
    tpu.vector_store %arg10[%swap3A_770], %add3A_769 {strides = array<i32>} : memref<128xi32, #tpu.memory_space<vmem>>, vector<16xi32>,
    %mul3A_772 = arith.constant 640 : i32
    %mul3A_773 = arith.muli %arg1, %mul3A_772 : i32
    %add3A_774 = arith.constant 512 : i32
    %add3A_775 = arith.addi %mul3A_773, %add3A_774 : i32
    %add3A_776 = arith.constant 32 : i32
    %add3A_777 = arith.addi %add3A_775, %add3A_776 : i32
    %add3A_778 = vector.broadcast %add3A_777 : i32 to vector<16xi32>
    %add3A_779 = arith.addi %add3A_778, %iota3A : vector<16xi32>
    %swap3A_780 = arith.constant 32 : index
    %swap3A_781 = tpu.vector_load %arg10[%swap3A_780] {strides = array<i32>} : memref<128xi32, #tpu.memory_space<vmem>>, vector<16xi32>,
    tpu.vector_store %arg10[%swap3A_780], %add3A_779 {strides = array<i32>} : memref<128xi32, #tpu.memory_space<vmem>>, vector<16xi32>,
    %mul3A_782 = arith.constant 640 : i32
    %mul3A_783 = arith.muli %arg1, %mul3A_782 : i32
    %add3A_784 = arith.constant 512 : i32
    %add3A_785 = arith.addi %mul3A_783, %add3A_784 : i32
    %add3A_786 = arith.constant 48 : i32
    %add3A_787 = arith.addi %add3A_785, %add3A_786 : i32
    %add3A_788 = vector.broadcast %add3A_787 : i32 to vector<16xi32>
    %add3A_789 = arith.addi %add3A_788, %iota3A : vector<16xi32>
    %swap3A_790 = arith.constant 48 : index
    %swap3A_791 = tpu.vector_load %arg10[%swap3A_790] {strides = array<i32>} : memref<128xi32, #tpu.memory_space<vmem>>, vector<16xi32>,
    tpu.vector_store %arg10[%swap3A_790], %add3A_789 {strides = array<i32>} : memref<128xi32, #tpu.memory_space<vmem>>, vector<16xi32>,
    %mul3A_792 = arith.constant 640 : i32
    %mul3A_793 = arith.muli %arg1, %mul3A_792 : i32
    %add3A_794 = arith.constant 512 : i32
    %add3A_795 = arith.addi %mul3A_793, %add3A_794 : i32
    %add3A_796 = arith.constant 64 : i32
    %add3A_797 = arith.addi %add3A_795, %add3A_796 : i32
    %add3A_798 = vector.broadcast %add3A_797 : i32 to vector<16xi32>
    %add3A_799 = arith.addi %add3A_798, %iota3A : vector<16xi32>
    %swap3A_800 = arith.constant 64 : index
    %swap3A_801 = tpu.vector_load %arg10[%swap3A_800] {strides = array<i32>} : memref<128xi32, #tpu.memory_space<vmem>>, vector<16xi32>,
    tpu.vector_store %arg10[%swap3A_800], %add3A_799 {strides = array<i32>} : memref<128xi32, #tpu.memory_space<vmem>>, vector<16xi32>,
    %mul3A_802 = arith.constant 640 : i32
    %mul3A_803 = arith.muli %arg1, %mul3A_802 : i32
    %add3A_804 = arith.constant 512 : i32
    %add3A_805 = arith.addi %mul3A_803, %add3A_804 : i32
    %add3A_806 = arith.constant 80 : i32
    %add3A_807 = arith.addi %add3A_805, %add3A_806 : i32
    %add3A_808 = vector.broadcast %add3A_807 : i32 to vector<16xi32>
    %add3A_809 = arith.addi %add3A_808, %iota3A : vector<16xi32>
    %swap3A_810 = arith.constant 80 : index
    %swap3A_811 = tpu.vector_load %arg10[%swap3A_810] {strides = array<i32>} : memref<128xi32, #tpu.memory_space<vmem>>, vector<16xi32>,
    tpu.vector_store %arg10[%swap3A_810], %add3A_809 {strides = array<i32>} : memref<128xi32, #tpu.memory_space<vmem>>, vector<16xi32>,
    %mul3A_812 = arith.constant 640 : i32
    %mul3A_813 = arith.muli %arg1, %mul3A_812 : i32
    %add3A_814 = arith.constant 512 : i32
    %add3A_815 = arith.addi %mul3A_813, %add3A_814 : i32
    %add3A_816 = arith.constant 96 : i32
    %add3A_817 = arith.addi %add3A_815, %add3A_816 : i32
    %add3A_818 = vector.broadcast %add3A_817 : i32 to vector<16xi32>
    %add3A_819 = arith.addi %add3A_818, %iota3A : vector<16xi32>
    %swap3A_820 = arith.constant 96 : index
    %swap3A_821 = tpu.vector_load %arg10[%swap3A_820] {strides = array<i32>} : memref<128xi32, #tpu.memory_space<vmem>>, vector<16xi32>,
    tpu.vector_store %arg10[%swap3A_820], %add3A_819 {strides = array<i32>} : memref<128xi32, #tpu.memory_space<vmem>>, vector<16xi32>,
    %mul3A_822 = arith.constant 640 : i32
    %mul3A_823 = arith.muli %arg1, %mul3A_822 : i32
    %add3A_824 = arith.constant 512 : i32
    %add3A_825 = arith.addi %mul3A_823, %add3A_824 : i32
    %add3A_826 = arith.constant 112 : i32
    %add3A_827 = arith.addi %add3A_825, %add3A_826 : i32
    %add3A_828 = vector.broadcast %add3A_827 : i32 to vector<16xi32>
    %add3A_829 = arith.addi %add3A_828, %iota3A : vector<16xi32>
    %swap3A_830 = arith.constant 112 : index
    %swap3A_831 = tpu.vector_load %arg10[%swap3A_830] {strides = array<i32>} : memref<128xi32, #tpu.memory_space<vmem>>, vector<16xi32>,
    tpu.vector_store %arg10[%swap3A_830], %add3A_829 {strides = array<i32>} : memref<128xi32, #tpu.memory_space<vmem>>, vector<16xi32>,
    "tpu.region"() ({
      %run_scoped3A = tpu.sem_alloc : memref<!tpu.dma_semaphore, #tpu.memory_space<semaphore_mem>>
      %dma_start3A = arith.constant 0 : i32
      %dma_start3A_836 = arith.constant 0 : i32
      %dma_start3A_837 = tpu.memref_slice %arg13[%dma_start3A, %dma_start3A_836] : memref<10240x128xf32, #tpu.memory_space<vmem_shared>> -> memref<10240x128xf32, #tpu.memory_space<vmem_shared>>
      tpu.enqueue_indirect_dma source(%dma_start3A_837 : memref<10240x128xf32, #tpu.memory_space<vmem_shared>>) target(%arg11 : memref<128x128xf32, #tpu.memory_space<vmem>>) offsets(%arg10 : memref<128xi32, #tpu.memory_space<vmem>>) semaphore(%run_scoped3A : memref<!tpu.dma_semaphore, #tpu.memory_space<semaphore_mem>>)
      %dma_wait3A = arith.constant 0 : i32
      %dma_wait3A_838 = arith.constant 0 : i32
      %dma_wait3A_839 = tpu.memref_slice %arg13[%dma_wait3A, %dma_wait3A_838] : memref<10240x128xf32, #tpu.memory_space<vmem_shared>> -> memref<10240x128xf32, #tpu.memory_space<vmem_shared>>
      tpu.wait_indirect_dma semaphore(%run_scoped3A : memref<!tpu.dma_semaphore, #tpu.memory_space<semaphore_mem>>) src(%dma_wait3A_839 : memref<10240x128xf32, #tpu.memory_space<vmem_shared>>) dst(%arg11 : memref<128x128xf32, #tpu.memory_space<vmem>>)
      tpu.yield
    }) : () -> ()
    %mul3A_832 = arith.constant 640 : i32
    %mul3A_833 = arith.muli %arg1, %mul3A_832 : i32
    %add3A_834 = arith.constant 512 : i32
    %add3A_835 = arith.addi %mul3A_833, %add3A_834 : i32
    "tpu.region"() ({
      %run_scoped3A = tpu.sem_alloc : memref<!tpu.dma_semaphore, #tpu.memory_space<semaphore_mem>>
      %dma_start3A = arith.constant 0 : i32
      %dma_start3A_836 = tpu.memref_slice %arg6[%arg0, %add3A_835, %dma_start3A] : memref<2x10240x128xf32, #tpu.memory_space<hbm>> -> memref<1x128x128xf32, #tpu.memory_space<hbm>>
      %dma_start3A_837 = tpu.memref_squeeze %dma_start3A_836 : memref<1x128x128xf32, #tpu.memory_space<hbm>> -> memref<128x128xf32, #tpu.memory_space<hbm>>
      %dma_start3A_838 = arith.constant 0 : i32
      %dma_start3A_839 = tpu.memref_slice %arg6[%arg0, %add3A_835, %dma_start3A_838] : memref<2x10240x128xf32, #tpu.memory_space<hbm>> -> memref<1x128x128xf32, #tpu.memory_space<hbm>>
      %dma_start3A_840 = tpu.memref_squeeze %dma_start3A_839 : memref<1x128x128xf32, #tpu.memory_space<hbm>> -> memref<128x128xf32, #tpu.memory_space<hbm>>
      tpu.enqueue_dma source(%arg11 : memref<128x128xf32, #tpu.memory_space<vmem>>) target(%dma_start3A_840 : memref<128x128xf32, #tpu.memory_space<hbm>>) target_semaphore(%run_scoped3A : memref<!tpu.dma_semaphore, #tpu.memory_space<semaphore_mem>>)
      %dma_wait3A = arith.constant 0 : i32
      %dma_wait3A_841 = tpu.memref_slice %arg6[%arg0, %add3A_835, %dma_wait3A] : memref<2x10240x128xf32, #tpu.memory_space<hbm>> -> memref<1x128x128xf32, #tpu.memory_space<hbm>>
      %dma_wait3A_842 = tpu.memref_squeeze %dma_wait3A_841 : memref<1x128x128xf32, #tpu.memory_space<hbm>> -> memref<128x128xf32, #tpu.memory_space<hbm>>
      %dma_wait3A_843 = arith.constant 0 : i32
      %dma_wait3A_844 = tpu.memref_slice %arg6[%arg0, %add3A_835, %dma_wait3A_843] : memref<2x10240x128xf32, #tpu.memory_space<hbm>> -> memref<1x128x128xf32, #tpu.memory_space<hbm>>
      %dma_wait3A_845 = tpu.memref_squeeze %dma_wait3A_844 : memref<1x128x128xf32, #tpu.memory_space<hbm>> -> memref<128x128xf32, #tpu.memory_space<hbm>>
      tpu.wait_dma2 semaphore(%run_scoped3A : memref<!tpu.dma_semaphore, #tpu.memory_space<semaphore_mem>>) src(%arg11 : memref<128x128xf32, #tpu.memory_space<vmem>>) dst(%dma_wait3A_845 : memref<128x128xf32, #tpu.memory_space<hbm>>)
      tpu.yield
    }) : () -> ()
    "tpu.region"() ({
      %run_scoped3A = tpu.sem_alloc : memref<!tpu.dma_semaphore, #tpu.memory_space<semaphore_mem>>
      %dma_start3A = arith.constant 0 : i32
      %dma_start3A_836 = tpu.memref_slice %arg7[%add3A, %dma_start3A] : memref<32x10240xf32, #tpu.memory_space<hbm>> -> memref<1x10240xf32, #tpu.memory_space<hbm>>
      %dma_start3A_837 = tpu.memref_squeeze %dma_start3A_836 : memref<1x10240xf32, #tpu.memory_space<hbm>> -> memref<10240xf32, #tpu.memory_space<hbm>>
      %dma_start3A_838 = arith.constant 0 : i32
      %dma_start3A_839 = tpu.memref_slice %arg7[%add3A, %dma_start3A_838] : memref<32x10240xf32, #tpu.memory_space<hbm>> -> memref<1x10240xf32, #tpu.memory_space<hbm>>
      %dma_start3A_840 = tpu.memref_squeeze %dma_start3A_839 : memref<1x10240xf32, #tpu.memory_space<hbm>> -> memref<10240xf32, #tpu.memory_space<hbm>>
      tpu.enqueue_dma source(%arg12 : memref<10240xf32, #tpu.memory_space<vmem>>) target(%dma_start3A_840 : memref<10240xf32, #tpu.memory_space<hbm>>) target_semaphore(%run_scoped3A : memref<!tpu.dma_semaphore, #tpu.memory_space<semaphore_mem>>)
      %dma_wait3A = arith.constant 0 : i32
      %dma_wait3A_841 = tpu.memref_slice %arg7[%add3A, %dma_wait3A] : memref<32x10240xf32, #tpu.memory_space<hbm>> -> memref<1x10240xf32, #tpu.memory_space<hbm>>
      %dma_wait3A_842 = tpu.memref_squeeze %dma_wait3A_841 : memref<1x10240xf32, #tpu.memory_space<hbm>> -> memref<10240xf32, #tpu.memory_space<hbm>>
      %dma_wait3A_843 = arith.constant 0 : i32
      %dma_wait3A_844 = tpu.memref_slice %arg7[%add3A, %dma_wait3A_843] : memref<32x10240xf32, #tpu.memory_space<hbm>> -> memref<1x10240xf32, #tpu.memory_space<hbm>>
      %dma_wait3A_845 = tpu.memref_squeeze %dma_wait3A_844 : memref<1x10240xf32, #tpu.memory_space<hbm>> -> memref<10240xf32, #tpu.memory_space<hbm>>
      tpu.wait_dma2 semaphore(%run_scoped3A : memref<!tpu.dma_semaphore, #tpu.memory_space<semaphore_mem>>) src(%arg12 : memref<10240xf32, #tpu.memory_space<vmem>>) dst(%dma_wait3A_845 : memref<10240xf32, #tpu.memory_space<hbm>>)
      tpu.yield
    }) : () -> ()
    return
  }
}

module attributes {stable_mosaic.version = 14 : i64} {
  func.func @_prep_body(%arg0: i32, %arg1: memref<1024x128xf32, #tpu.memory_space<vmem>>, %arg2: memref<128x128xf32, #tpu.memory_space<vmem>>, %arg3: memref<1x128xf32, #tpu.memory_space<vmem>>, %arg4: memref<1x128xf32, #tpu.memory_space<vmem>>, %arg5: memref<1024x128xf32, #tpu.memory_space<vmem>>, %arg6: memref<1024x1xf32, #tpu.memory_space<vmem>>, %arg7: memref<1024x1xf32, #tpu.memory_space<vmem>>) attributes {dimension_semantics = [#tpu.dimension_semantics<arbitrary>], iteration_bounds = array<i64: 10>, scalar_prefetch = 0 : i64, scratch_operands = 0 : i64, tpu.core_type = #tpu.core_type<tc>, window_params = [{transform_indices = @transform_0, window_bounds = array<i64: 1024, 128>}, {pipeline_mode = #tpu.pipeline_mode<synchronous>, transform_indices = @transform_1, window_bounds = array<i64: 128, 128>}, {pipeline_mode = #tpu.pipeline_mode<synchronous>, transform_indices = @transform_2, window_bounds = array<i64: 1, 128>}, {pipeline_mode = #tpu.pipeline_mode<synchronous>, transform_indices = @transform_3, window_bounds = array<i64: 1, 128>}, {transform_indices = @transform_4, window_bounds = array<i64: 1024, 128>}, {transform_indices = @transform_5, window_bounds = array<i64: 1024, 1>}, {transform_indices = @transform_6, window_bounds = array<i64: 1024, 1>}]} {
    %get3A = arith.constant 0 : index
    %get3A_0 = arith.constant 0 : index
    %get3A_1 = vector.load %arg1[%get3A, %get3A_0] : memref<1024x128xf32, #tpu.memory_space<vmem>>, vector<1024x128xf32>
    %get3A_2 = arith.constant 0 : index
    %get3A_3 = arith.constant 0 : index
    %get3A_4 = vector.load %arg2[%get3A_2, %get3A_3] : memref<128x128xf32, #tpu.memory_space<vmem>>, vector<128x128xf32>
    %dot_general3A = arith.constant dense<0.000000e+00> : vector<1024x128xf32>
    %dot_general3A_5 = tpu.matmul %get3A_1, %get3A_4, %dot_general3A {dimension_numbers = #tpu.dot_dimension_numbers<[1], [0], [0], [1], [0, 0, 1, 1], [], []>, precision = #tpu.contract_precision<fp32>, transpose_lhs_hint = false} : vector<1024x128xf32>, vector<128x128xf32>, vector<1024x128xf32> -> vector<1024x128xf32>
    %swap3A = arith.constant 0 : index
    %swap3A_6 = arith.constant 0 : index
    %swap3A_7 = vector.load %arg5[%swap3A, %swap3A_6] : memref<1024x128xf32, #tpu.memory_space<vmem>>, vector<1024x128xf32>
    tpu.vector_store %arg5[%swap3A, %swap3A_6], %dot_general3A_5 {strides = array<i32>} : memref<1024x128xf32, #tpu.memory_space<vmem>>, vector<1024x128xf32>,
    %get3A_8 = arith.constant 0 : index
    %get3A_9 = arith.constant 0 : index
    %get3A_10 = vector.load %arg3[%get3A_8, %get3A_9] : memref<1x128xf32, #tpu.memory_space<vmem>>, vector<1x128xf32>
    %mul3A = vector.broadcast %get3A_10 : vector<1x128xf32> to vector<1024x128xf32>
    %mul3A_11 = arith.mulf %dot_general3A_5, %mul3A : vector<1024x128xf32>
    %reduce_sum3A = arith.constant dense<0.000000e+00> : vector<1024xf32>
    %reduce_sum3A_12 = vector.multi_reduction <add>, %mul3A_11, %reduce_sum3A [1] : vector<1024x128xf32> to vector<1024xf32>
    %broadcast_in_dim3A = vector.shape_cast %reduce_sum3A_12 : vector<1024xf32> to vector<1024x1xf32>
    %swap3A_13 = arith.constant 0 : index
    %swap3A_14 = arith.constant 0 : index
    %swap3A_15 = vector.load %arg6[%swap3A_13, %swap3A_14] : memref<1024x1xf32, #tpu.memory_space<vmem>>, vector<1024x1xf32>
    tpu.vector_store %arg6[%swap3A_13, %swap3A_14], %broadcast_in_dim3A {strides = array<i32>} : memref<1024x1xf32, #tpu.memory_space<vmem>>, vector<1024x1xf32>,
    %get3A_16 = arith.constant 0 : index
    %get3A_17 = arith.constant 0 : index
    %get3A_18 = vector.load %arg4[%get3A_16, %get3A_17] : memref<1x128xf32, #tpu.memory_space<vmem>>, vector<1x128xf32>
    %mul3A_19 = vector.broadcast %get3A_18 : vector<1x128xf32> to vector<1024x128xf32>
    %mul3A_20 = arith.mulf %dot_general3A_5, %mul3A_19 : vector<1024x128xf32>
    %reduce_sum3A_21 = arith.constant dense<0.000000e+00> : vector<1024xf32>
    %reduce_sum3A_22 = vector.multi_reduction <add>, %mul3A_20, %reduce_sum3A_21 [1] : vector<1024x128xf32> to vector<1024xf32>
    %broadcast_in_dim3A_23 = vector.shape_cast %reduce_sum3A_22 : vector<1024xf32> to vector<1024x1xf32>
    %swap3A_24 = arith.constant 0 : index
    %swap3A_25 = arith.constant 0 : index
    %swap3A_26 = vector.load %arg7[%swap3A_24, %swap3A_25] : memref<1024x1xf32, #tpu.memory_space<vmem>>, vector<1024x1xf32>
    tpu.vector_store %arg7[%swap3A_24, %swap3A_25], %broadcast_in_dim3A_23 {strides = array<i32>} : memref<1024x1xf32, #tpu.memory_space<vmem>>, vector<1024x1xf32>,
    return
  }
  func.func @transform_0(%arg0: i32) -> (i32, i32) {
    %c0_i32 = arith.constant 0 : i32
    %c0_i32_0 = arith.constant 0 : i32
    return %arg0, %c0_i32 : i32, i32
  }
  func.func @transform_1(%arg0: i32) -> (i32, i32) {
    %c0_i32 = arith.constant 0 : i32
    %c0_i32_0 = arith.constant 0 : i32
    %c0_i32_1 = arith.constant 0 : i32
    return %c0_i32, %c0_i32_0 : i32, i32
  }
  func.func @transform_2(%arg0: i32) -> (i32, i32) {
    %c0_i32 = arith.constant 0 : i32
    %c0_i32_0 = arith.constant 0 : i32
    %c0_i32_1 = arith.constant 0 : i32
    return %c0_i32, %c0_i32_0 : i32, i32
  }
  func.func @transform_3(%arg0: i32) -> (i32, i32) {
    %c0_i32 = arith.constant 0 : i32
    %c0_i32_0 = arith.constant 0 : i32
    %c0_i32_1 = arith.constant 0 : i32
    return %c0_i32, %c0_i32_0 : i32, i32
  }
  func.func @transform_4(%arg0: i32) -> (i32, i32) {
    %c0_i32 = arith.constant 0 : i32
    %c0_i32_0 = arith.constant 0 : i32
    return %arg0, %c0_i32 : i32, i32
  }
  func.func @transform_5(%arg0: i32) -> (i32, i32) {
    %c0_i32 = arith.constant 0 : i32
    %c0_i32_0 = arith.constant 0 : i32
    return %arg0, %c0_i32 : i32, i32
  }
  func.func @transform_6(%arg0: i32) -> (i32, i32) {
    %c0_i32 = arith.constant 0 : i32
    %c0_i32_0 = arith.constant 0 : i32
    return %arg0, %c0_i32 : i32, i32
  }
}

module attributes {stable_mosaic.version = 14 : i64} {
  func.func @_fin_body(%arg0: i32, %arg1: memref<2x1024x128xf32, #tpu.memory_space<vmem>>, %arg2: memref<32x1024xf32, #tpu.memory_space<vmem>>, %arg3: memref<1024x128xf32, #tpu.memory_space<vmem>>, %arg4: memref<1024x1xf32, #tpu.memory_space<vmem>>, %arg5: memref<1024x1xf32, #tpu.memory_space<vmem>>, %arg6: memref<1x128xf32, #tpu.memory_space<vmem>>, %arg7: memref<1024x128xf32, #tpu.memory_space<vmem>>) attributes {dimension_semantics = [#tpu.dimension_semantics<arbitrary>], iteration_bounds = array<i64: 10>, scalar_prefetch = 0 : i64, scratch_operands = 0 : i64, tpu.core_type = #tpu.core_type<tc>, window_params = [{transform_indices = @transform_0, window_bounds = array<i64: 2, 1024, 128>}, {transform_indices = @transform_1, window_bounds = array<i64: 32, 1024>}, {transform_indices = @transform_2, window_bounds = array<i64: 1024, 128>}, {transform_indices = @transform_3, window_bounds = array<i64: 1024, 1>}, {transform_indices = @transform_4, window_bounds = array<i64: 1024, 1>}, {pipeline_mode = #tpu.pipeline_mode<synchronous>, transform_indices = @transform_5, window_bounds = array<i64: 1, 128>}, {transform_indices = @transform_6, window_bounds = array<i64: 1024, 128>}]} {
    %get3A = arith.constant 0 : index
    %get3A_0 = arith.constant 0 : index
    %get3A_1 = arith.constant 0 : index
    %get3A_2 = vector.load %arg1[%get3A, %get3A_0, %get3A_1] : memref<2x1024x128xf32, #tpu.memory_space<vmem>>, vector<1x1024x128xf32>
    %get3A_3 = vector.shape_cast %get3A_2 : vector<1x1024x128xf32> to vector<1024x128xf32>
    %get3A_4 = arith.constant 1 : index
    %get3A_5 = arith.constant 0 : index
    %get3A_6 = arith.constant 0 : index
    %get3A_7 = vector.load %arg1[%get3A_4, %get3A_5, %get3A_6] : memref<2x1024x128xf32, #tpu.memory_space<vmem>>, vector<1x1024x128xf32>
    %get3A_8 = vector.shape_cast %get3A_7 : vector<1x1024x128xf32> to vector<1024x128xf32>
    %add3A = arith.addf %get3A_3, %get3A_8 : vector<1024x128xf32>
    %get3A_9 = arith.constant 0 : index
    %get3A_10 = arith.constant 0 : index
    %get3A_11 = vector.load %arg2[%get3A_9, %get3A_10] : memref<32x1024xf32, #tpu.memory_space<vmem>>, vector<32x1024xf32>
    %broadcast_in_dim3A = arith.constant 1.000000e+00 : f32
    %broadcast_in_dim3A_12 = vector.broadcast %broadcast_in_dim3A : f32 to vector<32x1xf32>
    %dot_general3A = arith.constant dense<0.000000e+00> : vector<1024x1xf32>
    %dot_general3A_13 = tpu.matmul %get3A_11, %broadcast_in_dim3A_12, %dot_general3A {dimension_numbers = #tpu.dot_dimension_numbers<[0], [0], [1], [1], [0, 1, 1, 1], [], []>, precision = #tpu.contract_precision<fp32>, transpose_lhs_hint = false} : vector<32x1024xf32>, vector<32x1xf32>, vector<1024x1xf32> -> vector<1024x1xf32>
    %get3A_14 = arith.constant 0 : index
    %get3A_15 = arith.constant 0 : index
    %get3A_16 = vector.load %arg4[%get3A_14, %get3A_15] : memref<1024x1xf32, #tpu.memory_space<vmem>>, vector<1024x1xf32>
    %get3A_17 = arith.constant 0 : index
    %get3A_18 = arith.constant 0 : index
    %get3A_19 = vector.load %arg5[%get3A_17, %get3A_18] : memref<1024x1xf32, #tpu.memory_space<vmem>>, vector<1024x1xf32>
    %add3A_20 = arith.addf %get3A_16, %get3A_19 : vector<1024x1xf32>
    %ge3A = arith.constant 0.000000e+00 : f32
    %ge3A_21 = vector.broadcast %ge3A : f32 to vector<1024x1xf32>
    %ge3A_22 = arith.cmpf oge, %add3A_20, %ge3A_21 : vector<1024x1xf32>
    %mul3A = arith.constant 2.000000e-01 : f32
    %mul3A_23 = vector.broadcast %mul3A : f32 to vector<1024x1xf32>
    %mul3A_24 = arith.mulf %add3A_20, %mul3A_23 : vector<1024x1xf32>
    %select_n3A = arith.select %ge3A_22, %add3A_20, %mul3A_24 : vector<1024x1xi1>, vector<1024x1xf32>
    %exp3A = math.exp %select_n3A : vector<1024x1xf32>
    %get3A_25 = arith.constant 0 : index
    %get3A_26 = arith.constant 0 : index
    %get3A_27 = vector.load %arg3[%get3A_25, %get3A_26] : memref<1024x128xf32, #tpu.memory_space<vmem>>, vector<1024x128xf32>
    %mul3A_28 = vector.broadcast %exp3A : vector<1024x1xf32> to vector<1024x128xf32>
    %mul3A_29 = arith.mulf %mul3A_28, %get3A_27 : vector<1024x128xf32>
    %add3A_30 = arith.addf %add3A, %mul3A_29 : vector<1024x128xf32>
    %add3A_31 = arith.addf %dot_general3A_13, %exp3A : vector<1024x1xf32>
    %add3A_32 = arith.constant 1.000000e-16 : f32
    %add3A_33 = vector.broadcast %add3A_32 : f32 to vector<1024x1xf32>
    %add3A_34 = arith.addf %add3A_31, %add3A_33 : vector<1024x1xf32>
    %div3A = vector.broadcast %add3A_34 : vector<1024x1xf32> to vector<1024x128xf32>
    %div3A_35 = arith.divf %add3A_30, %div3A : vector<1024x128xf32>
    %get3A_36 = arith.constant 0 : index
    %get3A_37 = arith.constant 0 : index
    %get3A_38 = vector.load %arg6[%get3A_36, %get3A_37] : memref<1x128xf32, #tpu.memory_space<vmem>>, vector<1x128xf32>
    %add3A_39 = vector.broadcast %get3A_38 : vector<1x128xf32> to vector<1024x128xf32>
    %add3A_40 = arith.addf %div3A_35, %add3A_39 : vector<1024x128xf32>
    %swap3A = arith.constant 0 : index
    %swap3A_41 = arith.constant 0 : index
    %swap3A_42 = vector.load %arg7[%swap3A, %swap3A_41] : memref<1024x128xf32, #tpu.memory_space<vmem>>, vector<1024x128xf32>
    tpu.vector_store %arg7[%swap3A, %swap3A_41], %add3A_40 {strides = array<i32>} : memref<1024x128xf32, #tpu.memory_space<vmem>>, vector<1024x128xf32>,
    return
  }
  func.func @transform_0(%arg0: i32) -> (i32, i32, i32) {
    %c0_i32 = arith.constant 0 : i32
    %c0_i32_0 = arith.constant 0 : i32
    %c0_i32_1 = arith.constant 0 : i32
    return %c0_i32, %arg0, %c0_i32_0 : i32, i32, i32
  }
  func.func @transform_1(%arg0: i32) -> (i32, i32) {
    %c0_i32 = arith.constant 0 : i32
    %c0_i32_0 = arith.constant 0 : i32
    return %c0_i32, %arg0 : i32, i32
  }
  func.func @transform_2(%arg0: i32) -> (i32, i32) {
    %c0_i32 = arith.constant 0 : i32
    %c0_i32_0 = arith.constant 0 : i32
    return %arg0, %c0_i32 : i32, i32
  }
  func.func @transform_3(%arg0: i32) -> (i32, i32) {
    %c0_i32 = arith.constant 0 : i32
    %c0_i32_0 = arith.constant 0 : i32
    return %arg0, %c0_i32 : i32, i32
  }
  func.func @transform_4(%arg0: i32) -> (i32, i32) {
    %c0_i32 = arith.constant 0 : i32
    %c0_i32_0 = arith.constant 0 : i32
    return %arg0, %c0_i32 : i32, i32
  }
  func.func @transform_5(%arg0: i32) -> (i32, i32) {
    %c0_i32 = arith.constant 0 : i32
    %c0_i32_0 = arith.constant 0 : i32
    %c0_i32_1 = arith.constant 0 : i32
    return %c0_i32, %c0_i32_0 : i32, i32
  }
  func.func @transform_6(%arg0: i32) -> (i32, i32) {
    %c0_i32 = arith.constant 0 : i32
    %c0_i32_0 = arith.constant 0 : i32
    return %arg0, %c0_i32 : i32, i32
  }
}

</mosaic_0001>

<sc_bundles>
// kernel: kernel.6.cloned.1.call-start
scs
__scs_entry_jumppad:
0x0: {  	(pc) =	sbr.rel $0x88, $3  }
0x1: {  	(tag) =	ssettag $0x0;
	lr =	simm.s32 $0x1  }
0x2: {  	[smem:$0x3F9B] =	sst lr;
	_ =	strace $0xD0000000  }
0x3: {  	_ = 	snop  }
0x4: {  	_ = 	snop  }
0x5: {  	_ = 	snop  }
0x6: {  	_ = 	snop  }
0x7: {  	_ = 	snop  }
__scs_overlays_trampoline_lowered:
0x8: {  	[smem:$0x3FAA] =	sst s0  }
0x9: {  	[smem:$0x3FAB] =	sst s1  }
0xa: {  	[smem:$0x3FAC] =	sst s2  }
0xb: {  	[smem:$0x3FAD] =	sst s3  }
0xc: {  	[smem:$0x3FAE] =	sst s4  }
0xd: {  	[smem:$0x3FAF] =	sst s5  }
0xe: {  	[smem:$0x3FB0] =	sst s6  }
0xf: {  	[smem:$0x3FB1] =	sst s7  }
0x10: {  	[smem:$0x3FB2] =	sst s8  }
0x11: {  	[smem:$0x3FB3] =	sst s9;
	s0 =	simm.s32 @!p0 $0x0  }
0x12: {  	s1 =	sld [smem:$0x3F99];
	s0 =	simm.s32 @p0 $0x1  }
0x13: {  	[smem:$0x3FB4] =	sst s0;
	s0 =	simm.s32 @!p1 $0x0  }
0x14: {  	s2 =	sld [smem:$0x3F98];
	s0 =	simm.s32 @p1 $0x1  }
0x15: {  	[smem:$0x3FB5] =	sst s0;
	s0 =	simm.s32 @!p2 $0x0  }
0x16: {  	s3 =	sld [smem:$0x3FDB];
	s0 =	simm.s32 @p2 $0x1  }
0x17: {  	s4 =	simm.s32 $0x1BF5;
	[smem:$0x3FB7] =	sst s0  }
0x18: {  	s0 =	sld [smem:$0x3F9A];
	_ =	swait.ge [sflag:s4], $0x0  }
0x19: {  	s7 =	sld [smem:$0x3F9B]  }
0x1a: {  	s8 =	sadd.s32 $0xFFFFE003, lr  }
0x1b: {  	s9 =	sadd.s32 $0xFFFFFEF7, lr;
	s5 =	simm.s32 $0xFFFFFFFF;
	p2 =	slt.u32 s8, $0xFFFFF086  }
0x1c: {  	p1 =	slt.u32 s9, $0xF7A;
	s5 =	simm.s32 @!p2 $0x0  }
0x1d: {  	s5 =	simm.s32 @p1 $0x1;
	p0 =	seq.s32 s7, s2  }
0x1e: {  	s7 =	smul.u32 @!p0 $0xF7A, s2;
	p2 =	seq.s32 @!p0 s5, $0x0  }
0x1f: {  	s9 =	smul.u32 $0xF7A, s1;
	s8 =	simm.s32 @!p0 $0x1BF5;
	p2 =	por !p2, p0  }
0x20: {  	[sflag:s8] =	ssyncset.s32 @!p0 $0xFFFFF086;
	s6 =	sadd.s32 @!p0 s3, s7;
	s7 =	simm.s32 @!p0 $0x108  }
0x21: {  	s3 =	sadd.s32 s3, s9;
	s6 =	sadd.s32 @!p0 $0x88, s6;
	s7 =	simm.s32 @p2 $0x1082  }
0x22: {  	[simem:s7], [sflag:s8] =	dma.local @!p0 [hbm:s6], $0xF7A  }
0x23: {  	s9 =	sor.u32 $0xD0000000, s2;
	s6 =	simm.s32 $0x108;
	_ =	swait.ge @!p0 [sflag:s8], $0x0  }
0x24: {  	s3 =	sadd.s32 $0x88, s3;
	s6 =	simm.s32 @!p1 $0x1082;
	[sflag:s4] =	ssyncset.s32 $0xFFFFF086  }
0x25: {  	[simem:s6], [sflag:s4] =	dma.local [hbm:s3], $0xF7A  }
0x26: {  	[smem:$0x3F9B] =	sst s1;
	(tag) =	ssettag s2;
	_ =	strace s9  }
0x27: {  	s1 =	sld [smem:$0x3FAB]  }
0x28: {  	s2 =	sld [smem:$0x3FAC]  }
0x29: {  	s4 =	sld [smem:$0x3FAE]  }
0x2a: {  	p0 =	seq.s32 s5, $0x0;
	s5 =	sld [smem:$0x3FAF]  }
0x2b: {  	s6 =	sld [smem:$0x3FB0]  }
0x2c: {  	s7 =	sld [smem:$0x3FB1]  }
0x2d: {  	s3 =	simm.s32 $0x108;
	s8 =	sld [smem:$0x3FB2]  }
0x2e: {  	s3 =	simm.s32 @!p0 $0x1082;
	s9 =	sld [smem:$0x3FB3]  }
0x2f: {  	lr =	sadd.s32 s0, s3;
	s0 =	sld [smem:$0x3FAA]  }
0x30: {  	s3 =	sld [smem:$0x3FAD]  }
0x31: {  	[smem:$0x3FB6] =	sst s10  }
0x32: {  	s10 =	sld [smem:$0x3FB4];
	_ =	sdelay $0x3  }
0x33: {  	p0 =	seq.s32 s10, $0x1;
	s10 =	sld [smem:$0x3FB6];
	_ =	sdelay $0x3  }
0x34: {  	[smem:$0x3FB6] =	sst s10  }
0x35: {  	s10 =	sld [smem:$0x3FB5];
	_ =	sdelay $0x3  }
0x36: {  	p1 =	seq.s32 s10, $0x1;
	s10 =	sld [smem:$0x3FB6];
	_ =	sdelay $0x3  }
0x37: {  	[smem:$0x3FB6] =	sst s10  }
0x38: {  	s10 =	sld [smem:$0x3FB7]  }
0x39: {  	_ = 	snop;
	(pc) =	sbr.ind lr, $3  }
0x3a: {  	_ = 	snop  }
0x3b: {  	_ = 	snop  }
0x3c: {  	p2 =	seq.s32 s10, $0x1;
	s10 =	sld [smem:$0x3FB6]  }
0x3d: {  	_ =	shalt  }
0x3e: {  	_ =	shalt  }
0x3f: {  	_ =	shalt  }
0x40: {  	_ =	shalt  }
0x41: {  	_ =	shalt  }
0x42: {  	_ =	shalt  }
0x43: {  	_ =	shalt  }
0x44: {  	_ =	shalt  }
0x45: {  	_ =	shalt  }
0x46: {  	_ =	shalt  }
0x47: {  	_ =	shalt  }
0x48: {  	_ =	shalt  }
0x49: {  	_ =	shalt  }
0x4a: {  	_ =	shalt  }
0x4b: {  	_ =	shalt  }
0x4c: {  	_ =	shalt  }
0x4d: {  	_ =	shalt  }
0x4e: {  	_ =	shalt  }
0x4f: {  	_ =	shalt  }
0x50: {  	_ =	shalt  }
0x51: {  	_ =	shalt  }
0x52: {  	_ =	shalt  }
0x53: {  	_ =	shalt  }
0x54: {  	_ =	shalt  }
0x55: {  	_ =	shalt  }
0x56: {  	_ =	shalt  }
0x57: {  	_ =	shalt  }
0x58: {  	_ =	shalt  }
0x59: {  	_ =	shalt  }
0x5a: {  	_ =	shalt  }
0x5b: {  	_ =	shalt  }
0x5c: {  	_ =	shalt  }
0x5d: {  	_ =	shalt  }
0x5e: {  	_ =	shalt  }
0x5f: {  	_ =	shalt  }
0x60: {  	_ =	shalt  }
0x61: {  	_ =	shalt  }
0x62: {  	_ =	shalt  }
0x63: {  	_ =	shalt  }
0x64: {  	_ =	shalt  }
0x65: {  	_ =	shalt  }
0x66: {  	_ =	shalt  }
0x67: {  	_ =	shalt  }
0x68: {  	_ =	shalt  }
0x69: {  	_ =	shalt  }
0x6a: {  	_ =	shalt  }
0x6b: {  	_ =	shalt  }
0x6c: {  	_ =	shalt  }
0x6d: {  	_ =	shalt  }
0x6e: {  	_ =	shalt  }
0x6f: {  	_ =	shalt  }
0x70: {  	_ =	shalt  }
0x71: {  	_ =	shalt  }
0x72: {  	_ =	shalt  }
0x73: {  	_ =	shalt  }
0x74: {  	_ =	shalt  }
0x75: {  	_ =	shalt  }
0x76: {  	_ =	shalt  }
0x77: {  	_ =	shalt  }
0x78: {  	_ =	shalt  }
0x79: {  	_ =	shalt  }
0x7a: {  	_ =	shalt  }
0x7b: {  	_ =	shalt  }
0x7c: {  	_ =	shalt  }
0x7d: {  	_ =	shalt  }
0x7e: {  	_ =	shalt  }
0x7f: {  	_ =	shalt  }
0x80: {  	_ =	shalt  }
0x81: {  	_ =	shalt  }
0x82: {  	_ =	shalt  }
0x83: {  	_ =	shalt  }
0x84: {  	_ =	shalt  }
0x85: {  	_ =	shalt  }
0x86: {  	_ =	shalt  }
0x87: {  	_ =	shalt  }
.Lfunc_end0:
.L_simem_size_0:
called_computation_lowered:
.L_overlay_start_0:
0x88: {  	s2 =	sld [smem:$0x3FD9]  }
0x89: {  	s3 =	sld [smem:$0x3FFE];
	_ =	sdelay $0x1  }
0x8a: {  	s1 =	srdreg.scid  }
0x8b: {  	s0 =	sand.u32 $0x1, s1  }
0x8c: {  	s17 =	sshll.u32 s0, $0xA;
	s2 =	sadd.s32 s3, s2  }
0x8d: {  	s2 =	sadd.s32 s2, s17  }
0x8e: {  	[smem:$0x3FC2] =	sst s2  }
0x8f: {  	_ = 	snop  }
0x90: {  	s2 =	sld [smem:$0x3FD0];
	(tm) =	ssettm $0x1  }
0x91: {  	s18 =	sld [smem:$0x3FFB];
	_ =	sdelay $0x3  }
0x92: {  	_ =	strace s18  }
0x93: {  	s3 =	sld [smem:$0x3FFC];
	_ =	sdelay $0x3  }
0x94: {  	_ =	strace s3  }
0x95: {  	s3 =	sld [smem:$0x3FFD];
	_ =	sdelay $0x3  }
0x96: {  	_ =	strace s3  }
0x97: {  	_ =	strace $0x8FFFFFFF  }
0x98: {  	s19 =	sld [smem:$0x3FDB];
	_ =	sdelay $0x1  }
0x99: {  	s4 =	simm.s32 $_scs_section_size  }
0x9a: {  	s5 =	simm.s32 $_size__tile_overlayer_lowered;
	s6 =	simm.s32 $_tile_overlayer_lowered  }
0x9b: {  	s22 =	simm.s32 $0x1BFF;
	s21 =	sshll.u32 s6, $0x1;
	s3 =	sadd.s32 s4, s19  }
0x9c: {  	s7 =	simm.s32 $0x0;
	s20 =	sshll.u32 s5, $0x1;
	s5 =	sadd.s32 s21, s3  }
0x9d: {  	[timem:s7], [sflag:s22] =	dma.local [hbm:s5], s20  }
0x9e: {  	_ =	swait.ge [sflag:s22], s20  }
0x9f: {  	s4 =	ssub.s32 $0x0, s20;
	[sflag:s22] =	ssyncset.done $0x0  }
0xa0: {  	[sflag:s22] =	ssyncadd.s32 s4;
	_ =	sdelay $0x1  }
0xa1: {  	s23 =	simm.s32 $0x1B8B  }
0xa2: {  	_ =	swait.ge [sflag:s23], $0x1  }
0xa3: {  	[sflag:s23] =	ssyncset.done $0x0  }
0xa4: {  	s25 =	simm.s32 $0x1B8E;
	s24 =	sld [smem:$0x3FFE];
	[sflag:s23] =	ssyncadd.s32 $0xFFFFFFFF  }
0xa5: {  	s26 =	simm.s32 $execute0_lowered;
	[smem:$0x3FD2] =	sst s25  }
0xa6: {  	s5 =	sshll.u32 s26, $0x1;
	_ =	strace $0x80000046;
	[dreg:$0x1] =	wrdreg $0xFFFFFFFF  }
0xa7: {  	s28 =	simm.s32 $_size_execute0_lowered;
	s3 =	sadd.s32 s3, s5;
	[dreg:$0x0] =	wrdreg $0x0  }
0xa8: {  	s5 =	sshll.u32 s28, $0x1;
	[dreg:$0x2] =	wrdreg s3  }
0xa9: {  	[dreg:$0x3] =	wrdreg s5  }
0xaa: {  	[dreg:$0x4] =	wrdreg $0xC0  }
0xab: {  	_ =	task [dreg:s7], $0x5FFFF  }
0xac: {  	[dreg:$0x1] =	wrdreg $0xFFFFFFFF  }
0xad: {  	[dreg:$0x0] =	wrdreg $0x60  }
0xae: {  	[dreg:$0x2] =	wrdreg s24  }
0xaf: {  	[dreg:$0x3] =	wrdreg s2  }
0xb0: {  	[dreg:$0x4] =	wrdreg $0x9  }
0xb1: {  	_ =	task.clear_ibuf [dreg:s7], $0x5FFFF;
	_ =	strace $0x90000046  }
0xb2: {  	s29 =	simm.s32 $0x9;
	_ =	strace $0x80000048  }
0xb3: {  	_ =	swait.ge [sflag:s29], $0x1  }
0xb4: {  	[sflag:s29] =	ssyncadd.s32 $0xFFFFFFFF  }
0xb5: {  	_ =	strace $0x90000048  }
0xb6: {  	_ =	sfence  }
0xb7: {  	s30 =	sld [smem:$0x0];
	_ =	sdelay $0x2  }
0xb8: {  	s31 =	sshll.u32 s1, $0xD;
	s1 =	sshrl.u32 s1, $0x2  }
0xb9: {  	s3 =	sand.u32 $0x4000, s31;
	s1 =	sadd.s32 s1, s30  }
0xba: {  	s0 =	sor.u32 s3, s0;
	s1 =	sshll.u32 s1, $0x11  }
0xbb: {  	s0 =	sor.u32 s1, s0  }
0xbc: {  	s0 =	sadd.s32 $0x8F2B, s0  }
0xbd: {  	[sflag:s0] =	ssyncadd.remote.s32 $0x1  }
0xbe: {  	_ =	sfence.sel $0xFFFF  }
0xbf: {  	[dreg:$0x0] =	wrdreg $0xFFFFFFFF;
	(pc) =	sbr.abs _section_cstart, $3  }
0xc0: {  	[dreg:$0x1] =	wrdreg $0xFFFFFFFF  }
0xc1: {  	_ =	task.clear_ibuf [dreg:s7], $0x2FFFF;
	_ =	strace $0x9FFFFFFF  }
0xc2: {  	(tm) =	ssettm $0x7FFFFFFF  }
0xc3: {  	_ =	shalt  }
tec
execute0_lowered:
.L_overlay_start_1:
0x0: {  	(tag) =	ssettag $0x1  }
0x1: {  	s5 =	rddreg [dreg:$0x0]  }
0x2: {  	s6 =	rddreg [dreg:$0x1]  }
0x3: {  	s1 =	srdreg.scid;
	s0 =	rddreg [dreg:$0x2]  }
0x4: {  	s2 =	simm.s32 $0x0;
	s11 =	simm.s32 $0x7800;
	s12 =	simm.s32 $0x2800  }
0x5: {  	s13 =	simm.s32 $0xA000;
	s14 =	simm.s32 $0x0;
	s3 =	sand.u32 $0x1, s1  }
0x6: {  	s1 =	stileid.u32;
	[smem:$0x7FF] =	sst s2;
	s4 =	sshll.u32 s3, $0x4  }
0x7: {  	_ =	strace $0x80000047;
	s8 =	ssub.s32 $0x2, s3;
	s4 =	sor.u32 s1, s4  }
0x8: {  	s3 =	sadd.s32 $0x33600, s5;
	s9 =	sshrl.u32 s8, $0x1;
	s7 =	smul.u32 $0x500, s4  }
0x9: {  	s4 =	sadd.s32 $0x33C00, s5;
	s8 =	ssub.s32 s8, s9;
	s9 =	simm.s32 $0x5000  }
0xa: {  	s8 =	smax.u32 s8, $0x1;
	s10 =	sadd.s32 s7, s5;
	s5 =	sadd.s32 s6, s7  }
0xb: {  	s6 =	sadd.s32 $0x1600, s10;
	s7 =	sadd.s32 $0x34200, s10;
	s10 =	simm.s32 $0x1  }
.LBB2_1:
0xc: {  	[tilespmem:s9], [sflag:$0x1] =	stream.linear.gather [hbm4b:s5+s2], $0x2780, $0x38;
	[tilespmem:$0xC800] =	vst v63  }
0xd: {  	_ =	swait.ge [sflag:s10], $0x2780  }
0xe: {  	[sflag:s10] =	ssyncset.done $0x0  }
0xf: {  	[sflag:s10] =	ssyncadd.s32 $0xFFFFD880  }
0x10: {  	[tilespmem:s11], [sflag:$0x1] =	stream.linear.gather [hbm4b:s6+s2], $0x2780, $0x38;
	[tilespmem:$0xC800] =	vst v63  }
0x11: {  	_ =	swait.ge [sflag:s10], $0x2780  }
0x12: {  	[sflag:s10] =	ssyncset.done $0x0  }
0x13: {  	[sflag:s10] =	ssyncadd.s32 $0xFFFFD880  }
0x14: {  	[tilespmem:s2], [sflag:$0x1] =	stream.linear.gather [hbm4b:s3+s2], $0x2800, $0x38;
	[tilespmem:$0xC800] =	vst v63  }
0x15: {  	_ =	swait.ge [sflag:s10], $0x2800  }
0x16: {  	[sflag:s10] =	ssyncset.done $0x0  }
0x17: {  	[sflag:s10] =	ssyncadd.s32 $0xFFFFD800  }
0x18: {  	[tilespmem:s12], [sflag:$0x1] =	stream.linear.gather [hbm4b:s4+s2], $0x2800, $0x38;
	[tilespmem:$0xC800] =	vst v63  }
0x19: {  	_ =	swait.ge [sflag:s10], $0x2800  }
0x1a: {  	[sflag:s10] =	ssyncset.done $0x0  }
0x1b: {  	s15 =	simm.s32 $0x0;
	[sflag:s10] =	ssyncadd.s32 $0xFFFFD800  }
0x1c: {  	v0 =	vld [tilespmem:s15+$0x5000]  }
0x1d: {  	v1 =	vld [tilespmem:s15+$0x7800];
	_ =	sdelay $0x6  }
0x1e: {  	v0 =	vld.idx.msk [tilespmem:v0+s2+$0x0], $0xffff  }
0x1f: {  	v1 =	vld.idx.msk [tilespmem:v1+s12+$0x0], $0xffff;
	_ =	sdelay $0x4  }
0x20: {  	v0 =	vadd.f32 v1, v0;
	_ =	sdelay $0x1  }
0x21: {  	v1 =	vmul.f32 $2.000000030e-01, v0  }
0x22: {  	vm0 =	vge.f32 v0, $0.0e+00  }
0x23: {  	v0 =	vsel vm0, v0, v1  }
0x24: {  	v0 =	vmul.f32 $1.442695020e+00, v0;
	_ =	sdelay $0x1  }
0x25: {  	(erf) = vpow2.f32 v0;
	_ =	sdelay $0x2  }
0x26: {  	v44 =	vld [tilespmem:s15+$0x5010]  }
0x27: {  	v45 =	vld [tilespmem:s15+$0x7810];
	_ =	sdelay $0x4  }
0x28: {  	v2 =	vpop (erf)  }
0x29: {  	[tilespmem:s15+$0xA000] =	vst v2  }
0x2a: {  	v0 =	vld.idx.msk [tilespmem:v44+s2+$0x0], $0xffff  }
0x2b: {  	v1 =	vld.idx.msk [tilespmem:v45+s12+$0x0], $0xffff;
	_ =	sdelay $0x4  }
0x2c: {  	v0 =	vadd.f32 v1, v0;
	_ =	sdelay $0x1  }
0x2d: {  	v1 =	vmul.f32 $2.000000030e-01, v0  }
0x2e: {  	vm9 =	vge.f32 v0, $0.0e+00  }
0x2f: {  	v0 =	vsel vm9, v0, v1  }
0x30: {  	v0 =	vmul.f32 $1.442695020e+00, v0;
	_ =	sdelay $0x1  }
0x31: {  	(erf) = vpow2.f32 v0;
	_ =	sdelay $0x2  }
0x32: {  	v46 =	vld [tilespmem:s15+$0x5020]  }
0x33: {  	v47 =	vld [tilespmem:s15+$0x7820];
	_ =	sdelay $0x4  }
0x34: {  	v48 =	vpop (erf)  }
0x35: {  	[tilespmem:s15+$0xA010] =	vst v48  }
0x36: {  	v0 =	vld.idx.msk [tilespmem:v46+s2+$0x0], $0xffff  }
0x37: {  	v1 =	vld.idx.msk [tilespmem:v47+s12+$0x0], $0xffff;
	_ =	sdelay $0x4  }
0x38: {  	v0 =	vadd.f32 v1, v0;
	_ =	sdelay $0x1  }
0x39: {  	v1 =	vmul.f32 $2.000000030e-01, v0  }
0x3a: {  	vm10 =	vge.f32 v0, $0.0e+00  }
0x3b: {  	v0 =	vsel vm10, v0, v1  }
0x3c: {  	v0 =	vmul.f32 $1.442695020e+00, v0;
	_ =	sdelay $0x1  }
0x3d: {  	(erf) = vpow2.f32 v0;
	_ =	sdelay $0x2  }
0x3e: {  	v49 =	vld [tilespmem:s15+$0x5030]  }
0x3f: {  	v50 =	vld [tilespmem:s15+$0x7830];
	_ =	sdelay $0x4  }
0x40: {  	v51 =	vpop (erf)  }
0x41: {  	[tilespmem:s15+$0xA020] =	vst v51  }
0x42: {  	v0 =	vld.idx.msk [tilespmem:v49+s2+$0x0], $0xffff  }
0x43: {  	v1 =	vld.idx.msk [tilespmem:v50+s12+$0x0], $0xffff;
	_ =	sdelay $0x4  }
0x44: {  	v0 =	vadd.f32 v1, v0;
	_ =	sdelay $0x1  }
0x45: {  	v1 =	vmul.f32 $2.000000030e-01, v0  }
0x46: {  	vm11 =	vge.f32 v0, $0.0e+00  }
0x47: {  	v0 =	vsel vm11, v0, v1  }
0x48: {  	v0 =	vmul.f32 $1.442695020e+00, v0;
	_ =	sdelay $0x1  }
0x49: {  	(erf) = vpow2.f32 v0;
	_ =	sdelay $0x2  }
0x4a: {  	v52 =	vld [tilespmem:s15+$0x5040]  }
0x4b: {  	v53 =	vld [tilespmem:s15+$0x7840];
	_ =	sdelay $0x4  }
0x4c: {  	v54 =	vpop (erf)  }
0x4d: {  	[tilespmem:s15+$0xA030] =	vst v54  }
0x4e: {  	v0 =	vld.idx.msk [tilespmem:v52+s2+$0x0], $0xffff  }
0x4f: {  	v1 =	vld.idx.msk [tilespmem:v53+s12+$0x0], $0xffff;
	_ =	sdelay $0x4  }
0x50: {  	v0 =	vadd.f32 v1, v0;
	_ =	sdelay $0x1  }
0x51: {  	v1 =	vmul.f32 $2.000000030e-01, v0  }
0x52: {  	vm12 =	vge.f32 v0, $0.0e+00  }
0x53: {  	v0 =	vsel vm12, v0, v1  }
0x54: {  	v0 =	vmul.f32 $1.442695020e+00, v0;
	_ =	sdelay $0x1  }
0x55: {  	(erf) = vpow2.f32 v0;
	_ =	sdelay $0x2  }
0x56: {  	v55 =	vld [tilespmem:s15+$0x5050]  }
0x57: {  	v56 =	vld [tilespmem:s15+$0x7850];
	_ =	sdelay $0x4  }
0x58: {  	v57 =	vpop (erf)  }
0x59: {  	[tilespmem:s15+$0xA040] =	vst v57  }
0x5a: {  	v0 =	vld.idx.msk [tilespmem:v55+s2+$0x0], $0xffff  }
0x5b: {  	v1 =	vld.idx.msk [tilespmem:v56+s12+$0x0], $0xffff;
	_ =	sdelay $0x4  }
0x5c: {  	v0 =	vadd.f32 v1, v0;
	_ =	sdelay $0x1  }
0x5d: {  	v1 =	vmul.f32 $2.000000030e-01, v0  }
0x5e: {  	vm13 =	vge.f32 v0, $0.0e+00  }
0x5f: {  	v0 =	vsel vm13, v0, v1  }
0x60: {  	v0 =	vmul.f32 $1.442695020e+00, v0;
	_ =	sdelay $0x1  }
0x61: {  	(erf) = vpow2.f32 v0;
	_ =	sdelay $0x2  }
0x62: {  	v58 =	vld [tilespmem:s15+$0x5060]  }
0x63: {  	v59 =	vld [tilespmem:s15+$0x7860];
	_ =	sdelay $0x4  }
0x64: {  	v60 =	vpop (erf)  }
0x65: {  	[tilespmem:s15+$0xA050] =	vst v60  }
0x66: {  	v0 =	vld.idx.msk [tilespmem:v58+s2+$0x0], $0xffff  }
0x67: {  	v1 =	vld.idx.msk [tilespmem:v59+s12+$0x0], $0xffff;
	_ =	sdelay $0x4  }
0x68: {  	v0 =	vadd.f32 v1, v0;
	_ =	sdelay $0x1  }
0x69: {  	v1 =	vmul.f32 $2.000000030e-01, v0  }
0x6a: {  	vm14 =	vge.f32 v0, $0.0e+00  }
0x6b: {  	v0 =	vsel vm14, v0, v1  }
0x6c: {  	v0 =	vmul.f32 $1.442695020e+00, v0;
	_ =	sdelay $0x1  }
0x6d: {  	(erf) = vpow2.f32 v0;
	_ =	sdelay $0x2  }
0x6e: {  	v61 =	vld [tilespmem:s15+$0x5070]  }
0x6f: {  	v62 =	vld [tilespmem:s15+$0x7870];
	_ =	sdelay $0x4  }
0x70: {  	v63 =	vpop (erf)  }
0x71: {  	[tilespmem:s15+$0xA060] =	vst v63  }
0x72: {  	v0 =	vld.idx.msk [tilespmem:v61+s2+$0x0], $0xffff  }
0x73: {  	v1 =	vld.idx.msk [tilespmem:v62+s12+$0x0], $0xffff;
	_ =	sdelay $0x4  }
0x74: {  	v0 =	vadd.f32 v1, v0;
	_ =	sdelay $0x1  }
0x75: {  	v1 =	vmul.f32 $2.000000030e-01, v0  }
0x76: {  	vm15 =	vge.f32 v0, $0.0e+00  }
0x77: {  	v0 =	vsel vm15, v0, v1  }
0x78: {  	v0 =	vmul.f32 $1.442695020e+00, v0;
	_ =	sdelay $0x1  }
0x79: {  	s16 =	simm.s32 $0x200;
	s17 =	simm.s32 $0x400;
	(erf) = vpow2.f32 v0  }
.LBB2_2:
0x7a: {  	p0 =	sne.s32 s17, $0x9C00  }
0x7b: {  	s18 =	sshra.s32 s16, $0x2;
	s16 =	smov.u32 s17;
	s17 =	sadd.s32 $0x200, s17  }
0x7c: {  	v0 =	vld [tilespmem:s18+$0x5000]  }
0x7d: {  	v1 =	vld [tilespmem:s18+$0x7800];
	_ =	sdelay $0x4  }
0x7e: {  	v2 =	vpop (erf)  }
0x7f: {  	[tilespmem:s15+$0xA070] =	vst v2;
	s15 =	smov.u32 s18  }
0x80: {  	v0 =	vld.idx.msk [tilespmem:v0+s2+$0x0], $0xffff  }
0x81: {  	v1 =	vld.idx.msk [tilespmem:v1+s12+$0x0], $0xffff;
	_ =	sdelay $0x5  }
0x82: {  	v0 =	vadd.f32 v1, v0;
	_ =	sdelay $0x1  }
0x83: {  	vm0 =	vge.f32 v0, $0.0e+00;
	v1 =	vmul.f32 $2.000000030e-01, v0;
	_ =	sdelay $0x1  }
0x84: {  	v0 =	vsel vm0, v0, v1  }
0x85: {  	v0 =	vmul.f32 $1.442695020e+00, v0;
	_ =	sdelay $0x1  }
0x86: {  	(erf) = vpow2.f32 v0;
	_ =	sdelay $0x1  }
0x87: {  	v0 =	vld [tilespmem:s15+$0x7810]  }
0x88: {  	v1 =	vld [tilespmem:s15+$0x5010];
	_ =	sdelay $0x5  }
0x89: {  	v2 =	vpop (erf)  }
0x8a: {  	[tilespmem:s15+$0xA000] =	vst v2  }
0x8b: {  	v1 =	vld.idx.msk [tilespmem:v1+s2+$0x0], $0xffff  }
0x8c: {  	v0 =	vld.idx.msk [tilespmem:v0+s12+$0x0], $0xffff;
	_ =	sdelay $0x5  }
0x8d: {  	v0 =	vadd.f32 v0, v1;
	_ =	sdelay $0x1  }
0x8e: {  	vm0 =	vge.f32 v0, $0.0e+00;
	v1 =	vmul.f32 $2.000000030e-01, v0;
	_ =	sdelay $0x1  }
0x8f: {  	v0 =	vsel vm0, v0, v1  }
0x90: {  	v0 =	vmul.f32 $1.442695020e+00, v0;
	_ =	sdelay $0x1  }
0x91: {  	(erf) = vpow2.f32 v0;
	_ =	sdelay $0x1  }
0x92: {  	v0 =	vld [tilespmem:s15+$0x7820]  }
0x93: {  	v1 =	vld [tilespmem:s15+$0x5020];
	_ =	sdelay $0x5  }
0x94: {  	v2 =	vpop (erf)  }
0x95: {  	[tilespmem:s15+$0xA010] =	vst v2  }
0x96: {  	v1 =	vld.idx.msk [tilespmem:v1+s2+$0x0], $0xffff  }
0x97: {  	v0 =	vld.idx.msk [tilespmem:v0+s12+$0x0], $0xffff;
	_ =	sdelay $0x5  }
0x98: {  	v0 =	vadd.f32 v0, v1;
	_ =	sdelay $0x1  }
0x99: {  	vm0 =	vge.f32 v0, $0.0e+00;
	v1 =	vmul.f32 $2.000000030e-01, v0;
	_ =	sdelay $0x1  }
0x9a: {  	v0 =	vsel vm0, v0, v1  }
0x9b: {  	v0 =	vmul.f32 $1.442695020e+00, v0;
	_ =	sdelay $0x1  }
0x9c: {  	(erf) = vpow2.f32 v0;
	_ =	sdelay $0x1  }
0x9d: {  	v0 =	vld [tilespmem:s15+$0x7830]  }
0x9e: {  	v1 =	vld [tilespmem:s15+$0x5030];
	_ =	sdelay $0x5  }
0x9f: {  	v2 =	vpop (erf)  }
0xa0: {  	[tilespmem:s15+$0xA020] =	vst v2  }
0xa1: {  	v1 =	vld.idx.msk [tilespmem:v1+s2+$0x0], $0xffff  }
0xa2: {  	v0 =	vld.idx.msk [tilespmem:v0+s12+$0x0], $0xffff;
	_ =	sdelay $0x5  }
0xa3: {  	v0 =	vadd.f32 v0, v1;
	_ =	sdelay $0x1  }
0xa4: {  	vm0 =	vge.f32 v0, $0.0e+00;
	v1 =	vmul.f32 $2.000000030e-01, v0;
	_ =	sdelay $0x1  }
0xa5: {  	v0 =	vsel vm0, v0, v1  }
0xa6: {  	v0 =	vmul.f32 $1.442695020e+00, v0;
	_ =	sdelay $0x1  }
0xa7: {  	(erf) = vpow2.f32 v0;
	_ =	sdelay $0x1  }
0xa8: {  	v0 =	vld [tilespmem:s15+$0x7840]  }
0xa9: {  	v1 =	vld [tilespmem:s15+$0x5040];
	_ =	sdelay $0x5  }
0xaa: {  	v2 =	vpop (erf)  }
0xab: {  	[tilespmem:s15+$0xA030] =	vst v2  }
0xac: {  	v1 =	vld.idx.msk [tilespmem:v1+s2+$0x0], $0xffff  }
0xad: {  	v0 =	vld.idx.msk [tilespmem:v0+s12+$0x0], $0xffff;
	_ =	sdelay $0x5  }
0xae: {  	v0 =	vadd.f32 v0, v1;
	_ =	sdelay $0x1  }
0xaf: {  	vm0 =	vge.f32 v0, $0.0e+00;
	v1 =	vmul.f32 $2.000000030e-01, v0;
	_ =	sdelay $0x1  }
0xb0: {  	v0 =	vsel vm0, v0, v1  }
0xb1: {  	v0 =	vmul.f32 $1.442695020e+00, v0;
	_ =	sdelay $0x1  }
0xb2: {  	(erf) = vpow2.f32 v0;
	_ =	sdelay $0x1  }
0xb3: {  	v0 =	vld [tilespmem:s15+$0x7850]  }
0xb4: {  	v1 =	vld [tilespmem:s15+$0x5050];
	_ =	sdelay $0x5  }
0xb5: {  	v2 =	vpop (erf)  }
0xb6: {  	[tilespmem:s15+$0xA040] =	vst v2  }
0xb7: {  	v1 =	vld.idx.msk [tilespmem:v1+s2+$0x0], $0xffff  }
0xb8: {  	v0 =	vld.idx.msk [tilespmem:v0+s12+$0x0], $0xffff;
	_ =	sdelay $0x5  }
0xb9: {  	v0 =	vadd.f32 v0, v1;
	_ =	sdelay $0x1  }
0xba: {  	vm0 =	vge.f32 v0, $0.0e+00;
	v1 =	vmul.f32 $2.000000030e-01, v0;
	_ =	sdelay $0x1  }
0xbb: {  	v0 =	vsel vm0, v0, v1  }
0xbc: {  	v0 =	vmul.f32 $1.442695020e+00, v0;
	_ =	sdelay $0x1  }
0xbd: {  	(erf) = vpow2.f32 v0;
	_ =	sdelay $0x1  }
0xbe: {  	v0 =	vld [tilespmem:s15+$0x7860]  }
0xbf: {  	v1 =	vld [tilespmem:s15+$0x5060];
	_ =	sdelay $0x5  }
0xc0: {  	v2 =	vpop (erf)  }
0xc1: {  	[tilespmem:s15+$0xA050] =	vst v2  }
0xc2: {  	v1 =	vld.idx.msk [tilespmem:v1+s2+$0x0], $0xffff  }
0xc3: {  	v0 =	vld.idx.msk [tilespmem:v0+s12+$0x0], $0xffff;
	_ =	sdelay $0x5  }
0xc4: {  	v0 =	vadd.f32 v0, v1;
	_ =	sdelay $0x1  }
0xc5: {  	vm0 =	vge.f32 v0, $0.0e+00;
	v1 =	vmul.f32 $2.000000030e-01, v0;
	_ =	sdelay $0x1  }
0xc6: {  	v0 =	vsel vm0, v0, v1  }
0xc7: {  	v0 =	vmul.f32 $1.442695020e+00, v0;
	_ =	sdelay $0x1  }
0xc8: {  	(erf) = vpow2.f32 v0;
	_ =	sdelay $0x1  }
0xc9: {  	v0 =	vld [tilespmem:s15+$0x7870]  }
0xca: {  	v1 =	vld [tilespmem:s15+$0x5070];
	_ =	sdelay $0x5  }
0xcb: {  	v2 =	vpop (erf)  }
0xcc: {  	[tilespmem:s15+$0xA060] =	vst v2  }
0xcd: {  	v1 =	vld.idx.msk [tilespmem:v1+s2+$0x0], $0xffff  }
0xce: {  	v0 =	vld.idx.msk [tilespmem:v0+s12+$0x0], $0xffff;
	_ =	sdelay $0x5  }
0xcf: {  	v0 =	vadd.f32 v0, v1;
	_ =	sdelay $0x1  }
0xd0: {  	vm0 =	vge.f32 v0, $0.0e+00;
	v1 =	vmul.f32 $2.000000030e-01, v0  }
.Ltmp0:
0xd1: {  	(pc) =	sbr.rel @p0 .LBB2_2-.Ltmp0, $3  }
0xd2: {  	v0 =	vsel vm0, v0, v1  }
0xd3: {  	v0 =	vmul.f32 $1.442695020e+00, v0;
	_ =	sdelay $0x1  }
0xd4: {  	(erf) = vpow2.f32 v0  }
0xd5: {  	_ = 	snop  }
0xd6: {  	s16 =	sshra.s32 s16, $0x2  }
0xd7: {  	v0 =	vld [tilespmem:s16+$0x5000]  }
0xd8: {  	v1 =	vld [tilespmem:s16+$0x7800];
	_ =	sdelay $0x4  }
0xd9: {  	v2 =	vpop (erf)  }
0xda: {  	[tilespmem:s15+$0xA070] =	vst v2  }
0xdb: {  	v0 =	vld.idx.msk [tilespmem:v0+s2+$0x0], $0xffff  }
0xdc: {  	v1 =	vld.idx.msk [tilespmem:v1+s12+$0x0], $0xffff;
	_ =	sdelay $0x4  }
0xdd: {  	v0 =	vadd.f32 v1, v0;
	_ =	sdelay $0x1  }
0xde: {  	v1 =	vmul.f32 $2.000000030e-01, v0  }
0xdf: {  	vm0 =	vge.f32 v0, $0.0e+00  }
0xe0: {  	v0 =	vsel vm0, v0, v1  }
0xe1: {  	v0 =	vmul.f32 $1.442695020e+00, v0;
	_ =	sdelay $0x1  }
0xe2: {  	(erf) = vpow2.f32 v0;
	_ =	sdelay $0x2  }
0xe3: {  	v43 =	vld [tilespmem:s16+$0x5010]  }
0xe4: {  	v44 =	vld [tilespmem:s16+$0x7810];
	_ =	sdelay $0x4  }
0xe5: {  	v45 =	vpop (erf)  }
0xe6: {  	[tilespmem:s16+$0xA000] =	vst v45  }
0xe7: {  	v0 =	vld.idx.msk [tilespmem:v43+s2+$0x0], $0xffff  }
0xe8: {  	v1 =	vld.idx.msk [tilespmem:v44+s12+$0x0], $0xffff;
	_ =	sdelay $0x4  }
0xe9: {  	v0 =	vadd.f32 v1, v0;
	_ =	sdelay $0x1  }
0xea: {  	v1 =	vmul.f32 $2.000000030e-01, v0  }
0xeb: {  	vm9 =	vge.f32 v0, $0.0e+00  }
0xec: {  	v0 =	vsel vm9, v0, v1  }
0xed: {  	v0 =	vmul.f32 $1.442695020e+00, v0;
	_ =	sdelay $0x1  }
0xee: {  	(erf) = vpow2.f32 v0;
	_ =	sdelay $0x2  }
0xef: {  	v46 =	vld [tilespmem:s16+$0x5020]  }
0xf0: {  	v47 =	vld [tilespmem:s16+$0x7820];
	_ =	sdelay $0x4  }
0xf1: {  	v48 =	vpop (erf)  }
0xf2: {  	[tilespmem:s16+$0xA010] =	vst v48  }
0xf3: {  	v0 =	vld.idx.msk [tilespmem:v46+s2+$0x0], $0xffff  }
0xf4: {  	v1 =	vld.idx.msk [tilespmem:v47+s12+$0x0], $0xffff;
	_ =	sdelay $0x4  }
0xf5: {  	v0 =	vadd.f32 v1, v0;
	_ =	sdelay $0x1  }
0xf6: {  	v1 =	vmul.f32 $2.000000030e-01, v0  }
0xf7: {  	vm10 =	vge.f32 v0, $0.0e+00  }
0xf8: {  	v0 =	vsel vm10, v0, v1  }
0xf9: {  	v0 =	vmul.f32 $1.442695020e+00, v0;
	_ =	sdelay $0x1  }
0xfa: {  	(erf) = vpow2.f32 v0;
	_ =	sdelay $0x2  }
0xfb: {  	v49 =	vld [tilespmem:s16+$0x5030]  }
0xfc: {  	v50 =	vld [tilespmem:s16+$0x7830];
	_ =	sdelay $0x4  }
0xfd: {  	v51 =	vpop (erf)  }
0xfe: {  	[tilespmem:s16+$0xA020] =	vst v51  }
0xff: {  	v0 =	vld.idx.msk [tilespmem:v49+s2+$0x0], $0xffff  }
0x100: {  	v1 =	vld.idx.msk [tilespmem:v50+s12+$0x0], $0xffff;
	_ =	sdelay $0x4  }
0x101: {  	v0 =	vadd.f32 v1, v0;
	_ =	sdelay $0x1  }
0x102: {  	v1 =	vmul.f32 $2.000000030e-01, v0  }
0x103: {  	vm11 =	vge.f32 v0, $0.0e+00  }
0x104: {  	v0 =	vsel vm11, v0, v1  }
0x105: {  	v0 =	vmul.f32 $1.442695020e+00, v0;
	_ =	sdelay $0x1  }
0x106: {  	(erf) = vpow2.f32 v0;
	_ =	sdelay $0x2  }
0x107: {  	v52 =	vld [tilespmem:s16+$0x5040]  }
0x108: {  	v53 =	vld [tilespmem:s16+$0x7840];
	_ =	sdelay $0x4  }
0x109: {  	v54 =	vpop (erf)  }
0x10a: {  	[tilespmem:s16+$0xA030] =	vst v54  }
0x10b: {  	v0 =	vld.idx.msk [tilespmem:v52+s2+$0x0], $0xffff  }
0x10c: {  	v1 =	vld.idx.msk [tilespmem:v53+s12+$0x0], $0xffff;
	_ =	sdelay $0x4  }
0x10d: {  	v0 =	vadd.f32 v1, v0;
	_ =	sdelay $0x1  }
0x10e: {  	v1 =	vmul.f32 $2.000000030e-01, v0  }
0x10f: {  	vm12 =	vge.f32 v0, $0.0e+00  }
0x110: {  	v0 =	vsel vm12, v0, v1  }
0x111: {  	v0 =	vmul.f32 $1.442695020e+00, v0;
	_ =	sdelay $0x1  }
0x112: {  	(erf) = vpow2.f32 v0;
	_ =	sdelay $0x2  }
0x113: {  	v55 =	vld [tilespmem:s16+$0x5050]  }
0x114: {  	v56 =	vld [tilespmem:s16+$0x7850];
	_ =	sdelay $0x4  }
0x115: {  	v57 =	vpop (erf)  }
0x116: {  	[tilespmem:s16+$0xA040] =	vst v57  }
0x117: {  	v0 =	vld.idx.msk [tilespmem:v55+s2+$0x0], $0xffff  }
0x118: {  	v1 =	vld.idx.msk [tilespmem:v56+s12+$0x0], $0xffff;
	_ =	sdelay $0x4  }
0x119: {  	v0 =	vadd.f32 v1, v0;
	_ =	sdelay $0x1  }
0x11a: {  	v1 =	vmul.f32 $2.000000030e-01, v0  }
0x11b: {  	vm13 =	vge.f32 v0, $0.0e+00  }
0x11c: {  	v0 =	vsel vm13, v0, v1  }
0x11d: {  	v0 =	vmul.f32 $1.442695020e+00, v0;
	_ =	sdelay $0x1  }
0x11e: {  	(erf) = vpow2.f32 v0;
	_ =	sdelay $0x2  }
0x11f: {  	v58 =	vld [tilespmem:s16+$0x5060]  }
0x120: {  	v59 =	vld [tilespmem:s16+$0x7860];
	_ =	sdelay $0x4  }
0x121: {  	v60 =	vpop (erf)  }
0x122: {  	[tilespmem:s16+$0xA050] =	vst v60  }
0x123: {  	v0 =	vld.idx.msk [tilespmem:v58+s2+$0x0], $0xffff  }
0x124: {  	v1 =	vld.idx.msk [tilespmem:v59+s12+$0x0], $0xffff;
	_ =	sdelay $0x4  }
0x125: {  	v0 =	vadd.f32 v1, v0;
	_ =	sdelay $0x1  }
0x126: {  	v1 =	vmul.f32 $2.000000030e-01, v0  }
0x127: {  	vm14 =	vge.f32 v0, $0.0e+00  }
0x128: {  	v0 =	vsel vm14, v0, v1  }
0x129: {  	v0 =	vmul.f32 $1.442695020e+00, v0;
	_ =	sdelay $0x1  }
0x12a: {  	(erf) = vpow2.f32 v0;
	_ =	sdelay $0x2  }
0x12b: {  	v61 =	vld [tilespmem:s16+$0x5070]  }
0x12c: {  	v62 =	vld [tilespmem:s16+$0x7870];
	_ =	sdelay $0x4  }
0x12d: {  	v63 =	vpop (erf)  }
0x12e: {  	[tilespmem:s16+$0xA060] =	vst v63  }
0x12f: {  	v0 =	vld.idx.msk [tilespmem:v61+s2+$0x0], $0xffff  }
0x130: {  	v1 =	vld.idx.msk [tilespmem:v62+s12+$0x0], $0xffff;
	_ =	sdelay $0x4  }
0x131: {  	v0 =	vadd.f32 v1, v0;
	_ =	sdelay $0x1  }
0x132: {  	v1 =	vmul.f32 $2.000000030e-01, v0  }
0x133: {  	vm15 =	vge.f32 v0, $0.0e+00  }
0x134: {  	v0 =	vsel vm15, v0, v1  }
0x135: {  	v0 =	vmul.f32 $1.442695020e+00, v0;
	_ =	sdelay $0x1  }
0x136: {  	(erf) = vpow2.f32 v0;
	_ =	sdelay $0x7  }
0x137: {  	s14 =	sadd.s32 $0x1, s14  }
0x138: {  	p0 =	sne.s32 s14, s8;
	v0 =	vpop (erf)  }
.Ltmp1:
0x139: {  	[tilespmem:s16+$0xA070] =	vst v0;
	(pc) =	sbr.rel @p0 .LBB2_1-.Ltmp1, $4  }
0x13a: {  	[hbm4b:s7+s2] =	stream.linear.scatter [tilespmem:s13], [sflag:$0x1], $0x2780, $0x38;
	[tilespmem:$0xC800] =	vst v63  }
0x13b: {  	_ =	swait.ge [sflag:s10], $0x2780  }
0x13c: {  	[sflag:s10] =	ssyncset.done $0x0  }
0x13d: {  	[sflag:s10] =	ssyncadd.s32 $0xFFFFD880  }
0x13e: {  	_ =	sfence.sel $0x180000  }
0x13f: {  	[bflag:$0x0] =	sbarrier.arrive $0xFFFF  }
0x140: {  	p0 =	sne.s32 s1, $0x0;
	_ =	strace $0x90000047  }
0x141: {  	s0 =	sadd.s32 @!p0 $0x100000, s0;
	[bflag:$0x2] =	sbarrier.arrive $0xFFFF  }
0x142: {  	[sflag:s0] =	ssyncadd.tile.s32 @!p0 $0x1;
	_ =	shalt  }
.Lfunc_end2:
_tile_overlayer_lowered:
.L_overlay_start_2:
0x143: {  	(tag) =	ssettag $0x2  }
0x144: {  	s0 =	rddreg [dreg:$0x0];
	s2 =	stileid.u32  }
0x145: {  	s1 =	rddreg [dreg:$0x1];
	p0 =	sne.s32 s2, $0x0  }
0x146: {  	s3 =	rddreg [dreg:$0x2];
	[bflag:$0x3] =	sbarrier.arrive $0xFFFF;
	s2 =	simm.s32 @!p0 $0x1C01  }
0x147: {  	[timem:s3], [sflag:s2] =	dma.local @!p0 [hbm:s0], s1  }
0x148: {  	s0 =	simm.s32 @!p0 $0x1  }
0x149: {  	_ =	swait.ge @!p0 [sflag:s0], s1  }
0x14a: {  	s1 =	ssub.s32 @!p0 $0x0, s1;
	[sflag:s0] =	ssyncset.done @!p0 $0x0  }
0x14b: {  	[sflag:s0] =	ssyncadd.s32 @!p0 s1  }
0x14c: {  	[bflag:$0x3] =	sbarrier.arrive $0xFFFF  }
0x14d: {  	_ =	shalt  }

// kernel: kernel.9.cloned.1.call-start
scs
__scs_entry_jumppad:
0x0: {  	(pc) =	sbr.rel $0x88, $3  }
0x1: {  	(tag) =	ssettag $0x0;
	lr =	simm.s32 $0x1  }
0x2: {  	[smem:$0x3F9B] =	sst lr;
	_ =	strace $0xD0000000  }
0x3: {  	_ = 	snop  }
0x4: {  	_ = 	snop  }
0x5: {  	_ = 	snop  }
0x6: {  	_ = 	snop  }
0x7: {  	_ = 	snop  }
__scs_overlays_trampoline_lowered:
0x8: {  	[smem:$0x3FAA] =	sst s0  }
0x9: {  	[smem:$0x3FAB] =	sst s1  }
0xa: {  	[smem:$0x3FAC] =	sst s2  }
0xb: {  	[smem:$0x3FAD] =	sst s3  }
0xc: {  	[smem:$0x3FAE] =	sst s4  }
0xd: {  	[smem:$0x3FAF] =	sst s5  }
0xe: {  	[smem:$0x3FB0] =	sst s6  }
0xf: {  	[smem:$0x3FB1] =	sst s7  }
0x10: {  	[smem:$0x3FB2] =	sst s8  }
0x11: {  	[smem:$0x3FB3] =	sst s9;
	s0 =	simm.s32 @!p0 $0x0  }
0x12: {  	s1 =	sld [smem:$0x3F99];
	s0 =	simm.s32 @p0 $0x1  }
0x13: {  	[smem:$0x3FB4] =	sst s0;
	s0 =	simm.s32 @!p1 $0x0  }
0x14: {  	s2 =	sld [smem:$0x3F98];
	s0 =	simm.s32 @p1 $0x1  }
0x15: {  	[smem:$0x3FB5] =	sst s0;
	s0 =	simm.s32 @!p2 $0x0  }
0x16: {  	s3 =	sld [smem:$0x3FDB];
	s0 =	simm.s32 @p2 $0x1  }
0x17: {  	s4 =	simm.s32 $0x1BF5;
	[smem:$0x3FB7] =	sst s0  }
0x18: {  	s0 =	sld [smem:$0x3F9A];
	_ =	swait.ge [sflag:s4], $0x0  }
0x19: {  	s7 =	sld [smem:$0x3F9B]  }
0x1a: {  	s8 =	sadd.s32 $0xFFFFE003, lr  }
0x1b: {  	s9 =	sadd.s32 $0xFFFFFEF7, lr;
	s5 =	simm.s32 $0xFFFFFFFF;
	p2 =	slt.u32 s8, $0xFFFFF086  }
0x1c: {  	p1 =	slt.u32 s9, $0xF7A;
	s5 =	simm.s32 @!p2 $0x0  }
0x1d: {  	s5 =	simm.s32 @p1 $0x1;
	p0 =	seq.s32 s7, s2  }
0x1e: {  	s7 =	smul.u32 @!p0 $0xF7A, s2;
	p2 =	seq.s32 @!p0 s5, $0x0  }
0x1f: {  	s9 =	smul.u32 $0xF7A, s1;
	s8 =	simm.s32 @!p0 $0x1BF5;
	p2 =	por !p2, p0  }
0x20: {  	[sflag:s8] =	ssyncset.s32 @!p0 $0xFFFFF086;
	s6 =	sadd.s32 @!p0 s3, s7;
	s7 =	simm.s32 @!p0 $0x108  }
0x21: {  	s3 =	sadd.s32 s3, s9;
	s6 =	sadd.s32 @!p0 $0x88, s6;
	s7 =	simm.s32 @p2 $0x1082  }
0x22: {  	[simem:s7], [sflag:s8] =	dma.local @!p0 [hbm:s6], $0xF7A  }
0x23: {  	s9 =	sor.u32 $0xD0000000, s2;
	s6 =	simm.s32 $0x108;
	_ =	swait.ge @!p0 [sflag:s8], $0x0  }
0x24: {  	s3 =	sadd.s32 $0x88, s3;
	s6 =	simm.s32 @!p1 $0x1082;
	[sflag:s4] =	ssyncset.s32 $0xFFFFF086  }
0x25: {  	[simem:s6], [sflag:s4] =	dma.local [hbm:s3], $0xF7A  }
0x26: {  	[smem:$0x3F9B] =	sst s1;
	(tag) =	ssettag s2;
	_ =	strace s9  }
0x27: {  	s1 =	sld [smem:$0x3FAB]  }
0x28: {  	s2 =	sld [smem:$0x3FAC]  }
0x29: {  	s4 =	sld [smem:$0x3FAE]  }
0x2a: {  	p0 =	seq.s32 s5, $0x0;
	s5 =	sld [smem:$0x3FAF]  }
0x2b: {  	s6 =	sld [smem:$0x3FB0]  }
0x2c: {  	s7 =	sld [smem:$0x3FB1]  }
0x2d: {  	s3 =	simm.s32 $0x108;
	s8 =	sld [smem:$0x3FB2]  }
0x2e: {  	s3 =	simm.s32 @!p0 $0x1082;
	s9 =	sld [smem:$0x3FB3]  }
0x2f: {  	lr =	sadd.s32 s0, s3;
	s0 =	sld [smem:$0x3FAA]  }
0x30: {  	s3 =	sld [smem:$0x3FAD]  }
0x31: {  	[smem:$0x3FB6] =	sst s10  }
0x32: {  	s10 =	sld [smem:$0x3FB4];
	_ =	sdelay $0x3  }
0x33: {  	p0 =	seq.s32 s10, $0x1;
	s10 =	sld [smem:$0x3FB6];
	_ =	sdelay $0x3  }
0x34: {  	[smem:$0x3FB6] =	sst s10  }
0x35: {  	s10 =	sld [smem:$0x3FB5];
	_ =	sdelay $0x3  }
0x36: {  	p1 =	seq.s32 s10, $0x1;
	s10 =	sld [smem:$0x3FB6];
	_ =	sdelay $0x3  }
0x37: {  	[smem:$0x3FB6] =	sst s10  }
0x38: {  	s10 =	sld [smem:$0x3FB7]  }
0x39: {  	_ = 	snop;
	(pc) =	sbr.ind lr, $3  }
0x3a: {  	_ = 	snop  }
0x3b: {  	_ = 	snop  }
0x3c: {  	p2 =	seq.s32 s10, $0x1;
	s10 =	sld [smem:$0x3FB6]  }
0x3d: {  	_ =	shalt  }
0x3e: {  	_ =	shalt  }
0x3f: {  	_ =	shalt  }
0x40: {  	_ =	shalt  }
0x41: {  	_ =	shalt  }
0x42: {  	_ =	shalt  }
0x43: {  	_ =	shalt  }
0x44: {  	_ =	shalt  }
0x45: {  	_ =	shalt  }
0x46: {  	_ =	shalt  }
0x47: {  	_ =	shalt  }
0x48: {  	_ =	shalt  }
0x49: {  	_ =	shalt  }
0x4a: {  	_ =	shalt  }
0x4b: {  	_ =	shalt  }
0x4c: {  	_ =	shalt  }
0x4d: {  	_ =	shalt  }
0x4e: {  	_ =	shalt  }
0x4f: {  	_ =	shalt  }
0x50: {  	_ =	shalt  }
0x51: {  	_ =	shalt  }
0x52: {  	_ =	shalt  }
0x53: {  	_ =	shalt  }
0x54: {  	_ =	shalt  }
0x55: {  	_ =	shalt  }
0x56: {  	_ =	shalt  }
0x57: {  	_ =	shalt  }
0x58: {  	_ =	shalt  }
0x59: {  	_ =	shalt  }
0x5a: {  	_ =	shalt  }
0x5b: {  	_ =	shalt  }
0x5c: {  	_ =	shalt  }
0x5d: {  	_ =	shalt  }
0x5e: {  	_ =	shalt  }
0x5f: {  	_ =	shalt  }
0x60: {  	_ =	shalt  }
0x61: {  	_ =	shalt  }
0x62: {  	_ =	shalt  }
0x63: {  	_ =	shalt  }
0x64: {  	_ =	shalt  }
0x65: {  	_ =	shalt  }
0x66: {  	_ =	shalt  }
0x67: {  	_ =	shalt  }
0x68: {  	_ =	shalt  }
0x69: {  	_ =	shalt  }
0x6a: {  	_ =	shalt  }
0x6b: {  	_ =	shalt  }
0x6c: {  	_ =	shalt  }
0x6d: {  	_ =	shalt  }
0x6e: {  	_ =	shalt  }
0x6f: {  	_ =	shalt  }
0x70: {  	_ =	shalt  }
0x71: {  	_ =	shalt  }
0x72: {  	_ =	shalt  }
0x73: {  	_ =	shalt  }
0x74: {  	_ =	shalt  }
0x75: {  	_ =	shalt  }
0x76: {  	_ =	shalt  }
0x77: {  	_ =	shalt  }
0x78: {  	_ =	shalt  }
0x79: {  	_ =	shalt  }
0x7a: {  	_ =	shalt  }
0x7b: {  	_ =	shalt  }
0x7c: {  	_ =	shalt  }
0x7d: {  	_ =	shalt  }
0x7e: {  	_ =	shalt  }
0x7f: {  	_ =	shalt  }
0x80: {  	_ =	shalt  }
0x81: {  	_ =	shalt  }
0x82: {  	_ =	shalt  }
0x83: {  	_ =	shalt  }
0x84: {  	_ =	shalt  }
0x85: {  	_ =	shalt  }
0x86: {  	_ =	shalt  }
0x87: {  	_ =	shalt  }
.Lfunc_end0:
.L_simem_size_0:
called_computation.1_lowered:
.L_overlay_start_0:
0x88: {  	s2 =	sld [smem:$0x3FD9]  }
0x89: {  	s3 =	sld [smem:$0x3FFE];
	_ =	sdelay $0x1  }
0x8a: {  	s1 =	srdreg.scid  }
0x8b: {  	s0 =	sand.u32 $0x1, s1  }
0x8c: {  	s17 =	sshll.u32 s0, $0xA;
	s2 =	sadd.s32 s3, s2  }
0x8d: {  	s2 =	sadd.s32 s2, s17  }
0x8e: {  	[smem:$0x3FC2] =	sst s2  }
0x8f: {  	_ = 	snop  }
0x90: {  	s2 =	sld [smem:$0x3FD0];
	(tm) =	ssettm $0x1  }
0x91: {  	s18 =	sld [smem:$0x3FFB];
	_ =	sdelay $0x3  }
0x92: {  	_ =	strace s18  }
0x93: {  	s3 =	sld [smem:$0x3FFC];
	_ =	sdelay $0x3  }
0x94: {  	_ =	strace s3  }
0x95: {  	s3 =	sld [smem:$0x3FFD];
	_ =	sdelay $0x3  }
0x96: {  	_ =	strace s3  }
0x97: {  	_ =	strace $0x8FFFFFFF  }
0x98: {  	s19 =	sld [smem:$0x3FDB];
	_ =	sdelay $0x1  }
0x99: {  	s4 =	simm.s32 $_scs_section_size  }
0x9a: {  	s5 =	simm.s32 $_size__tile_overlayer_lowered;
	s6 =	simm.s32 $_tile_overlayer_lowered  }
0x9b: {  	s22 =	simm.s32 $0x1BFF;
	s21 =	sshll.u32 s6, $0x1;
	s3 =	sadd.s32 s4, s19  }
0x9c: {  	s7 =	simm.s32 $0x0;
	s20 =	sshll.u32 s5, $0x1;
	s5 =	sadd.s32 s21, s3  }
0x9d: {  	[timem:s7], [sflag:s22] =	dma.local [hbm:s5], s20  }
0x9e: {  	_ =	swait.ge [sflag:s22], s20  }
0x9f: {  	s4 =	ssub.s32 $0x0, s20;
	[sflag:s22] =	ssyncset.done $0x0  }
0xa0: {  	[sflag:s22] =	ssyncadd.s32 s4;
	_ =	sdelay $0x1  }
0xa1: {  	s23 =	simm.s32 $0x1B8B  }
0xa2: {  	_ =	swait.ge [sflag:s23], $0x1  }
0xa3: {  	[sflag:s23] =	ssyncset.done $0x0  }
0xa4: {  	s25 =	simm.s32 $0x1B8E;
	s24 =	sld [smem:$0x3FFE];
	[sflag:s23] =	ssyncadd.s32 $0xFFFFFFFF  }
0xa5: {  	s26 =	simm.s32 $execute0_lowered;
	[smem:$0x3FD2] =	sst s25  }
0xa6: {  	s5 =	sshll.u32 s26, $0x1;
	_ =	strace $0x80000049;
	[dreg:$0x1] =	wrdreg $0xFFFFFFFF  }
0xa7: {  	s28 =	simm.s32 $_size_execute0_lowered;
	s3 =	sadd.s32 s3, s5;
	[dreg:$0x0] =	wrdreg $0x0  }
0xa8: {  	s5 =	sshll.u32 s28, $0x1;
	[dreg:$0x2] =	wrdreg s3  }
0xa9: {  	[dreg:$0x3] =	wrdreg s5  }
0xaa: {  	[dreg:$0x4] =	wrdreg $0xC0  }
0xab: {  	_ =	task [dreg:s7], $0x5FFFF  }
0xac: {  	[dreg:$0x1] =	wrdreg $0xFFFFFFFF  }
0xad: {  	[dreg:$0x0] =	wrdreg $0x60  }
0xae: {  	[dreg:$0x2] =	wrdreg s24  }
0xaf: {  	[dreg:$0x3] =	wrdreg s2  }
0xb0: {  	[dreg:$0x4] =	wrdreg $0x69800  }
0xb1: {  	[dreg:$0x5] =	wrdreg $0x9  }
0xb2: {  	_ =	task.clear_ibuf [dreg:s7], $0x6FFFF;
	_ =	strace $0x90000049  }
0xb3: {  	s29 =	simm.s32 $0x9;
	_ =	strace $0x8000004B  }
0xb4: {  	_ =	swait.ge [sflag:s29], $0x1  }
0xb5: {  	[sflag:s29] =	ssyncadd.s32 $0xFFFFFFFF  }
0xb6: {  	_ =	strace $0x9000004B  }
0xb7: {  	_ =	sfence  }
0xb8: {  	s30 =	sld [smem:$0x0];
	_ =	sdelay $0x2  }
0xb9: {  	s31 =	sshll.u32 s1, $0xD;
	s1 =	sshrl.u32 s1, $0x2  }
0xba: {  	s3 =	sand.u32 $0x4000, s31;
	s1 =	sadd.s32 s1, s30  }
0xbb: {  	s0 =	sor.u32 s3, s0;
	s1 =	sshll.u32 s1, $0x11  }
0xbc: {  	s0 =	sor.u32 s1, s0  }
0xbd: {  	s0 =	sadd.s32 $0x8F2B, s0  }
0xbe: {  	[sflag:s0] =	ssyncadd.remote.s32 $0x1  }
0xbf: {  	_ =	sfence.sel $0xFFFF  }
0xc0: {  	[dreg:$0x0] =	wrdreg $0xFFFFFFFF;
	(pc) =	sbr.abs _section_cstart, $3  }
0xc1: {  	[dreg:$0x1] =	wrdreg $0xFFFFFFFF  }
0xc2: {  	_ =	task.clear_ibuf [dreg:s7], $0x2FFFF;
	_ =	strace $0x9FFFFFFF  }
0xc3: {  	(tm) =	ssettm $0x7FFFFFFF  }
tec
execute0_lowered:
.L_overlay_start_1:
0x0: {  	(tag) =	ssettag $0x1  }
0x1: {  	s8 =	rddreg [dreg:$0x0]  }
0x2: {  	s2 =	rddreg [dreg:$0x1]  }
0x3: {  	s0 =	srdreg.scid;
	s3 =	rddreg [dreg:$0x2]  }
0x4: {  	s4 =	simm.s32 $0x0;
	s9 =	sand.u32 $0x1, s0;
	s0 =	stileid.u32  }
0x5: {  	[smem:$0x7FF] =	sst s4;
	s7 =	sadd.s32 $0x34200, s8;
	s12 =	sadd.s32 $0x48200, s8  }
0x6: {  	s1 =	sshll.u32 s9, $0x4;
	s6 =	sshll.u32 s0, $0x7;
	s16 =	smul.u32 $0x280, s0  }
0x7: {  	_ =	strace $0x8000004A;
	s30 =	ssub.s32 $0x2, s9;
	s25 =	smul.u32 $0x14000, s0  }
0x8: {  	s13 =	sor.u32 s0, s1;
	s11 =	sand.u32 $0x380, s6;
	s6 =	sadd.s32 $0x1600, s8  }
0x9: {  	s31 =	sshrl.u32 s30, $0x1;
	s1 =	smul.u32 $0x140000, s9;
	s5 =	sshrl.u32 s13, $0x3  }
0xa: {  	s15 =	ssub.s32 s30, s31;
	s18 =	sor.u32 $0x10, s16;
	s19 =	sor.u32 $0x20, s16  }
0xb: {  	s20 =	sor.u32 $0x30, s16;
	s21 =	sadd.s32 $0x80, s16;
	s22 =	sadd.s32 $0x100, s16  }
0xc: {  	s17 =	sadd.s32 $0x200, s16;
	s31 =	sor.u32 $0x50, s16;
	s13 =	smul.u32 $0x2800, s13  }
0xd: {  	s10 =	smul.u32 $0x14000, s5;
	s5 =	sadd.s32 $0xB600, s8;
	s9 =	sadd.s32 s25, s1  }
0xe: {  	v39 =	vlaneseq.u32;
	s26 =	sshll.u32 s21, $0x7;
	s23 =	sshll.u32 s22, $0x7;
	s25 =	sshll.u32 s17, $0x7  }
0xf: {  	v1 =	vor.u32 s19, v39;
	s19 =	sadd.s32 $0x90, s16;
	v4 =	vor.u32 s31, v39;
	s31 =	sadd.s32 $0xD0, s16;
	v7 =	vor.u32 s21, v39;
	s21 =	sadd.s32 $0xF0, s16  }
0x10: {  	v2 =	vor.u32 s20, v39;
	s20 =	sadd.s32 $0x130, s16;
	v15 =	vor.u32 s22, v39;
	s22 =	sadd.s32 $0x190, s16;
	s15 =	smax.u32 s15, $0x1  }
0x11: {  	v0 =	vor.u32 s18, v39;
	v32 =	vor.u32 s17, v39;
	s17 =	simm.s32 $0x100;
	s18 =	simm.s32 $0x180;
	s23 =	sadd.s32 s1, s23  }
0x12: {  	s25 =	sadd.s32 s1, s25;
	s28 =	sshrl.u32 s9, $0x3;
	v8 =	vor.u32 s19, v39;
	s19 =	sadd.s32 $0x120, s16  }
0x13: {  	v12 =	vor.u32 s31, v39;
	s31 =	sadd.s32 $0x160, s16;
	v18 =	vor.u32 s20, v39;
	s20 =	sadd.s32 $0x1D0, s16;
	v24 =	vor.u32 s22, v39;
	s22 =	sadd.s32 $0x230, s16  }
0x14: {  	v14 =	vor.u32 s21, v39;
	s21 =	simm.s32 $0x1;
	s10 =	sor.u32 s11, s10;
	s11 =	sadd.s32 $0x180, s16  }
0x15: {  	s30 =	sshrl.u32 s23, $0x3;
	v17 =	vor.u32 s19, v39;
	s19 =	sadd.s32 $0x1C0, s16;
	v21 =	vor.u32 s31, v39;
	s31 =	sadd.s32 $0x1F0, s16  }
0x16: {  	v28 =	vor.u32 s20, v39;
	v35 =	vor.u32 s22, v39;
	s20 =	simm.s32 $0x4180;
	s22 =	simm.s32 $0x400;
	s10 =	sshrl.u32 s10, $0x3  }
0x17: {  	s24 =	sshll.u32 s11, $0x7;
	v27 =	vor.u32 s19, v39;
	v30 =	vor.u32 s31, v39;
	s31 =	sadd.s32 $0x270, s16;
	s19 =	simm.s32 $0x2  }
0x18: {  	s14 =	sadd.s32 s10, s8;
	s10 =	sadd.s32 s1, s26;
	s24 =	sadd.s32 s1, s24  }
0x19: {  	s26 =	sor.u32 $0x40, s16;
	s8 =	sadd.s32 s12, s28;
	s28 =	sor.u32 $0x60, s16  }
0x1a: {  	s1 =	sor.u32 $0x70, s16;
	s29 =	sshrl.u32 s10, $0x3;
	s10 =	sadd.s32 s12, s30  }
0x1b: {  	v40 =	vimm.f32 $0.0e+00;
	v31 =	vor.u32 s16, v39;
	s23 =	sshrl.u32 s24, $0x3;
	s24 =	sshrl.u32 s25, $0x3;
	s25 =	sadd.s32 $0xB0, s16  }
0x1c: {  	v23 =	vor.u32 s11, v39;
	v3 =	vor.u32 s26, v39;
	s26 =	sadd.s32 $0xC0, s16;
	v6 =	vor.u32 s1, v39;
	s1 =	sadd.s32 $0xE0, s16;
	s30 =	sadd.s32 $0x110, s16  }
0x1d: {  	v5 =	vor.u32 s28, v39;
	s28 =	sadd.s32 $0x1B0, s16;
	s14 =	sadd.s32 $0x3E200, s14;
	s9 =	sadd.s32 s12, s29;
	v10 =	vor.u32 s25, v39;
	v11 =	vor.u32 s26, v39  }
0x1e: {  	s29 =	sadd.s32 $0xA0, s16;
	v13 =	vor.u32 s1, v39;
	s26 =	sadd.s32 $0x150, s16;
	s1 =	sadd.s32 $0x170, s16;
	v16 =	vor.u32 s30, v39;
	v26 =	vor.u32 s28, v39  }
0x1f: {  	s30 =	sadd.s32 $0x1A0, s16;
	s25 =	sadd.s32 $0x210, s16;
	s28 =	sadd.s32 $0x260, s16;
	v9 =	vor.u32 s29, v39;
	v20 =	vor.u32 s26, v39;
	v22 =	vor.u32 s1, v39  }
0x20: {  	s29 =	sadd.s32 $0x140, s16;
	s26 =	sadd.s32 $0x220, s16;
	v25 =	vor.u32 s30, v39;
	s1 =	sadd.s32 $0x240, s16;
	v33 =	vor.u32 s25, v39;
	v38 =	vor.u32 s28, v39  }
0x21: {  	s11 =	sadd.s32 s12, s23;
	s30 =	sadd.s32 $0x250, s16;
	v19 =	vor.u32 s29, v39;
	s29 =	sadd.s32 $0x1E0, s16;
	v34 =	vor.u32 s26, v39;
	v36 =	vor.u32 s1, v39  }
0x22: {  	s12 =	sadd.s32 s12, s24;
	s23 =	simm.s32 $0x0;
	s16 =	simm.s32 $0x80;
	v37 =	vor.u32 s30, v39;
	v29 =	vor.u32 s29, v39;
	v39 =	vor.u32 s31, v39  }
.LBB2_1:
0x23: {  	s24 =	simm.s32 $0x0;
	s25 =	simm.s32 $0x200  }
.LBB2_2:
0x24: {  	p0 =	sne.s32 s25, $0xFE00;
	[tilespmem:s24+$0x1F0] =	vst v40  }
0x25: {  	[tilespmem:s24+$0x180] =	vst v40  }
0x26: {  	[tilespmem:s24+$0x190] =	vst v40  }
.Ltmp0:
0x27: {  	[tilespmem:s24+$0x1A0] =	vst v40;
	(pc) =	sbr.rel @p0 .LBB2_2-.Ltmp0, $4  }
0x28: {  	[tilespmem:s24+$0x1B0] =	vst v40  }
0x29: {  	[tilespmem:s24+$0x1C0] =	vst v40  }
0x2a: {  	[tilespmem:s24+$0x1D0] =	vst v40  }
0x2b: {  	[tilespmem:s24+$0x1E0] =	vst v40;
	s24 =	sshra.s32 s25, $0x2;
	s25 =	sadd.s32 $0x200, s25  }
0x2c: {  	[tilespmem:s24+$0x1F0] =	vst v40  }
0x2d: {  	[tilespmem:s24+$0x180] =	vst v40  }
0x2e: {  	[tilespmem:s24+$0x190] =	vst v40  }
0x2f: {  	[tilespmem:s24+$0x1A0] =	vst v40  }
0x30: {  	[tilespmem:s24+$0x1B0] =	vst v40  }
0x31: {  	[tilespmem:s24+$0x1C0] =	vst v40  }
0x32: {  	[tilespmem:s24+$0x1D0] =	vst v40  }
0x33: {  	[tilespmem:s24+$0x1E0] =	vst v40;
	s24 =	simm.s32 $0x40;
	s25 =	simm.s32 $0x0  }
.LBB2_4:
0x34: {  	p0 =	sne.s32 s24, $0x9FC0;
	[tilespmem:s25+$0x4180] =	vst v40;
	s25 =	smov.u32 s24;
	s24 =	sadd.s32 $0x40, s24  }
.Ltmp1:
0x35: {  	(pc) =	sbr.rel @p0 .LBB2_4-.Ltmp1, $2  }
0x36: {  	_ =	sdelay $0x2  }
0x37: {  	s25 =	sshra.s32 s25, $0x2  }
0x38: {  	[tilespmem:s25+$0x4180] =	vst v40  }
0x39: {  	[tilespmem:$0x100] =	vst v31  }
0x3a: {  	[tilespmem:$0x110] =	vst v0  }
0x3b: {  	[tilespmem:$0x120] =	vst v1  }
0x3c: {  	[tilespmem:$0x130] =	vst v2  }
0x3d: {  	[tilespmem:$0x140] =	vst v3  }
0x3e: {  	[tilespmem:$0x150] =	vst v4  }
0x3f: {  	[tilespmem:$0x160] =	vst v5  }
0x40: {  	[tilespmem:$0x170] =	vst v6  }
0x41: {  	[spmem:s3] =	stream.indirect.scatter [tilespmem:s18], [sflag:$0x2], $0x80, s17, s16, $0xb8;
	[tilespmem:$0x1A980] =	vst v63  }
0x42: {  	_ =	swait.ge [sflag:s19], $0x4000  }
0x43: {  	[sflag:s19] =	ssyncset.done $0x0  }
0x44: {  	[sflag:s19] =	ssyncadd.s32 $0xFFFFC000  }
0x45: {  	[tilespmem:$0x100] =	vst v7  }
0x46: {  	[tilespmem:$0x110] =	vst v8  }
0x47: {  	[tilespmem:$0x120] =	vst v9  }
0x48: {  	[tilespmem:$0x130] =	vst v10  }
0x49: {  	[tilespmem:$0x140] =	vst v11  }
0x4a: {  	[tilespmem:$0x150] =	vst v12  }
0x4b: {  	[tilespmem:$0x160] =	vst v13  }
0x4c: {  	[tilespmem:$0x170] =	vst v14  }
0x4d: {  	[spmem:s3] =	stream.indirect.scatter [tilespmem:s18], [sflag:$0x2], $0x80, s17, s16, $0xb8;
	[tilespmem:$0x1A980] =	vst v63  }
0x4e: {  	_ =	swait.ge [sflag:s19], $0x4000  }
0x4f: {  	[sflag:s19] =	ssyncset.done $0x0  }
0x50: {  	[sflag:s19] =	ssyncadd.s32 $0xFFFFC000  }
0x51: {  	[tilespmem:$0x100] =	vst v15  }
0x52: {  	[tilespmem:$0x110] =	vst v16  }
0x53: {  	[tilespmem:$0x120] =	vst v17  }
0x54: {  	[tilespmem:$0x130] =	vst v18  }
0x55: {  	[tilespmem:$0x140] =	vst v19  }
0x56: {  	[tilespmem:$0x150] =	vst v20  }
0x57: {  	[tilespmem:$0x160] =	vst v21  }
0x58: {  	[tilespmem:$0x170] =	vst v22  }
0x59: {  	[spmem:s3] =	stream.indirect.scatter [tilespmem:s18], [sflag:$0x2], $0x80, s17, s16, $0xb8;
	[tilespmem:$0x1A980] =	vst v63  }
0x5a: {  	_ =	swait.ge [sflag:s19], $0x4000  }
0x5b: {  	[sflag:s19] =	ssyncset.done $0x0  }
0x5c: {  	[sflag:s19] =	ssyncadd.s32 $0xFFFFC000  }
0x5d: {  	[tilespmem:$0x100] =	vst v23  }
0x5e: {  	[tilespmem:$0x110] =	vst v24  }
0x5f: {  	[tilespmem:$0x120] =	vst v25  }
0x60: {  	[tilespmem:$0x130] =	vst v26  }
0x61: {  	[tilespmem:$0x140] =	vst v27  }
0x62: {  	[tilespmem:$0x150] =	vst v28  }
0x63: {  	[tilespmem:$0x160] =	vst v29  }
0x64: {  	[tilespmem:$0x170] =	vst v30  }
0x65: {  	[spmem:s3] =	stream.indirect.scatter [tilespmem:s18], [sflag:$0x2], $0x80, s17, s16, $0xb8;
	[tilespmem:$0x1A980] =	vst v63  }
0x66: {  	_ =	swait.ge [sflag:s19], $0x4000  }
0x67: {  	[sflag:s19] =	ssyncset.done $0x0  }
0x68: {  	[sflag:s19] =	ssyncadd.s32 $0xFFFFC000  }
0x69: {  	[tilespmem:$0x100] =	vst v32  }
0x6a: {  	[tilespmem:$0x110] =	vst v33  }
0x6b: {  	[tilespmem:$0x120] =	vst v34  }
0x6c: {  	[tilespmem:$0x130] =	vst v35  }
0x6d: {  	[tilespmem:$0x140] =	vst v36  }
0x6e: {  	[tilespmem:$0x150] =	vst v37  }
0x6f: {  	[tilespmem:$0x160] =	vst v38  }
0x70: {  	[tilespmem:$0x170] =	vst v39  }
0x71: {  	[spmem:s3] =	stream.indirect.scatter [tilespmem:s18], [sflag:$0x2], $0x80, s17, s16, $0xb8;
	[tilespmem:$0x1A980] =	vst v63  }
0x72: {  	_ =	swait.ge [sflag:s19], $0x4000  }
0x73: {  	[sflag:s19] =	ssyncset.done $0x0  }
0x74: {  	[sflag:s19] =	ssyncadd.s32 $0xFFFFC000  }
0x75: {  	s24 =	simm.s32 $0x0;
	s25 =	simm.s32 $0x0;
	[bflag:$0x0] =	sbarrier.arrive $0xFFFF  }
.LBB2_6:
0x76: {  	s26 =	sshll.u32 s25, $0x7  }
0x77: {  	s28 =	sand.u32 $0x3C00, s26  }
0x78: {  	s26 =	sand.u32 $0x380, s26;
	s28 =	sadd.s32 s13, s28  }
0x79: {  	s26 =	sor.u32 s26, s28  }
0x7a: {  	s26 =	sshrl.u32 s26, $0x3  }
0x7b: {  	s28 =	sadd.s32 s2, s26  }
0x7c: {  	[tilespmem:s17], [sflag:$0x2] =	stream.linear.gather [hbm4b:s28+s24], $0x80, $0x38;
	[tilespmem:$0x1A980] =	vst v63  }
0x7d: {  	_ =	swait.ge [sflag:s19], $0x80  }
0x7e: {  	[sflag:s19] =	ssyncset.done $0x0  }
0x7f: {  	[sflag:s19] =	ssyncadd.s32 $0xFFFFFF80  }
0x80: {  	[tilespmem:s18], [sflag:$0x1] =	stream.indirect.gather [hbm4b:s5+s16], $0x80, s17, s16, $0xb8;
	[tilespmem:$0x1A980] =	vst v63  }
0x81: {  	s28 =	sadd.s32 s6, s26  }
0x82: {  	[tilespmem:s24], [sflag:$0x2] =	stream.linear.gather [hbm4b:s28+s24], $0x80, $0x38;
	[tilespmem:$0x1A980] =	vst v63  }
0x83: {  	_ =	swait.ge [sflag:s19], $0x80  }
0x84: {  	[sflag:s19] =	ssyncset.done $0x0  }
0x85: {  	s26 =	sadd.s32 s7, s26;
	[sflag:s19] =	ssyncadd.s32 $0xFFFFFF80  }
0x86: {  	[tilespmem:s16], [sflag:$0x2] =	stream.linear.gather [hbm4b:s26+s24], $0x80, $0x38;
	[tilespmem:$0x1A980] =	vst v63  }
0x87: {  	_ =	swait.ge [sflag:s19], $0x80  }
0x88: {  	[sflag:s19] =	ssyncset.done $0x0  }
0x89: {  	[sflag:s19] =	ssyncadd.s32 $0xFFFFFF80  }
0x8a: {  	v41 =	vld [tilespmem:$0x0];
	_ =	sdelay $0x2  }
0x8b: {  	v42 =	vld [tilespmem:$0x80];
	_ =	sdelay $0x4  }
0x8c: {  	[tilespmem:v41+s20+$0x0] =	vst.idx.add.f32.msk $0xffff, v42  }
0x8d: {  	v41 =	vld [tilespmem:$0x10];
	_ =	sdelay $0x2  }
0x8e: {  	v42 =	vld [tilespmem:$0x90];
	_ =	sdelay $0x4  }
0x8f: {  	[tilespmem:v41+s20+$0x0] =	vst.idx.add.f32.msk $0xffff, v42  }
0x90: {  	v41 =	vld [tilespmem:$0x20];
	_ =	sdelay $0x2  }
0x91: {  	v42 =	vld [tilespmem:$0xA0];
	_ =	sdelay $0x4  }
0x92: {  	[tilespmem:v41+s20+$0x0] =	vst.idx.add.f32.msk $0xffff, v42  }
0x93: {  	v41 =	vld [tilespmem:$0x30];
	_ =	sdelay $0x2  }
0x94: {  	v42 =	vld [tilespmem:$0xB0];
	_ =	sdelay $0x4  }
0x95: {  	[tilespmem:v41+s20+$0x0] =	vst.idx.add.f32.msk $0xffff, v42  }
0x96: {  	v41 =	vld [tilespmem:$0x40];
	_ =	sdelay $0x2  }
0x97: {  	v42 =	vld [tilespmem:$0xC0];
	_ =	sdelay $0x4  }
0x98: {  	[tilespmem:v41+s20+$0x0] =	vst.idx.add.f32.msk $0xffff, v42  }
0x99: {  	v41 =	vld [tilespmem:$0x50];
	_ =	sdelay $0x2  }
0x9a: {  	v42 =	vld [tilespmem:$0xD0];
	_ =	sdelay $0x4  }
0x9b: {  	[tilespmem:v41+s20+$0x0] =	vst.idx.add.f32.msk $0xffff, v42  }
0x9c: {  	v41 =	vld [tilespmem:$0x60];
	_ =	sdelay $0x2  }
0x9d: {  	v42 =	vld [tilespmem:$0xE0];
	_ =	sdelay $0x4  }
0x9e: {  	[tilespmem:v41+s20+$0x0] =	vst.idx.add.f32.msk $0xffff, v42  }
0x9f: {  	v41 =	vld [tilespmem:$0x70];
	_ =	sdelay $0x2  }
0xa0: {  	v42 =	vld [tilespmem:$0xF0];
	_ =	sdelay $0x1  }
0xa1: {  	v43 =	vmov s24  }
0xa2: {  	v43 =	vand.u32 $0xFFFFFFFC, v43  }
0xa3: {  	v43 =	vbroadcast v43, $0x0  }
0xa4: {  	[tilespmem:v41+s20+$0x0] =	vst.idx.add.f32.msk $0xffff, v42  }
0xa5: {  	_ =	swait.ge [sflag:s21], $0x4000  }
0xa6: {  	[sflag:s21] =	ssyncset.done $0x0  }
0xa7: {  	s26 =	simm.s32 $0x280;
	[sflag:s21] =	ssyncadd.s32 $0xFFFFC000  }
0xa8: {  	v58 =	vld [tilespmem:s26+$0xFFFFFF70]  }
0xa9: {  	v59 =	vld.idx.msk [tilespmem:v43+s16+$0x0], $0xffff  }
0xaa: {  	v60 =	vld [tilespmem:s26+$0xFFFFFF00]  }
0xab: {  	v44 =	vld [tilespmem:s26+$0xFFFFFF20]  }
0xac: {  	v45 =	vld [tilespmem:s26+$0xFFFFFF50]  }
0xad: {  	v46 =	vld [tilespmem:s26+$0xFFFFFF40]  }
0xae: {  	v47 =	vld [tilespmem:s26+$0xFFFFFF60];
	v41 =	vmul.f32 v58, v59  }
0xaf: {  	s28 =	simm.s32 $0x1;
	v48 =	vld [tilespmem:s26+$0xFFFFFF30];
	v43 =	vmul.f32 v60, v59  }
0xb0: {  	v61 =	vmov s28;
	v49 =	vld [tilespmem:s26+$0xFFFFFF10];
	v44 =	vmul.f32 v44, v59;
	[tilespmem:s26+$0xFFFFFF70] =	vst v41  }
0xb1: {  	v45 =	vmul.f32 v45, v59;
	[tilespmem:s26+$0xFFFFFF00] =	vst v43;
	v41 =	vand.u32 $0xFFFFFFFD, v61  }
0xb2: {  	v62 =	vmul.f32 v46, v59;
	[tilespmem:s26+$0xFFFFFF20] =	vst v44;
	v41 =	vbroadcast v41, $0x0  }
0xb3: {  	v63 =	vmul.f32 v47, v59;
	[tilespmem:s26+$0xFFFFFF50] =	vst v45  }
0xb4: {  	v50 =	vmul.f32 v48, v59;
	[tilespmem:s26+$0xFFFFFF40] =	vst v62  }
0xb5: {  	v42 =	vmul.f32 v49, v59;
	[tilespmem:s26+$0xFFFFFF60] =	vst v63  }
0xb6: {  	[tilespmem:s26+$0xFFFFFF30] =	vst v50  }
0xb7: {  	v51 =	vld [tilespmem:s26+$0xFFFFFF90];
	[tilespmem:s26+$0xFFFFFF10] =	vst v42  }
0xb8: {  	v43 =	vld.idx.msk [tilespmem:v41+s16+$0x0], $0xffff  }
0xb9: {  	v52 =	vld [tilespmem:s26+$0xFFFFFFA0]  }
0xba: {  	v53 =	vld [tilespmem:s26+$0xFFFFFF80]  }
0xbb: {  	v54 =	vld [tilespmem:s26+$0xFFFFFFB0]  }
0xbc: {  	v55 =	vld [tilespmem:s26+$0xFFFFFFC0]  }
0xbd: {  	v56 =	vld [tilespmem:s26+$0xFFFFFFD0];
	v42 =	vmul.f32 v51, v43  }
0xbe: {  	s28 =	simm.s32 $0x2;
	v57 =	vld [tilespmem:s26+$0xFFFFFFF0];
	v41 =	vmul.f32 v52, v43  }
0xbf: {  	v58 =	vld [tilespmem:s26+$0xFFFFFFE0];
	v59 =	vmov s28;
	v44 =	vmul.f32 v53, v43;
	[tilespmem:s26+$0xFFFFFF90] =	vst v42  }
0xc0: {  	v60 =	vand.u32 $0xFFFFFFFE, v59;
	v45 =	vmul.f32 v54, v43;
	[tilespmem:s26+$0xFFFFFFA0] =	vst v41  }
0xc1: {  	v46 =	vld [tilespmem:s26+$0x60];
	v50 =	vbroadcast v60, $0x0;
	v61 =	vmul.f32 v55, v43;
	[tilespmem:s26+$0xFFFFFF80] =	vst v44  }
0xc2: {  	v47 =	vld [tilespmem:s26+$0x0];
	v62 =	vmul.f32 v56, v43;
	[tilespmem:s26+$0xFFFFFFB0] =	vst v45  }
0xc3: {  	v63 =	vmul.f32 v57, v43;
	v41 =	vld [tilespmem:s26+$0x20];
	[tilespmem:s26+$0xFFFFFFC0] =	vst v61  }
0xc4: {  	v43 =	vmul.f32 v58, v43;
	v42 =	vld [tilespmem:s26+$0x30];
	[tilespmem:s26+$0xFFFFFFD0] =	vst v62  }
0xc5: {  	[tilespmem:s26+$0xFFFFFFF0] =	vst v63;
	v44 =	vld [tilespmem:s26+$0x40]  }
0xc6: {  	[tilespmem:s26+$0xFFFFFFE0] =	vst v43;
	v45 =	vld [tilespmem:s26+$0x10]  }
0xc7: {  	s29 =	simm.s32 $0x4;
	s30 =	simm.s32 $0x280;
	s28 =	simm.s32 $0x0;
	v43 =	vld.idx.msk [tilespmem:v50+s16+$0x0], $0xffff  }
.LBB2_7:
0xc8: {  	p0 =	sne.s32 s29, $0x7C  }
0xc9: {  	v48 =	vld [tilespmem:s26+$0x50];
	s30 =	sadd.s32 $0x200, s30;
	s31 =	smov.u32 s29;
	s29 =	sadd.s32 $0x4, s29  }
0xca: {  	v49 =	vld [tilespmem:s26+$0x70];
	_ =	sdelay $0x1  }
0xcb: {  	v46 =	vmul.f32 v46, v43;
	v47 =	vmul.f32 v47, v43  }
0xcc: {  	v44 =	vmul.f32 v44, v43;
	v45 =	vmul.f32 v45, v43  }
0xcd: {  	v41 =	vmul.f32 v41, v43;
	v42 =	vmul.f32 v42, v43;
	[tilespmem:s26+$0x60] =	vst v46  }
0xce: {  	[tilespmem:s26+$0x40] =	vst v44;
	v44 =	vmul.f32 v48, v43;
	v43 =	vmul.f32 v49, v43  }
0xcf: {  	s1 =	sadd.s32 $0x3, s28;
	s28 =	smov.u32 s31;
	[tilespmem:s26+$0x20] =	vst v41;
	v46 =	vld [tilespmem:s26+$0x80]  }
0xd0: {  	v41 =	vld [tilespmem:s30+$0x20];
	[tilespmem:s26+$0x0] =	vst v47;
	v47 =	vmov s1  }
0xd1: {  	[tilespmem:s26+$0x50] =	vst v44;
	v44 =	vld [tilespmem:s26+$0xE0]  }
0xd2: {  	[tilespmem:s26+$0x30] =	vst v42;
	v48 =	vld [tilespmem:s26+$0xC0]  }
0xd3: {  	v42 =	vld [tilespmem:s30+$0x30];
	[tilespmem:s26+$0x10] =	vst v45  }
0xd4: {  	[tilespmem:s26+$0x70] =	vst v43;
	v43 =	vld [tilespmem:s26+$0xA0]  }
0xd5: {  	v45 =	vld.idx.msk [tilespmem:v47+s16+$0x0], $0xffff  }
0xd6: {  	v47 =	vld [tilespmem:s26+$0x90]  }
0xd7: {  	v49 =	vld [tilespmem:s26+$0xB0]  }
0xd8: {  	v50 =	vld [tilespmem:s26+$0xD0]  }
0xd9: {  	v51 =	vld [tilespmem:s26+$0xF0];
	_ =	sdelay $0x1  }
0xda: {  	v46 =	vmul.f32 v46, v45;
	v47 =	vmul.f32 v47, v45  }
0xdb: {  	v43 =	vmul.f32 v43, v45;
	v49 =	vmul.f32 v49, v45  }
0xdc: {  	v52 =	vmov s28;
	[tilespmem:s26+$0x80] =	vst v46;
	v46 =	vmul.f32 v48, v45;
	v48 =	vmul.f32 v50, v45  }
0xdd: {  	v50 =	vand.u32 $0xFFFFFFFC, v52;
	[tilespmem:s26+$0xA0] =	vst v43;
	v43 =	vmul.f32 v44, v45;
	v44 =	vmul.f32 v51, v45  }
0xde: {  	v45 =	vbroadcast v50, $0x0;
	[tilespmem:s26+$0xC0] =	vst v46  }
0xdf: {  	[tilespmem:s26+$0xF0] =	vst v44  }
0xe0: {  	v44 =	vld [tilespmem:s30+$0xFFFFFF40];
	[tilespmem:s26+$0xE0] =	vst v43  }
0xe1: {  	v43 =	vld [tilespmem:s30+$0xFFFFFF50];
	[tilespmem:s26+$0x90] =	vst v47  }
0xe2: {  	v46 =	vld [tilespmem:s30+$0xFFFFFF60];
	[tilespmem:s26+$0xB0] =	vst v49  }
0xe3: {  	v47 =	vld [tilespmem:s30+$0xFFFFFF70];
	[tilespmem:s26+$0xD0] =	vst v48;
	s26 =	smov.u32 s30  }
0xe4: {  	v45 =	vld.idx.msk [tilespmem:v45+s16+$0x0], $0xffff  }
0xe5: {  	v48 =	vld [tilespmem:s30+$0xFFFFFF00]  }
0xe6: {  	v49 =	vld [tilespmem:s30+$0xFFFFFF20]  }
0xe7: {  	v50 =	vld [tilespmem:s30+$0xFFFFFF10]  }
0xe8: {  	v51 =	vld [tilespmem:s30+$0xFFFFFF30];
	_ =	sdelay $0x1  }
0xe9: {  	v47 =	vmul.f32 v47, v45;
	v48 =	vmul.f32 v48, v45  }
0xea: {  	s1 =	sadd.s32 $0x1, s28;
	v46 =	vmul.f32 v46, v45;
	v49 =	vmul.f32 v49, v45  }
0xeb: {  	v43 =	vmul.f32 v43, v45;
	v50 =	vmul.f32 v50, v45;
	[tilespmem:s30+$0xFFFFFF70] =	vst v47;
	v47 =	vmov s1  }
0xec: {  	v44 =	vmul.f32 v44, v45;
	[tilespmem:s30+$0xFFFFFF00] =	vst v48;
	v48 =	vmul.f32 v51, v45;
	v45 =	vand.u32 $0xFFFFFFFD, v47  }
0xed: {  	[tilespmem:s30+$0xFFFFFF20] =	vst v49;
	v45 =	vbroadcast v45, $0x0  }
0xee: {  	[tilespmem:s30+$0xFFFFFF50] =	vst v43  }
0xef: {  	[tilespmem:s30+$0xFFFFFF40] =	vst v44;
	v43 =	vld [tilespmem:s30+$0xFFFFFFF0]  }
0xf0: {  	[tilespmem:s30+$0xFFFFFF60] =	vst v46;
	v44 =	vld [tilespmem:s30+$0xFFFFFFC0]  }
0xf1: {  	[tilespmem:s30+$0xFFFFFF30] =	vst v48;
	v46 =	vld [tilespmem:s30+$0xFFFFFFD0]  }
0xf2: {  	[tilespmem:s30+$0xFFFFFF10] =	vst v50;
	v47 =	vld [tilespmem:s30+$0xFFFFFF90]  }
0xf3: {  	v45 =	vld.idx.msk [tilespmem:v45+s16+$0x0], $0xffff  }
0xf4: {  	v48 =	vld [tilespmem:s30+$0xFFFFFF80]  }
0xf5: {  	v49 =	vld [tilespmem:s30+$0xFFFFFFA0]  }
0xf6: {  	v50 =	vld [tilespmem:s30+$0xFFFFFFB0]  }
0xf7: {  	v51 =	vld [tilespmem:s30+$0xFFFFFFE0];
	_ =	sdelay $0x1  }
0xf8: {  	v47 =	vmul.f32 v47, v45;
	v48 =	vmul.f32 v48, v45  }
0xf9: {  	s1 =	sadd.s32 $0x2, s28;
	v46 =	vmul.f32 v46, v45;
	v49 =	vmul.f32 v49, v45  }
0xfa: {  	v44 =	vmul.f32 v44, v45;
	[tilespmem:s30+$0xFFFFFF90] =	vst v47;
	v47 =	vmul.f32 v50, v45;
	v50 =	vmov s1  }
0xfb: {  	v43 =	vmul.f32 v43, v45;
	[tilespmem:s30+$0xFFFFFFA0] =	vst v49;
	v49 =	vmul.f32 v51, v45;
	v45 =	vand.u32 $0xFFFFFFFE, v50  }
0xfc: {  	[tilespmem:s30+$0xFFFFFF80] =	vst v48;
	v45 =	vbroadcast v45, $0x0  }
0xfd: {  	[tilespmem:s30+$0xFFFFFFB0] =	vst v47  }
0xfe: {  	[tilespmem:s30+$0xFFFFFFC0] =	vst v44  }
0xff: {  	[tilespmem:s30+$0xFFFFFFD0] =	vst v46  }
.Ltmp2:
0x100: {  	[tilespmem:s30+$0xFFFFFFF0] =	vst v43;
	v44 =	vld [tilespmem:s30+$0x40];
	(pc) =	sbr.rel @p0 .LBB2_7-.Ltmp2, $4  }
0x101: {  	[tilespmem:s30+$0xFFFFFFE0] =	vst v49;
	v46 =	vld [tilespmem:s30+$0x60]  }
0x102: {  	v43 =	vld.idx.msk [tilespmem:v45+s16+$0x0], $0xffff  }
0x103: {  	v47 =	vld [tilespmem:s30+$0x0]  }
0x104: {  	v45 =	vld [tilespmem:s30+$0x10]  }
0x105: {  	_ =	sdelay $0x1  }
0x106: {  	v46 =	vmul.f32 v46, v43  }
0x107: {  	v48 =	vld [tilespmem:s26+$0x50];
	v44 =	vmul.f32 v44, v43  }
0x108: {  	v49 =	vld [tilespmem:s26+$0x70];
	v41 =	vmul.f32 v41, v43;
	[tilespmem:s26+$0x60] =	vst v46  }
0x109: {  	v63 =	vmul.f32 v42, v43;
	[tilespmem:s26+$0x40] =	vst v44  }
0x10a: {  	s1 =	sadd.s32 $0x3, s28;
	v61 =	vmul.f32 v47, v43;
	[tilespmem:s26+$0x20] =	vst v41  }
0x10b: {  	v50 =	vmov s1;
	v45 =	vmul.f32 v45, v43;
	[tilespmem:s26+$0x30] =	vst v63  }
0x10c: {  	v62 =	vmul.f32 v48, v43;
	[tilespmem:s26+$0x0] =	vst v61  }
0x10d: {  	v51 =	vmul.f32 v49, v43;
	[tilespmem:s26+$0x10] =	vst v45  }
0x10e: {  	[tilespmem:s26+$0x50] =	vst v62  }
0x10f: {  	v48 =	vld [tilespmem:s26+$0x80];
	[tilespmem:s26+$0x70] =	vst v51  }
0x110: {  	v41 =	vld.idx.msk [tilespmem:v50+s16+$0x0], $0xffff  }
0x111: {  	v52 =	vld [tilespmem:s26+$0xA0]  }
0x112: {  	v53 =	vld [tilespmem:s26+$0xC0]  }
0x113: {  	v54 =	vld [tilespmem:s26+$0xF0]  }
0x114: {  	v55 =	vld [tilespmem:s26+$0xE0]  }
0x115: {  	v56 =	vld [tilespmem:s26+$0x90];
	v42 =	vmul.f32 v48, v41  }
0x116: {  	v57 =	vld [tilespmem:s26+$0xB0];
	v43 =	vmul.f32 v52, v41  }
0x117: {  	v58 =	vld [tilespmem:s26+$0xD0];
	v59 =	vmul.f32 v53, v41;
	[tilespmem:s26+$0x80] =	vst v42  }
0x118: {  	v60 =	vmul.f32 v54, v41;
	[tilespmem:s26+$0xA0] =	vst v43  }
0x119: {  	v61 =	vmul.f32 v55, v41;
	[tilespmem:s26+$0xC0] =	vst v59  }
0x11a: {  	v62 =	vmul.f32 v56, v41;
	[tilespmem:s26+$0xF0] =	vst v60  }
0x11b: {  	v63 =	vmul.f32 v57, v41;
	[tilespmem:s26+$0xE0] =	vst v61  }
0x11c: {  	s25 =	sadd.s32 $0x1, s25;
	v41 =	vmul.f32 v58, v41;
	[tilespmem:s26+$0x90] =	vst v62  }
0x11d: {  	p0 =	sne.s32 s25, $0x4F;
	[tilespmem:s26+$0xB0] =	vst v63  }
.Ltmp3:
0x11e: {  	[tilespmem:s26+$0xD0] =	vst v41;
	(pc) =	sbr.rel @p0 .LBB2_6-.Ltmp3, $4  }
0x11f: {  	[spmem:s3] =	stream.indirect.scatter.add.f32 [tilespmem:s18], [sflag:$0x2], $0x80, s4, s16, $0xb8;
	[tilespmem:$0x1A980] =	vst v63  }
0x120: {  	_ =	swait.ge [sflag:s19], $0x4000  }
0x121: {  	[sflag:s19] =	ssyncset.done $0x0  }
0x122: {  	[sflag:s19] =	ssyncadd.s32 $0xFFFFC000  }
0x123: {  	[bflag:$0x0] =	sbarrier.arrive $0xFFFF  }
0x124: {  	[tilespmem:$0x100] =	vst v31  }
0x125: {  	[tilespmem:$0x110] =	vst v0  }
0x126: {  	[tilespmem:$0x120] =	vst v1  }
0x127: {  	[tilespmem:$0x130] =	vst v2  }
0x128: {  	[tilespmem:$0x140] =	vst v3  }
0x129: {  	[tilespmem:$0x150] =	vst v4  }
0x12a: {  	[tilespmem:$0x160] =	vst v5  }
0x12b: {  	[tilespmem:$0x170] =	vst v6  }
0x12c: {  	[tilespmem:s18], [sflag:$0x2] =	stream.indirect.gather [spmem:s3], $0x80, s17, s16, $0xb8;
	[tilespmem:$0x1A980] =	vst v63  }
0x12d: {  	_ =	swait.ge [sflag:s19], $0x4000  }
0x12e: {  	[sflag:s19] =	ssyncset.done $0x0  }
0x12f: {  	[sflag:s19] =	ssyncadd.s32 $0xFFFFC000  }
0x130: {  	[hbm4b:s8+s4] =	stream.linear.scatter [tilespmem:s18], [sflag:$0x2], $0x4000, $0x38;
	[tilespmem:$0x1A980] =	vst v63  }
0x131: {  	_ =	swait.ge [sflag:s19], $0x4000  }
0x132: {  	[sflag:s19] =	ssyncset.done $0x0  }
0x133: {  	[sflag:s19] =	ssyncadd.s32 $0xFFFFC000  }
0x134: {  	[tilespmem:$0x100] =	vst v7  }
0x135: {  	[tilespmem:$0x110] =	vst v8  }
0x136: {  	[tilespmem:$0x120] =	vst v9  }
0x137: {  	[tilespmem:$0x130] =	vst v10  }
0x138: {  	[tilespmem:$0x140] =	vst v11  }
0x139: {  	[tilespmem:$0x150] =	vst v12  }
0x13a: {  	[tilespmem:$0x160] =	vst v13  }
0x13b: {  	[tilespmem:$0x170] =	vst v14  }
0x13c: {  	[tilespmem:s18], [sflag:$0x2] =	stream.indirect.gather [spmem:s3], $0x80, s17, s16, $0xb8;
	[tilespmem:$0x1A980] =	vst v63  }
0x13d: {  	_ =	swait.ge [sflag:s19], $0x4000  }
0x13e: {  	[sflag:s19] =	ssyncset.done $0x0  }
0x13f: {  	[sflag:s19] =	ssyncadd.s32 $0xFFFFC000  }
0x140: {  	[hbm4b:s9+s4] =	stream.linear.scatter [tilespmem:s18], [sflag:$0x2], $0x4000, $0x38;
	[tilespmem:$0x1A980] =	vst v63  }
0x141: {  	_ =	swait.ge [sflag:s19], $0x4000  }
0x142: {  	[sflag:s19] =	ssyncset.done $0x0  }
0x143: {  	[sflag:s19] =	ssyncadd.s32 $0xFFFFC000  }
0x144: {  	[tilespmem:$0x100] =	vst v15  }
0x145: {  	[tilespmem:$0x110] =	vst v16  }
0x146: {  	[tilespmem:$0x120] =	vst v17  }
0x147: {  	[tilespmem:$0x130] =	vst v18  }
0x148: {  	[tilespmem:$0x140] =	vst v19  }
0x149: {  	[tilespmem:$0x150] =	vst v20  }
0x14a: {  	[tilespmem:$0x160] =	vst v21  }
0x14b: {  	[tilespmem:$0x170] =	vst v22  }
0x14c: {  	[tilespmem:s18], [sflag:$0x2] =	stream.indirect.gather [spmem:s3], $0x80, s17, s16, $0xb8;
	[tilespmem:$0x1A980] =	vst v63  }
0x14d: {  	_ =	swait.ge [sflag:s19], $0x4000  }
0x14e: {  	[sflag:s19] =	ssyncset.done $0x0  }
0x14f: {  	[sflag:s19] =	ssyncadd.s32 $0xFFFFC000  }
0x150: {  	[hbm4b:s10+s4] =	stream.linear.scatter [tilespmem:s18], [sflag:$0x2], $0x4000, $0x38;
	[tilespmem:$0x1A980] =	vst v63  }
0x151: {  	_ =	swait.ge [sflag:s19], $0x4000  }
0x152: {  	[sflag:s19] =	ssyncset.done $0x0  }
0x153: {  	[sflag:s19] =	ssyncadd.s32 $0xFFFFC000  }
0x154: {  	[tilespmem:$0x100] =	vst v23  }
0x155: {  	[tilespmem:$0x110] =	vst v24  }
0x156: {  	[tilespmem:$0x120] =	vst v25  }
0x157: {  	[tilespmem:$0x130] =	vst v26  }
0x158: {  	[tilespmem:$0x140] =	vst v27  }
0x159: {  	[tilespmem:$0x150] =	vst v28  }
0x15a: {  	[tilespmem:$0x160] =	vst v29  }
0x15b: {  	[tilespmem:$0x170] =	vst v30  }
0x15c: {  	[tilespmem:s18], [sflag:$0x2] =	stream.indirect.gather [spmem:s3], $0x80, s17, s16, $0xb8;
	[tilespmem:$0x1A980] =	vst v63  }
0x15d: {  	_ =	swait.ge [sflag:s19], $0x4000  }
0x15e: {  	[sflag:s19] =	ssyncset.done $0x0  }
0x15f: {  	[sflag:s19] =	ssyncadd.s32 $0xFFFFC000  }
0x160: {  	[hbm4b:s11+s4] =	stream.linear.scatter [tilespmem:s18], [sflag:$0x2], $0x4000, $0x38;
	[tilespmem:$0x1A980] =	vst v63  }
0x161: {  	_ =	swait.ge [sflag:s19], $0x4000  }
0x162: {  	[sflag:s19] =	ssyncset.done $0x0  }
0x163: {  	[sflag:s19] =	ssyncadd.s32 $0xFFFFC000  }
0x164: {  	[tilespmem:$0x100] =	vst v32  }
0x165: {  	[tilespmem:$0x110] =	vst v33  }
0x166: {  	[tilespmem:$0x120] =	vst v34  }
0x167: {  	[tilespmem:$0x130] =	vst v35  }
0x168: {  	[tilespmem:$0x140] =	vst v36  }
0x169: {  	[tilespmem:$0x150] =	vst v37  }
0x16a: {  	[tilespmem:$0x160] =	vst v38  }
0x16b: {  	[tilespmem:$0x170] =	vst v39  }
0x16c: {  	[tilespmem:s18], [sflag:$0x2] =	stream.indirect.gather [spmem:s3], $0x80, s17, s16, $0xb8;
	[tilespmem:$0x1A980] =	vst v63  }
0x16d: {  	_ =	swait.ge [sflag:s19], $0x4000  }
0x16e: {  	[sflag:s19] =	ssyncset.done $0x0  }
0x16f: {  	[sflag:s19] =	ssyncadd.s32 $0xFFFFC000  }
0x170: {  	[hbm4b:s12+s4] =	stream.linear.scatter [tilespmem:s18], [sflag:$0x2], $0x4000, $0x38;
	[tilespmem:$0x1A980] =	vst v63  }
0x171: {  	s23 =	sadd.s32 $0x1, s23;
	_ =	swait.ge [sflag:s19], $0x4000  }
0x172: {  	p0 =	sne.s32 s23, s15;
	[sflag:s19] =	ssyncset.done $0x0  }
.Ltmp4:
0x173: {  	[sflag:s19] =	ssyncadd.s32 $0xFFFFC000;
	(pc) =	sbr.rel @p0 .LBB2_1-.Ltmp4, $4  }
0x174: {  	[hbm4b:s14+s16] =	stream.strided.scatter [tilespmem:s20], [sflag:$0x2], $0x2800, s22, s16, $0x38;
	[tilespmem:$0x1A980] =	vst v63  }
0x175: {  	_ =	swait.ge [sflag:s19], $0x2800  }
0x176: {  	[sflag:s19] =	ssyncset.done $0x0  }
0x177: {  	[sflag:s19] =	ssyncadd.s32 $0xFFFFD800  }
0x178: {  	_ =	sfence.sel $0x180000  }
0x179: {  	[bflag:$0x0] =	sbarrier.arrive $0xFFFF  }
0x17a: {  	_ =	strace $0x9000004A  }
0x17b: {  	[bflag:$0x2] =	sbarrier.arrive $0xFFFF  }
0x17c: {  	p0 =	sne.s32 s0, $0x0;
	s0 =	rddreg [dreg:$0x3]  }
0x17d: {  	s0 =	sadd.s32 @!p0 $0x100000, s0  }
0x17e: {  	[sflag:s0] =	ssyncadd.tile.s32 @!p0 $0x1;
	_ =	shalt  }
.Lfunc_end2:
_tile_overlayer_lowered:
.L_overlay_start_2:
0x17f: {  	(tag) =	ssettag $0x2  }
0x180: {  	s0 =	rddreg [dreg:$0x0];
	s2 =	stileid.u32  }
0x181: {  	s1 =	rddreg [dreg:$0x1];
	p0 =	sne.s32 s2, $0x0  }
0x182: {  	s3 =	rddreg [dreg:$0x2];
	[bflag:$0x3] =	sbarrier.arrive $0xFFFF;
	s2 =	simm.s32 @!p0 $0x1C02  }
0x183: {  	[timem:s3], [sflag:s2] =	dma.local @!p0 [hbm:s0], s1  }
0x184: {  	s0 =	simm.s32 @!p0 $0x2  }
0x185: {  	_ =	swait.ge @!p0 [sflag:s0], s1  }
0x186: {  	s1 =	ssub.s32 @!p0 $0x0, s1;
	[sflag:s0] =	ssyncset.done @!p0 $0x0  }
0x187: {  	[sflag:s0] =	ssyncadd.s32 @!p0 s1  }
0x188: {  	[bflag:$0x3] =	sbarrier.arrive $0xFFFF  }
0x189: {  	_ =	shalt  }

</sc_bundles>
